<compile_context>
chip_gen: v7x
topology: tpu7x:2x2x1
jax: 0.10.2.dev20260603
libtpu: 0.0.44.dev20260713+nightly
codegen_flags: <defaults>
</compile_context>

<pallas_src>
import functools

import jax
import jax.numpy as jnp
from jax import lax
from jax.experimental import pallas as pl
from jax.experimental.pallas import tpu as pltpu

_NMS_THRESHOLD = 0.5
_SCORE_THRESHOLD = 0.05
_MAX_DETECTIONS = 300

_NP = 1024
_LN = 256
_NCHUNK = 8


def _nms_body(n_valid, x1_ref, y1_ref, x2_ref, y2_ref, valid_ref, out_ref,
              sx1, sy1, sx2, sy2, sarea, svalid, sri, skeep):
    sx1[...] = jnp.transpose(x1_ref[...], (1, 0))
    sy1[...] = jnp.transpose(y1_ref[...], (1, 0))
    sx2[...] = jnp.transpose(x2_ref[...], (1, 0))
    sy2[...] = jnp.transpose(y2_ref[...], (1, 0))
    svalid[...] = jnp.transpose(valid_ref[...], (1, 0))
    sarea[...] = (sx2[...] - sx1[...]) * (sy2[...] - sy1[...])
    sri[...] = lax.broadcasted_iota(jnp.int32, (_NP, _LN), 0)
    skeep[...] = jnp.ones((_NP, _LN), jnp.float32)

    sub_iota = lax.broadcasted_iota(jnp.int32, (8, _LN), 0)

    def extract(ref, base8, mask):
        tile = ref[pl.ds(base8, 8)]
        return jnp.max(jnp.where(mask, tile, -3.4e38), axis=0, keepdims=True)

    for c in range(_NCHUNK):
        lo = (_NP // _NCHUNK) * c
        hi = min((_NP // _NCHUNK) * (c + 1), n_valid)
        r0 = (_NP // _NCHUNK) * c
        slab = pl.ds(r0, _NP - r0)

        def body(i, _, slab=slab):
            base8 = pl.multiple_of((i // 8) * 8, 8)
            mask = sub_iota == (i % 8)
            x1t = extract(sx1, base8, mask)
            y1t = extract(sy1, base8, mask)
            x2t = extract(sx2, base8, mask)
            y2t = extract(sy2, base8, mask)
            vt = extract(svalid, base8, mask)
            kt = extract(skeep, base8, mask)
            actb = (kt * vt) > 0.5
            areat = (x2t - x1t) * (y2t - y1t)

            x1 = sx1[slab]
            y1 = sy1[slab]
            x2 = sx2[slab]
            y2 = sy2[slab]
            area = sarea[slab]
            ri = sri[slab]
            iw = jnp.maximum(jnp.minimum(x2t, x2) - jnp.maximum(x1t, x1), 0.0)
            ih = jnp.maximum(jnp.minimum(y2t, y2) - jnp.maximum(y1t, y1), 0.0)
            inter = iw * ih
            supb = (3.0 * inter > areat + area) & (ri > i) & actb
            skeep[slab] = jnp.where(supb, 0.0, skeep[slab])
            return 0

        if lo < hi:
            lax.fori_loop(lo, hi, body, 0)

    out_ref[...] = jnp.transpose(skeep[...] * svalid[...], (1, 0))


def kernel(boxes, classification, relationship):
    B, N, C = classification.shape

    scores_t = jnp.transpose(classification, (0, 2, 1))
    order = jnp.argsort(-scores_t, axis=-1)
    ss = jnp.take_along_axis(scores_t, order, axis=-1)

    def coord(k):
        return jnp.take_along_axis(
            jnp.broadcast_to(boxes[:, None, :, k], (B, C, N)), order, axis=-1)

    pad = [(0, 0), (0, 128 - C), (0, _NP - N)]

    def to_ln(a):
        return jnp.pad(a, pad).reshape(_LN, _NP)

    validf = (ss > _SCORE_THRESHOLD).astype(jnp.float32)

    scratch = pltpu.VMEM((_NP, _LN), jnp.float32)
    keepf = pl.pallas_call(
        functools.partial(_nms_body, N),
        out_shape=jax.ShapeDtypeStruct((_LN, _NP), jnp.float32),
        scratch_shapes=[scratch] * 6 + [pltpu.VMEM((_NP, _LN), jnp.int32),
                                        scratch],
    )(to_ln(coord(0)), to_ln(coord(1)), to_ln(coord(2)), to_ln(coord(3)),
      to_ln(validf))

    keepf = keepf.reshape(B, 128, _NP)[:, :C, :]

    keep = keepf > 0.5
    rank = jnp.cumsum(keep.astype(jnp.int32), axis=-1) - 1
    keep = keep & (rank < _MAX_DETECTIONS)
    npad = [(0, 0), (0, 0), (0, _NP - N)]
    kept = jnp.where(keep, jnp.pad(ss, npad, constant_values=-1e9), -1e9)

    flat = kept.reshape(B, C * _NP)
    iot = jnp.broadcast_to(jnp.arange(C * _NP, dtype=jnp.int32), flat.shape)
    neg_sorted, idx_sorted = lax.sort((-flat, iot), num_keys=1)
    top_scores = -neg_sorted[:, :_MAX_DETECTIONS]
    flat_idx = idx_sorted[:, :_MAX_DETECTIONS]
    label = flat_idx // _NP
    order_p = jnp.pad(order, npad).reshape(B, C * _NP)
    box_idx = jnp.take_along_axis(order_p, flat_idx, axis=-1)

    valid = top_scores > -1e8
    boxes_out = jnp.where(
        valid[..., None], jnp.take_along_axis(boxes, box_idx[..., None], axis=1), -1.0
    )
    scores_out = jnp.where(valid, top_scores, -1.0)
    labels_out = jnp.where(valid, label, -1).astype(jnp.int32)
    pred = jnp.take_along_axis(relationship, box_idx[..., None], axis=1)
    predicate_labels = jnp.where(valid, jnp.argmax(pred, axis=-1), -1).astype(jnp.int32)
    predicate_scores = jnp.where(valid, jnp.max(pred, axis=-1), -1.0)
    return boxes_out, scores_out, labels_out, predicate_scores, predicate_labels

# --- scband reference (transcript-rebuilt; emitter-appended) ---
"""Pipeline reference for scband-filter-detections-17463337026045 (READ-ONLY COPY).

The authoritative reference and input builder live on the scoring server;
editing this copy changes nothing except your own understanding.
"""

import jax, jax.numpy as jnp
import numpy as np
from jax import lax

NMS_THRESHOLD = 0.5
SCORE_THRESHOLD = 0.05
MAX_DETECTIONS = 300


def setup_inputs(seed: int = 0) -> dict:
    key = jax.random.key(seed)
    k1, k2, k3, k4 = jax.random.split(key, 4)
    B, N, C, P = 2, 1000, 80, 50
    xy = jax.random.uniform(k1, (B, N, 2), dtype=jnp.float32) * 448.0
    wh = jax.random.uniform(k2, (B, N, 2), dtype=jnp.float32) * 64.0 + 1.0
    boxes = jnp.concatenate([xy, xy + wh], axis=-1)  # (x1, y1, x2, y2), well-formed
    classification = jax.random.uniform(k3, (B, N, C), dtype=jnp.float32)
    relationship = jax.random.uniform(k4, (B, N, P), dtype=jnp.float32)
    return {"boxes": boxes, "classification": classification, "relationship": relationship}


def _iou_matrix(b):
    x1, y1, x2, y2 = b[:, 0], b[:, 1], b[:, 2], b[:, 3]
    area = (x2 - x1) * (y2 - y1)
    ix1 = jnp.maximum(x1[:, None], x1[None, :])
    iy1 = jnp.maximum(y1[:, None], y1[None, :])
    ix2 = jnp.minimum(x2[:, None], x2[None, :])
    iy2 = jnp.minimum(y2[:, None], y2[None, :])
    iw = jnp.clip(ix2 - ix1, 0.0)
    ih = jnp.clip(iy2 - iy1, 0.0)
    inter = iw * ih
    union = area[:, None] + area[None, :] - inter
    return inter / jnp.maximum(union, 1e-8)


def _nms_keep_mask(iou, order, valid_sorted):
    # Greedy NMS in score-sorted order; fixed-shape equivalent of tf.image.non_max_suppression
    N = order.shape[0]
    idx = jnp.arange(N)

    def body(i, keep):
        oi = order[i]
        row = iou[oi][order]  # IoU of box i (sorted order) vs all (sorted order)
        sup = (row > NMS_THRESHOLD) & (idx > i) & keep[i] & valid_sorted[i]
        return keep & (~sup)

    keep = lax.fori_loop(0, N, body, jnp.ones((N,), dtype=bool))
    keep = keep & valid_sorted
    rank = jnp.cumsum(keep.astype(jnp.int32)) - 1
    keep = keep & (rank < MAX_DETECTIONS)  # max_output_size of NMS
    return keep


def _class_scores(scores, iou):
    # Per-class: score-threshold pre-filter + NMS; returns per-box kept score (or -1e9)
    order = jnp.argsort(-scores)
    ss = scores[order]
    valid_sorted = ss > SCORE_THRESHOLD
    keep = _nms_keep_mask(iou, order, valid_sorted)
    kept_sorted = jnp.where(keep, ss, -1e9)
    out = jnp.zeros_like(scores).at[order].set(kept_sorted)
    return out


def _filter_image(boxes, classification, relationship):
    N, C = classification.shape
    iou = _iou_matrix(boxes)
    # class-specific filter: NMS per class, then union of candidates
    S = jax.vmap(lambda s: _class_scores(s, iou))(classification.T)  # [C, N]
    flat = S.reshape(-1)
    top_scores, flat_idx = lax.top_k(flat, MAX_DETECTIONS)
    label = flat_idx // N
    box_idx = flat_idx % N
    valid = top_scores > -1e8
    boxes_out = jnp.where(valid[:, None], boxes[box_idx], -1.0)
    scores_out = jnp.where(valid, top_scores, -1.0)
    labels_out = jnp.where(valid, label, -1).astype(jnp.int32)
    pred = relationship[box_idx]  # [MAX_DETECTIONS, P]
    predicate_labels = jnp.where(valid, jnp.argmax(pred, axis=1), -1).astype(jnp.int32)
    predicate_scores = jnp.where(valid, jnp.max(pred, axis=1), -1.0)
    return boxes_out, scores_out, labels_out, predicate_scores, predicate_labels


def reference(boxes, classification, relationship):
    # batch dimension handled like tf.map_fn
    return jax.vmap(_filter_image)(boxes, classification, relationship)

if __name__ == "__main__":
    import jax
    _d = setup_inputs()
    print(jax.jit(kernel)(*tuple(_d.values())))

</pallas_src>

<mosaic_0001>
module attributes {stable_mosaic.version = 14 : i64} {
  func.func @_nms_body(%arg0: memref<256x1024xf32, #tpu.memory_space<vmem>>, %arg1: memref<256x1024xf32, #tpu.memory_space<vmem>>, %arg2: memref<256x1024xf32, #tpu.memory_space<vmem>>, %arg3: memref<256x1024xf32, #tpu.memory_space<vmem>>, %arg4: memref<256x1024xf32, #tpu.memory_space<vmem>>, %arg5: memref<256x1024xf32, #tpu.memory_space<vmem>>, %arg6: memref<1024x256xf32, #tpu.memory_space<vmem>>, %arg7: memref<1024x256xf32, #tpu.memory_space<vmem>>, %arg8: memref<1024x256xf32, #tpu.memory_space<vmem>>, %arg9: memref<1024x256xf32, #tpu.memory_space<vmem>>, %arg10: memref<1024x256xf32, #tpu.memory_space<vmem>>, %arg11: memref<1024x256xf32, #tpu.memory_space<vmem>>, %arg12: memref<1024x256xi32, #tpu.memory_space<vmem>>, %arg13: memref<1024x256xf32, #tpu.memory_space<vmem>>) attributes {dimension_semantics = [], scalar_prefetch = 0 : i64, scratch_operands = 8 : i64, tpu.core_type = #tpu.core_type<tc>} {
    %get3A = arith.constant 0 : index
    %get3A_0 = arith.constant 0 : index
    %get3A_1 = vector.load %arg0[%get3A, %get3A_0] : memref<256x1024xf32, #tpu.memory_space<vmem>>, vector<256x1024xf32>
    %transpose3A = tpu.transpose %get3A_1, [1, 0] : vector<256x1024xf32> -> vector<1024x256xf32>
    %swap3A = arith.constant 0 : index
    %swap3A_2 = arith.constant 0 : index
    %swap3A_3 = vector.load %arg6[%swap3A, %swap3A_2] : memref<1024x256xf32, #tpu.memory_space<vmem>>, vector<1024x256xf32>
    tpu.vector_store %arg6[%swap3A, %swap3A_2], %transpose3A {strides = array<i32>} : memref<1024x256xf32, #tpu.memory_space<vmem>>, vector<1024x256xf32>,
    %get3A_4 = arith.constant 0 : index
    %get3A_5 = arith.constant 0 : index
    %get3A_6 = vector.load %arg1[%get3A_4, %get3A_5] : memref<256x1024xf32, #tpu.memory_space<vmem>>, vector<256x1024xf32>
    %transpose3A_7 = tpu.transpose %get3A_6, [1, 0] : vector<256x1024xf32> -> vector<1024x256xf32>
    %swap3A_8 = arith.constant 0 : index
    %swap3A_9 = arith.constant 0 : index
    %swap3A_10 = vector.load %arg7[%swap3A_8, %swap3A_9] : memref<1024x256xf32, #tpu.memory_space<vmem>>, vector<1024x256xf32>
    tpu.vector_store %arg7[%swap3A_8, %swap3A_9], %transpose3A_7 {strides = array<i32>} : memref<1024x256xf32, #tpu.memory_space<vmem>>, vector<1024x256xf32>,
    %get3A_11 = arith.constant 0 : index
    %get3A_12 = arith.constant 0 : index
    %get3A_13 = vector.load %arg2[%get3A_11, %get3A_12] : memref<256x1024xf32, #tpu.memory_space<vmem>>, vector<256x1024xf32>
    %transpose3A_14 = tpu.transpose %get3A_13, [1, 0] : vector<256x1024xf32> -> vector<1024x256xf32>
    %swap3A_15 = arith.constant 0 : index
    %swap3A_16 = arith.constant 0 : index
    %swap3A_17 = vector.load %arg8[%swap3A_15, %swap3A_16] : memref<1024x256xf32, #tpu.memory_space<vmem>>, vector<1024x256xf32>
    tpu.vector_store %arg8[%swap3A_15, %swap3A_16], %transpose3A_14 {strides = array<i32>} : memref<1024x256xf32, #tpu.memory_space<vmem>>, vector<1024x256xf32>,
    %get3A_18 = arith.constant 0 : index
    %get3A_19 = arith.constant 0 : index
    %get3A_20 = vector.load %arg3[%get3A_18, %get3A_19] : memref<256x1024xf32, #tpu.memory_space<vmem>>, vector<256x1024xf32>
    %transpose3A_21 = tpu.transpose %get3A_20, [1, 0] : vector<256x1024xf32> -> vector<1024x256xf32>
    %swap3A_22 = arith.constant 0 : index
    %swap3A_23 = arith.constant 0 : index
    %swap3A_24 = vector.load %arg9[%swap3A_22, %swap3A_23] : memref<1024x256xf32, #tpu.memory_space<vmem>>, vector<1024x256xf32>
    tpu.vector_store %arg9[%swap3A_22, %swap3A_23], %transpose3A_21 {strides = array<i32>} : memref<1024x256xf32, #tpu.memory_space<vmem>>, vector<1024x256xf32>,
    %get3A_25 = arith.constant 0 : index
    %get3A_26 = arith.constant 0 : index
    %get3A_27 = vector.load %arg4[%get3A_25, %get3A_26] : memref<256x1024xf32, #tpu.memory_space<vmem>>, vector<256x1024xf32>
    %transpose3A_28 = tpu.transpose %get3A_27, [1, 0] : vector<256x1024xf32> -> vector<1024x256xf32>
    %swap3A_29 = arith.constant 0 : index
    %swap3A_30 = arith.constant 0 : index
    %swap3A_31 = vector.load %arg11[%swap3A_29, %swap3A_30] : memref<1024x256xf32, #tpu.memory_space<vmem>>, vector<1024x256xf32>
    tpu.vector_store %arg11[%swap3A_29, %swap3A_30], %transpose3A_28 {strides = array<i32>} : memref<1024x256xf32, #tpu.memory_space<vmem>>, vector<1024x256xf32>,
    %get3A_32 = arith.constant 0 : index
    %get3A_33 = arith.constant 0 : index
    %get3A_34 = vector.load %arg8[%get3A_32, %get3A_33] : memref<1024x256xf32, #tpu.memory_space<vmem>>, vector<1024x256xf32>
    %get3A_35 = arith.constant 0 : index
    %get3A_36 = arith.constant 0 : index
    %get3A_37 = vector.load %arg6[%get3A_35, %get3A_36] : memref<1024x256xf32, #tpu.memory_space<vmem>>, vector<1024x256xf32>
    %sub3A = arith.subf %get3A_34, %get3A_37 : vector<1024x256xf32>
    %get3A_38 = arith.constant 0 : index
    %get3A_39 = arith.constant 0 : index
    %get3A_40 = vector.load %arg9[%get3A_38, %get3A_39] : memref<1024x256xf32, #tpu.memory_space<vmem>>, vector<1024x256xf32>
    %get3A_41 = arith.constant 0 : index
    %get3A_42 = arith.constant 0 : index
    %get3A_43 = vector.load %arg7[%get3A_41, %get3A_42] : memref<1024x256xf32, #tpu.memory_space<vmem>>, vector<1024x256xf32>
    %sub3A_44 = arith.subf %get3A_40, %get3A_43 : vector<1024x256xf32>
    %mul3A = arith.mulf %sub3A, %sub3A_44 : vector<1024x256xf32>
    %swap3A_45 = arith.constant 0 : index
    %swap3A_46 = arith.constant 0 : index
    %swap3A_47 = vector.load %arg10[%swap3A_45, %swap3A_46] : memref<1024x256xf32, #tpu.memory_space<vmem>>, vector<1024x256xf32>
    tpu.vector_store %arg10[%swap3A_45, %swap3A_46], %mul3A {strides = array<i32>} : memref<1024x256xf32, #tpu.memory_space<vmem>>, vector<1024x256xf32>,
    %iota3A = tpu.iota {dimensions = array<i32: 0>} : vector<1024x256xi32>
    %swap3A_48 = arith.constant 0 : index
    %swap3A_49 = arith.constant 0 : index
    %swap3A_50 = vector.load %arg12[%swap3A_48, %swap3A_49] : memref<1024x256xi32, #tpu.memory_space<vmem>>, vector<1024x256xi32>
    tpu.vector_store %arg12[%swap3A_48, %swap3A_49], %iota3A {strides = array<i32>} : memref<1024x256xi32, #tpu.memory_space<vmem>>, vector<1024x256xi32>,
    %broadcast_in_dim3A = arith.constant 1.000000e+00 : f32
    %broadcast_in_dim3A_51 = vector.broadcast %broadcast_in_dim3A : f32 to vector<1024x256xf32>
    %swap3A_52 = arith.constant 0 : index
    %swap3A_53 = arith.constant 0 : index
    %swap3A_54 = vector.load %arg13[%swap3A_52, %swap3A_53] : memref<1024x256xf32, #tpu.memory_space<vmem>>, vector<1024x256xf32>
    tpu.vector_store %arg13[%swap3A_52, %swap3A_53], %broadcast_in_dim3A_51 {strides = array<i32>} : memref<1024x256xf32, #tpu.memory_space<vmem>>, vector<1024x256xf32>,
    %iota3A_55 = tpu.iota {dimensions = array<i32: 0>} : vector<8x256xi32>
    %scan3A = arith.constant 0 : i32
    %scan3A_56 = arith.constant 128 : i32
    %scan3A_57 = arith.addi %scan3A, %scan3A_56 : i32
    %scan3A_58 = arith.constant 1 : i32
    scf.for %scan3A_106 = %scan3A to %scan3A_57 step %scan3A_58  : i32 {
      %jit3A = arith.constant 8 : i32
      %div3A = arith.divsi %scan3A_106, %jit3A : i32
      %sign3A = arith.constant 0 : i32
      %sign3A_107 = arith.cmpi sgt, %scan3A_106, %sign3A : i32
      %sign3A_108 = arith.extui %sign3A_107 : i1 to i32
      %sign3A_109 = arith.constant 0 : i32
      %sign3A_110 = arith.cmpi slt, %scan3A_106, %sign3A_109 : i32
      %sign3A_111 = arith.extui %sign3A_110 : i1 to i32
      %sign3A_112 = arith.subi %sign3A_108, %sign3A_111 : i32
      %sign3A_113 = arith.constant 0 : i32
      %sign3A_114 = arith.cmpi sgt, %jit3A, %sign3A_113 : i32
      %sign3A_115 = arith.extui %sign3A_114 : i1 to i32
      %sign3A_116 = arith.constant 0 : i32
      %sign3A_117 = arith.cmpi slt, %jit3A, %sign3A_116 : i32
      %sign3A_118 = arith.extui %sign3A_117 : i1 to i32
      %sign3A_119 = arith.subi %sign3A_115, %sign3A_118 : i32
      %ne3A = arith.cmpi ne, %sign3A_112, %sign3A_119 : i32
      %rem3A = arith.remsi %scan3A_106, %jit3A : i32
      %ne3A_120 = arith.constant 0 : i32
      %ne3A_121 = arith.cmpi ne, %rem3A, %ne3A_120 : i32
      %and3A = arith.andi %ne3A, %ne3A_121 : i1
      %sub3A_122 = arith.constant 1 : i32
      %sub3A_123 = arith.subi %div3A, %sub3A_122 : i32
      %select_n3A = arith.select %and3A, %sub3A_123, %div3A : i32
      %mul3A_124 = arith.constant 8 : i32
      %mul3A_125 = arith.muli %select_n3A, %mul3A_124 : i32
      %multiple_of3A = tpu.assume_multiple %mul3A_125, 8 : i32
      %jit3A_126 = arith.constant 8 : i32
      %eq3A = arith.constant 0 : i32
      %eq3A_127 = arith.cmpi eq, %jit3A_126, %eq3A : i32
      %jit3A_128 = arith.constant 1 : i32
      %select_n3A_129 = arith.select %eq3A_127, %jit3A_128, %jit3A_126 : i32
      %rem3A_130 = arith.remsi %scan3A_106, %select_n3A_129 : i32
      %ne3A_131 = arith.constant 0 : i32
      %ne3A_132 = arith.cmpi ne, %rem3A_130, %ne3A_131 : i32
      %lt3A = arith.constant 0 : i32
      %lt3A_133 = arith.cmpi slt, %rem3A_130, %lt3A : i32
      %lt3A_134 = arith.constant 0 : i32
      %lt3A_135 = arith.cmpi slt, %select_n3A_129, %lt3A_134 : i32
      %ne3A_136 = arith.xori %lt3A_133, %lt3A_135 : i1
      %and3A_137 = arith.andi %ne3A_136, %ne3A_132 : i1
      %add3A = arith.addi %rem3A_130, %select_n3A_129 : i32
      %select_n3A_138 = arith.select %and3A_137, %add3A, %rem3A_130 : i32
      %eq3A_139 = vector.broadcast %select_n3A_138 : i32 to vector<8x256xi32>
      %eq3A_140 = arith.cmpi eq, %iota3A_55, %eq3A_139 : vector<8x256xi32>
      %get3A_141 = arith.index_cast %multiple_of3A : i32 to index
      %get3A_142 = arith.constant 0 : index
      %get3A_143 = vector.load %arg6[%get3A_141, %get3A_142] : memref<1024x256xf32, #tpu.memory_space<vmem>>, vector<8x256xf32>
      %jit3A_144 = arith.constant -3.400000e+38 : f32
      %broadcast_in_dim3A_145 = vector.broadcast %jit3A_144 : f32 to vector<8x256xf32>
      %select_n3A_146 = arith.select %eq3A_140, %get3A_143, %broadcast_in_dim3A_145 : vector<8x256xi1>, vector<8x256xf32>
      %reduce_max3A = arith.constant dense<0xFF800000> : vector<256xf32>
      %reduce_max3A_147 = vector.multi_reduction <maximumf>, %select_n3A_146, %reduce_max3A [0] : vector<8x256xf32> to vector<256xf32>
      %broadcast_in_dim3A_148 = vector.shape_cast %reduce_max3A_147 : vector<256xf32> to vector<1x256xf32>
      %get3A_149 = arith.index_cast %multiple_of3A : i32 to index
      %get3A_150 = arith.constant 0 : index
      %get3A_151 = vector.load %arg7[%get3A_149, %get3A_150] : memref<1024x256xf32, #tpu.memory_space<vmem>>, vector<8x256xf32>
      %jit3A_152 = arith.constant -3.400000e+38 : f32
      %broadcast_in_dim3A_153 = vector.broadcast %jit3A_152 : f32 to vector<8x256xf32>
      %select_n3A_154 = arith.select %eq3A_140, %get3A_151, %broadcast_in_dim3A_153 : vector<8x256xi1>, vector<8x256xf32>
      %reduce_max3A_155 = arith.constant dense<0xFF800000> : vector<256xf32>
      %reduce_max3A_156 = vector.multi_reduction <maximumf>, %select_n3A_154, %reduce_max3A_155 [0] : vector<8x256xf32> to vector<256xf32>
      %broadcast_in_dim3A_157 = vector.shape_cast %reduce_max3A_156 : vector<256xf32> to vector<1x256xf32>
      %get3A_158 = arith.index_cast %multiple_of3A : i32 to index
      %get3A_159 = arith.constant 0 : index
      %get3A_160 = vector.load %arg8[%get3A_158, %get3A_159] : memref<1024x256xf32, #tpu.memory_space<vmem>>, vector<8x256xf32>
      %jit3A_161 = arith.constant -3.400000e+38 : f32
      %broadcast_in_dim3A_162 = vector.broadcast %jit3A_161 : f32 to vector<8x256xf32>
      %select_n3A_163 = arith.select %eq3A_140, %get3A_160, %broadcast_in_dim3A_162 : vector<8x256xi1>, vector<8x256xf32>
      %reduce_max3A_164 = arith.constant dense<0xFF800000> : vector<256xf32>
      %reduce_max3A_165 = vector.multi_reduction <maximumf>, %select_n3A_163, %reduce_max3A_164 [0] : vector<8x256xf32> to vector<256xf32>
      %broadcast_in_dim3A_166 = vector.shape_cast %reduce_max3A_165 : vector<256xf32> to vector<1x256xf32>
      %get3A_167 = arith.index_cast %multiple_of3A : i32 to index
      %get3A_168 = arith.constant 0 : index
      %get3A_169 = vector.load %arg9[%get3A_167, %get3A_168] : memref<1024x256xf32, #tpu.memory_space<vmem>>, vector<8x256xf32>
      %jit3A_170 = arith.constant -3.400000e+38 : f32
      %broadcast_in_dim3A_171 = vector.broadcast %jit3A_170 : f32 to vector<8x256xf32>
      %select_n3A_172 = arith.select %eq3A_140, %get3A_169, %broadcast_in_dim3A_171 : vector<8x256xi1>, vector<8x256xf32>
      %reduce_max3A_173 = arith.constant dense<0xFF800000> : vector<256xf32>
      %reduce_max3A_174 = vector.multi_reduction <maximumf>, %select_n3A_172, %reduce_max3A_173 [0] : vector<8x256xf32> to vector<256xf32>
      %broadcast_in_dim3A_175 = vector.shape_cast %reduce_max3A_174 : vector<256xf32> to vector<1x256xf32>
      %get3A_176 = arith.index_cast %multiple_of3A : i32 to index
      %get3A_177 = arith.constant 0 : index
      %get3A_178 = vector.load %arg11[%get3A_176, %get3A_177] : memref<1024x256xf32, #tpu.memory_space<vmem>>, vector<8x256xf32>
      %jit3A_179 = arith.constant -3.400000e+38 : f32
      %broadcast_in_dim3A_180 = vector.broadcast %jit3A_179 : f32 to vector<8x256xf32>
      %select_n3A_181 = arith.select %eq3A_140, %get3A_178, %broadcast_in_dim3A_180 : vector<8x256xi1>, vector<8x256xf32>
      %reduce_max3A_182 = arith.constant dense<0xFF800000> : vector<256xf32>
      %reduce_max3A_183 = vector.multi_reduction <maximumf>, %select_n3A_181, %reduce_max3A_182 [0] : vector<8x256xf32> to vector<256xf32>
      %broadcast_in_dim3A_184 = vector.shape_cast %reduce_max3A_183 : vector<256xf32> to vector<1x256xf32>
      %get3A_185 = arith.index_cast %multiple_of3A : i32 to index
      %get3A_186 = arith.constant 0 : index
      %get3A_187 = vector.load %arg13[%get3A_185, %get3A_186] : memref<1024x256xf32, #tpu.memory_space<vmem>>, vector<8x256xf32>
      %jit3A_188 = arith.constant -3.400000e+38 : f32
      %broadcast_in_dim3A_189 = vector.broadcast %jit3A_188 : f32 to vector<8x256xf32>
      %select_n3A_190 = arith.select %eq3A_140, %get3A_187, %broadcast_in_dim3A_189 : vector<8x256xi1>, vector<8x256xf32>
      %reduce_max3A_191 = arith.constant dense<0xFF800000> : vector<256xf32>
      %reduce_max3A_192 = vector.multi_reduction <maximumf>, %select_n3A_190, %reduce_max3A_191 [0] : vector<8x256xf32> to vector<256xf32>
      %broadcast_in_dim3A_193 = vector.shape_cast %reduce_max3A_192 : vector<256xf32> to vector<1x256xf32>
      %mul3A_194 = arith.mulf %broadcast_in_dim3A_193, %broadcast_in_dim3A_184 : vector<1x256xf32>
      %gt3A = arith.constant 5.000000e-01 : f32
      %gt3A_195 = vector.broadcast %gt3A : f32 to vector<1x256xf32>
      %gt3A_196 = arith.cmpf ogt, %mul3A_194, %gt3A_195 : vector<1x256xf32>
      %sub3A_197 = arith.subf %broadcast_in_dim3A_166, %broadcast_in_dim3A_148 : vector<1x256xf32>
      %sub3A_198 = arith.subf %broadcast_in_dim3A_175, %broadcast_in_dim3A_157 : vector<1x256xf32>
      %mul3A_199 = arith.mulf %sub3A_197, %sub3A_198 : vector<1x256xf32>
      %get3A_200 = arith.constant 0 : index
      %get3A_201 = arith.constant 0 : index
      %get3A_202 = vector.load %arg6[%get3A_200, %get3A_201] : memref<1024x256xf32, #tpu.memory_space<vmem>>, vector<1024x256xf32>
      %get3A_203 = arith.constant 0 : index
      %get3A_204 = arith.constant 0 : index
      %get3A_205 = vector.load %arg7[%get3A_203, %get3A_204] : memref<1024x256xf32, #tpu.memory_space<vmem>>, vector<1024x256xf32>
      %get3A_206 = arith.constant 0 : index
      %get3A_207 = arith.constant 0 : index
      %get3A_208 = vector.load %arg8[%get3A_206, %get3A_207] : memref<1024x256xf32, #tpu.memory_space<vmem>>, vector<1024x256xf32>
      %get3A_209 = arith.constant 0 : index
      %get3A_210 = arith.constant 0 : index
      %get3A_211 = vector.load %arg9[%get3A_209, %get3A_210] : memref<1024x256xf32, #tpu.memory_space<vmem>>, vector<1024x256xf32>
      %get3A_212 = arith.constant 0 : index
      %get3A_213 = arith.constant 0 : index
      %get3A_214 = vector.load %arg10[%get3A_212, %get3A_213] : memref<1024x256xf32, #tpu.memory_space<vmem>>, vector<1024x256xf32>
      %get3A_215 = arith.constant 0 : index
      %get3A_216 = arith.constant 0 : index
      %get3A_217 = vector.load %arg12[%get3A_215, %get3A_216] : memref<1024x256xi32, #tpu.memory_space<vmem>>, vector<1024x256xi32>
      %min3A = vector.broadcast %broadcast_in_dim3A_166 : vector<1x256xf32> to vector<1024x256xf32>
      %min3A_218 = arith.minimumf %min3A, %get3A_208 : vector<1024x256xf32>
      %max3A = vector.broadcast %broadcast_in_dim3A_148 : vector<1x256xf32> to vector<1024x256xf32>
      %max3A_219 = arith.maximumf %max3A, %get3A_202 : vector<1024x256xf32>
      %sub3A_220 = arith.subf %min3A_218, %max3A_219 : vector<1024x256xf32>
      %max3A_221 = arith.constant 0.000000e+00 : f32
      %max3A_222 = vector.broadcast %max3A_221 : f32 to vector<1024x256xf32>
      %max3A_223 = arith.maximumf %sub3A_220, %max3A_222 : vector<1024x256xf32>
      %min3A_224 = vector.broadcast %broadcast_in_dim3A_175 : vector<1x256xf32> to vector<1024x256xf32>
      %min3A_225 = arith.minimumf %min3A_224, %get3A_211 : vector<1024x256xf32>
      %max3A_226 = vector.broadcast %broadcast_in_dim3A_157 : vector<1x256xf32> to vector<1024x256xf32>
      %max3A_227 = arith.maximumf %max3A_226, %get3A_205 : vector<1024x256xf32>
      %sub3A_228 = arith.subf %min3A_225, %max3A_227 : vector<1024x256xf32>
      %max3A_229 = arith.constant 0.000000e+00 : f32
      %max3A_230 = vector.broadcast %max3A_229 : f32 to vector<1024x256xf32>
      %max3A_231 = arith.maximumf %sub3A_228, %max3A_230 : vector<1024x256xf32>
      %mul3A_232 = arith.mulf %max3A_223, %max3A_231 : vector<1024x256xf32>
      %mul3A_233 = arith.constant 3.000000e+00 : f32
      %mul3A_234 = vector.broadcast %mul3A_233 : f32 to vector<1024x256xf32>
      %mul3A_235 = arith.mulf %mul3A_234, %mul3A_232 : vector<1024x256xf32>
      %add3A_236 = vector.broadcast %mul3A_199 : vector<1x256xf32> to vector<1024x256xf32>
      %add3A_237 = arith.addf %add3A_236, %get3A_214 : vector<1024x256xf32>
      %gt3A_238 = arith.cmpf ogt, %mul3A_235, %add3A_237 : vector<1024x256xf32>
      %gt3A_239 = vector.broadcast %scan3A_106 : i32 to vector<1024x256xi32>
      %gt3A_240 = arith.cmpi sgt, %get3A_217, %gt3A_239 : vector<1024x256xi32>
      %and3A_241 = arith.andi %gt3A_238, %gt3A_240 : vector<1024x256xi1>
      %and3A_242 = vector.broadcast %gt3A_196 : vector<1x256xi1> to vector<1024x256xi1>
      %and3A_243 = arith.andi %and3A_241, %and3A_242 : vector<1024x256xi1>
      %get3A_244 = arith.constant 0 : index
      %get3A_245 = arith.constant 0 : index
      %get3A_246 = vector.load %arg13[%get3A_244, %get3A_245] : memref<1024x256xf32, #tpu.memory_space<vmem>>, vector<1024x256xf32>
      %jit3A_247 = arith.constant 0.000000e+00 : f32
      %broadcast_in_dim3A_248 = vector.broadcast %jit3A_247 : f32 to vector<1024x256xf32>
      %select_n3A_249 = arith.select %and3A_243, %broadcast_in_dim3A_248, %get3A_246 : vector<1024x256xi1>, vector<1024x256xf32>
      %swap3A_250 = arith.constant 0 : index
      %swap3A_251 = arith.constant 0 : index
      %swap3A_252 = vector.load %arg13[%swap3A_250, %swap3A_251] : memref<1024x256xf32, #tpu.memory_space<vmem>>, vector<1024x256xf32>
      tpu.vector_store %arg13[%swap3A_250, %swap3A_251], %select_n3A_249 {strides = array<i32>} : memref<1024x256xf32, #tpu.memory_space<vmem>>, vector<1024x256xf32>,
    }
    %scan3A_59 = arith.constant 128 : i32
    %scan3A_60 = arith.constant 128 : i32
    %scan3A_61 = arith.constant 128 : i32
    %scan3A_62 = arith.addi %scan3A_60, %scan3A_61 : i32
    %scan3A_63 = arith.constant 1 : i32
    scf.for %scan3A_106 = %scan3A_60 to %scan3A_62 step %scan3A_63  : i32 {
      %jit3A = arith.constant 8 : i32
      %div3A = arith.divsi %scan3A_106, %jit3A : i32
      %sign3A = arith.constant 0 : i32
      %sign3A_107 = arith.cmpi sgt, %scan3A_106, %sign3A : i32
      %sign3A_108 = arith.extui %sign3A_107 : i1 to i32
      %sign3A_109 = arith.constant 0 : i32
      %sign3A_110 = arith.cmpi slt, %scan3A_106, %sign3A_109 : i32
      %sign3A_111 = arith.extui %sign3A_110 : i1 to i32
      %sign3A_112 = arith.subi %sign3A_108, %sign3A_111 : i32
      %sign3A_113 = arith.constant 0 : i32
      %sign3A_114 = arith.cmpi sgt, %jit3A, %sign3A_113 : i32
      %sign3A_115 = arith.extui %sign3A_114 : i1 to i32
      %sign3A_116 = arith.constant 0 : i32
      %sign3A_117 = arith.cmpi slt, %jit3A, %sign3A_116 : i32
      %sign3A_118 = arith.extui %sign3A_117 : i1 to i32
      %sign3A_119 = arith.subi %sign3A_115, %sign3A_118 : i32
      %ne3A = arith.cmpi ne, %sign3A_112, %sign3A_119 : i32
      %rem3A = arith.remsi %scan3A_106, %jit3A : i32
      %ne3A_120 = arith.constant 0 : i32
      %ne3A_121 = arith.cmpi ne, %rem3A, %ne3A_120 : i32
      %and3A = arith.andi %ne3A, %ne3A_121 : i1
      %sub3A_122 = arith.constant 1 : i32
      %sub3A_123 = arith.subi %div3A, %sub3A_122 : i32
      %select_n3A = arith.select %and3A, %sub3A_123, %div3A : i32
      %mul3A_124 = arith.constant 8 : i32
      %mul3A_125 = arith.muli %select_n3A, %mul3A_124 : i32
      %multiple_of3A = tpu.assume_multiple %mul3A_125, 8 : i32
      %jit3A_126 = arith.constant 8 : i32
      %eq3A = arith.constant 0 : i32
      %eq3A_127 = arith.cmpi eq, %jit3A_126, %eq3A : i32
      %jit3A_128 = arith.constant 1 : i32
      %select_n3A_129 = arith.select %eq3A_127, %jit3A_128, %jit3A_126 : i32
      %rem3A_130 = arith.remsi %scan3A_106, %select_n3A_129 : i32
      %ne3A_131 = arith.constant 0 : i32
      %ne3A_132 = arith.cmpi ne, %rem3A_130, %ne3A_131 : i32
      %lt3A = arith.constant 0 : i32
      %lt3A_133 = arith.cmpi slt, %rem3A_130, %lt3A : i32
      %lt3A_134 = arith.constant 0 : i32
      %lt3A_135 = arith.cmpi slt, %select_n3A_129, %lt3A_134 : i32
      %ne3A_136 = arith.xori %lt3A_133, %lt3A_135 : i1
      %and3A_137 = arith.andi %ne3A_136, %ne3A_132 : i1
      %add3A = arith.addi %rem3A_130, %select_n3A_129 : i32
      %select_n3A_138 = arith.select %and3A_137, %add3A, %rem3A_130 : i32
      %eq3A_139 = vector.broadcast %select_n3A_138 : i32 to vector<8x256xi32>
      %eq3A_140 = arith.cmpi eq, %iota3A_55, %eq3A_139 : vector<8x256xi32>
      %get3A_141 = arith.index_cast %multiple_of3A : i32 to index
      %get3A_142 = arith.constant 0 : index
      %get3A_143 = vector.load %arg6[%get3A_141, %get3A_142] : memref<1024x256xf32, #tpu.memory_space<vmem>>, vector<8x256xf32>
      %jit3A_144 = arith.constant -3.400000e+38 : f32
      %broadcast_in_dim3A_145 = vector.broadcast %jit3A_144 : f32 to vector<8x256xf32>
      %select_n3A_146 = arith.select %eq3A_140, %get3A_143, %broadcast_in_dim3A_145 : vector<8x256xi1>, vector<8x256xf32>
      %reduce_max3A = arith.constant dense<0xFF800000> : vector<256xf32>
      %reduce_max3A_147 = vector.multi_reduction <maximumf>, %select_n3A_146, %reduce_max3A [0] : vector<8x256xf32> to vector<256xf32>
      %broadcast_in_dim3A_148 = vector.shape_cast %reduce_max3A_147 : vector<256xf32> to vector<1x256xf32>
      %get3A_149 = arith.index_cast %multiple_of3A : i32 to index
      %get3A_150 = arith.constant 0 : index
      %get3A_151 = vector.load %arg7[%get3A_149, %get3A_150] : memref<1024x256xf32, #tpu.memory_space<vmem>>, vector<8x256xf32>
      %jit3A_152 = arith.constant -3.400000e+38 : f32
      %broadcast_in_dim3A_153 = vector.broadcast %jit3A_152 : f32 to vector<8x256xf32>
      %select_n3A_154 = arith.select %eq3A_140, %get3A_151, %broadcast_in_dim3A_153 : vector<8x256xi1>, vector<8x256xf32>
      %reduce_max3A_155 = arith.constant dense<0xFF800000> : vector<256xf32>
      %reduce_max3A_156 = vector.multi_reduction <maximumf>, %select_n3A_154, %reduce_max3A_155 [0] : vector<8x256xf32> to vector<256xf32>
      %broadcast_in_dim3A_157 = vector.shape_cast %reduce_max3A_156 : vector<256xf32> to vector<1x256xf32>
      %get3A_158 = arith.index_cast %multiple_of3A : i32 to index
      %get3A_159 = arith.constant 0 : index
      %get3A_160 = vector.load %arg8[%get3A_158, %get3A_159] : memref<1024x256xf32, #tpu.memory_space<vmem>>, vector<8x256xf32>
      %jit3A_161 = arith.constant -3.400000e+38 : f32
      %broadcast_in_dim3A_162 = vector.broadcast %jit3A_161 : f32 to vector<8x256xf32>
      %select_n3A_163 = arith.select %eq3A_140, %get3A_160, %broadcast_in_dim3A_162 : vector<8x256xi1>, vector<8x256xf32>
      %reduce_max3A_164 = arith.constant dense<0xFF800000> : vector<256xf32>
      %reduce_max3A_165 = vector.multi_reduction <maximumf>, %select_n3A_163, %reduce_max3A_164 [0] : vector<8x256xf32> to vector<256xf32>
      %broadcast_in_dim3A_166 = vector.shape_cast %reduce_max3A_165 : vector<256xf32> to vector<1x256xf32>
      %get3A_167 = arith.index_cast %multiple_of3A : i32 to index
      %get3A_168 = arith.constant 0 : index
      %get3A_169 = vector.load %arg9[%get3A_167, %get3A_168] : memref<1024x256xf32, #tpu.memory_space<vmem>>, vector<8x256xf32>
      %jit3A_170 = arith.constant -3.400000e+38 : f32
      %broadcast_in_dim3A_171 = vector.broadcast %jit3A_170 : f32 to vector<8x256xf32>
      %select_n3A_172 = arith.select %eq3A_140, %get3A_169, %broadcast_in_dim3A_171 : vector<8x256xi1>, vector<8x256xf32>
      %reduce_max3A_173 = arith.constant dense<0xFF800000> : vector<256xf32>
      %reduce_max3A_174 = vector.multi_reduction <maximumf>, %select_n3A_172, %reduce_max3A_173 [0] : vector<8x256xf32> to vector<256xf32>
      %broadcast_in_dim3A_175 = vector.shape_cast %reduce_max3A_174 : vector<256xf32> to vector<1x256xf32>
      %get3A_176 = arith.index_cast %multiple_of3A : i32 to index
      %get3A_177 = arith.constant 0 : index
      %get3A_178 = vector.load %arg11[%get3A_176, %get3A_177] : memref<1024x256xf32, #tpu.memory_space<vmem>>, vector<8x256xf32>
      %jit3A_179 = arith.constant -3.400000e+38 : f32
      %broadcast_in_dim3A_180 = vector.broadcast %jit3A_179 : f32 to vector<8x256xf32>
      %select_n3A_181 = arith.select %eq3A_140, %get3A_178, %broadcast_in_dim3A_180 : vector<8x256xi1>, vector<8x256xf32>
      %reduce_max3A_182 = arith.constant dense<0xFF800000> : vector<256xf32>
      %reduce_max3A_183 = vector.multi_reduction <maximumf>, %select_n3A_181, %reduce_max3A_182 [0] : vector<8x256xf32> to vector<256xf32>
      %broadcast_in_dim3A_184 = vector.shape_cast %reduce_max3A_183 : vector<256xf32> to vector<1x256xf32>
      %get3A_185 = arith.index_cast %multiple_of3A : i32 to index
      %get3A_186 = arith.constant 0 : index
      %get3A_187 = vector.load %arg13[%get3A_185, %get3A_186] : memref<1024x256xf32, #tpu.memory_space<vmem>>, vector<8x256xf32>
      %jit3A_188 = arith.constant -3.400000e+38 : f32
      %broadcast_in_dim3A_189 = vector.broadcast %jit3A_188 : f32 to vector<8x256xf32>
      %select_n3A_190 = arith.select %eq3A_140, %get3A_187, %broadcast_in_dim3A_189 : vector<8x256xi1>, vector<8x256xf32>
      %reduce_max3A_191 = arith.constant dense<0xFF800000> : vector<256xf32>
      %reduce_max3A_192 = vector.multi_reduction <maximumf>, %select_n3A_190, %reduce_max3A_191 [0] : vector<8x256xf32> to vector<256xf32>
      %broadcast_in_dim3A_193 = vector.shape_cast %reduce_max3A_192 : vector<256xf32> to vector<1x256xf32>
      %mul3A_194 = arith.mulf %broadcast_in_dim3A_193, %broadcast_in_dim3A_184 : vector<1x256xf32>
      %gt3A = arith.constant 5.000000e-01 : f32
      %gt3A_195 = vector.broadcast %gt3A : f32 to vector<1x256xf32>
      %gt3A_196 = arith.cmpf ogt, %mul3A_194, %gt3A_195 : vector<1x256xf32>
      %sub3A_197 = arith.subf %broadcast_in_dim3A_166, %broadcast_in_dim3A_148 : vector<1x256xf32>
      %sub3A_198 = arith.subf %broadcast_in_dim3A_175, %broadcast_in_dim3A_157 : vector<1x256xf32>
      %mul3A_199 = arith.mulf %sub3A_197, %sub3A_198 : vector<1x256xf32>
      %get3A_200 = arith.constant 128 : index
      %get3A_201 = arith.constant 0 : index
      %get3A_202 = vector.load %arg6[%get3A_200, %get3A_201] : memref<1024x256xf32, #tpu.memory_space<vmem>>, vector<896x256xf32>
      %get3A_203 = arith.constant 128 : index
      %get3A_204 = arith.constant 0 : index
      %get3A_205 = vector.load %arg7[%get3A_203, %get3A_204] : memref<1024x256xf32, #tpu.memory_space<vmem>>, vector<896x256xf32>
      %get3A_206 = arith.constant 128 : index
      %get3A_207 = arith.constant 0 : index
      %get3A_208 = vector.load %arg8[%get3A_206, %get3A_207] : memref<1024x256xf32, #tpu.memory_space<vmem>>, vector<896x256xf32>
      %get3A_209 = arith.constant 128 : index
      %get3A_210 = arith.constant 0 : index
      %get3A_211 = vector.load %arg9[%get3A_209, %get3A_210] : memref<1024x256xf32, #tpu.memory_space<vmem>>, vector<896x256xf32>
      %get3A_212 = arith.constant 128 : index
      %get3A_213 = arith.constant 0 : index
      %get3A_214 = vector.load %arg10[%get3A_212, %get3A_213] : memref<1024x256xf32, #tpu.memory_space<vmem>>, vector<896x256xf32>
      %get3A_215 = arith.constant 128 : index
      %get3A_216 = arith.constant 0 : index
      %get3A_217 = vector.load %arg12[%get3A_215, %get3A_216] : memref<1024x256xi32, #tpu.memory_space<vmem>>, vector<896x256xi32>
      %min3A = vector.broadcast %broadcast_in_dim3A_166 : vector<1x256xf32> to vector<896x256xf32>
      %min3A_218 = arith.minimumf %min3A, %get3A_208 : vector<896x256xf32>
      %max3A = vector.broadcast %broadcast_in_dim3A_148 : vector<1x256xf32> to vector<896x256xf32>
      %max3A_219 = arith.maximumf %max3A, %get3A_202 : vector<896x256xf32>
      %sub3A_220 = arith.subf %min3A_218, %max3A_219 : vector<896x256xf32>
      %max3A_221 = arith.constant 0.000000e+00 : f32
      %max3A_222 = vector.broadcast %max3A_221 : f32 to vector<896x256xf32>
      %max3A_223 = arith.maximumf %sub3A_220, %max3A_222 : vector<896x256xf32>
      %min3A_224 = vector.broadcast %broadcast_in_dim3A_175 : vector<1x256xf32> to vector<896x256xf32>
      %min3A_225 = arith.minimumf %min3A_224, %get3A_211 : vector<896x256xf32>
      %max3A_226 = vector.broadcast %broadcast_in_dim3A_157 : vector<1x256xf32> to vector<896x256xf32>
      %max3A_227 = arith.maximumf %max3A_226, %get3A_205 : vector<896x256xf32>
      %sub3A_228 = arith.subf %min3A_225, %max3A_227 : vector<896x256xf32>
      %max3A_229 = arith.constant 0.000000e+00 : f32
      %max3A_230 = vector.broadcast %max3A_229 : f32 to vector<896x256xf32>
      %max3A_231 = arith.maximumf %sub3A_228, %max3A_230 : vector<896x256xf32>
      %mul3A_232 = arith.mulf %max3A_223, %max3A_231 : vector<896x256xf32>
      %mul3A_233 = arith.constant 3.000000e+00 : f32
      %mul3A_234 = vector.broadcast %mul3A_233 : f32 to vector<896x256xf32>
      %mul3A_235 = arith.mulf %mul3A_234, %mul3A_232 : vector<896x256xf32>
      %add3A_236 = vector.broadcast %mul3A_199 : vector<1x256xf32> to vector<896x256xf32>
      %add3A_237 = arith.addf %add3A_236, %get3A_214 : vector<896x256xf32>
      %gt3A_238 = arith.cmpf ogt, %mul3A_235, %add3A_237 : vector<896x256xf32>
      %gt3A_239 = vector.broadcast %scan3A_106 : i32 to vector<896x256xi32>
      %gt3A_240 = arith.cmpi sgt, %get3A_217, %gt3A_239 : vector<896x256xi32>
      %and3A_241 = arith.andi %gt3A_238, %gt3A_240 : vector<896x256xi1>
      %and3A_242 = vector.broadcast %gt3A_196 : vector<1x256xi1> to vector<896x256xi1>
      %and3A_243 = arith.andi %and3A_241, %and3A_242 : vector<896x256xi1>
      %get3A_244 = arith.constant 128 : index
      %get3A_245 = arith.constant 0 : index
      %get3A_246 = vector.load %arg13[%get3A_244, %get3A_245] : memref<1024x256xf32, #tpu.memory_space<vmem>>, vector<896x256xf32>
      %jit3A_247 = arith.constant 0.000000e+00 : f32
      %broadcast_in_dim3A_248 = vector.broadcast %jit3A_247 : f32 to vector<896x256xf32>
      %select_n3A_249 = arith.select %and3A_243, %broadcast_in_dim3A_248, %get3A_246 : vector<896x256xi1>, vector<896x256xf32>
      %swap3A_250 = arith.constant 128 : index
      %swap3A_251 = arith.constant 0 : index
      %swap3A_252 = vector.load %arg13[%swap3A_250, %swap3A_251] : memref<1024x256xf32, #tpu.memory_space<vmem>>, vector<896x256xf32>
      tpu.vector_store %arg13[%swap3A_250, %swap3A_251], %select_n3A_249 {strides = array<i32>} : memref<1024x256xf32, #tpu.memory_space<vmem>>, vector<896x256xf32>,
    }
    %scan3A_64 = arith.constant 128 : i32
    %scan3A_65 = arith.constant 256 : i32
    %scan3A_66 = arith.constant 128 : i32
    %scan3A_67 = arith.addi %scan3A_65, %scan3A_66 : i32
    %scan3A_68 = arith.constant 1 : i32
    scf.for %scan3A_106 = %scan3A_65 to %scan3A_67 step %scan3A_68  : i32 {
      %jit3A = arith.constant 8 : i32
      %div3A = arith.divsi %scan3A_106, %jit3A : i32
      %sign3A = arith.constant 0 : i32
      %sign3A_107 = arith.cmpi sgt, %scan3A_106, %sign3A : i32
      %sign3A_108 = arith.extui %sign3A_107 : i1 to i32
      %sign3A_109 = arith.constant 0 : i32
      %sign3A_110 = arith.cmpi slt, %scan3A_106, %sign3A_109 : i32
      %sign3A_111 = arith.extui %sign3A_110 : i1 to i32
      %sign3A_112 = arith.subi %sign3A_108, %sign3A_111 : i32
      %sign3A_113 = arith.constant 0 : i32
      %sign3A_114 = arith.cmpi sgt, %jit3A, %sign3A_113 : i32
      %sign3A_115 = arith.extui %sign3A_114 : i1 to i32
      %sign3A_116 = arith.constant 0 : i32
      %sign3A_117 = arith.cmpi slt, %jit3A, %sign3A_116 : i32
      %sign3A_118 = arith.extui %sign3A_117 : i1 to i32
      %sign3A_119 = arith.subi %sign3A_115, %sign3A_118 : i32
      %ne3A = arith.cmpi ne, %sign3A_112, %sign3A_119 : i32
      %rem3A = arith.remsi %scan3A_106, %jit3A : i32
      %ne3A_120 = arith.constant 0 : i32
      %ne3A_121 = arith.cmpi ne, %rem3A, %ne3A_120 : i32
      %and3A = arith.andi %ne3A, %ne3A_121 : i1
      %sub3A_122 = arith.constant 1 : i32
      %sub3A_123 = arith.subi %div3A, %sub3A_122 : i32
      %select_n3A = arith.select %and3A, %sub3A_123, %div3A : i32
      %mul3A_124 = arith.constant 8 : i32
      %mul3A_125 = arith.muli %select_n3A, %mul3A_124 : i32
      %multiple_of3A = tpu.assume_multiple %mul3A_125, 8 : i32
      %jit3A_126 = arith.constant 8 : i32
      %eq3A = arith.constant 0 : i32
      %eq3A_127 = arith.cmpi eq, %jit3A_126, %eq3A : i32
      %jit3A_128 = arith.constant 1 : i32
      %select_n3A_129 = arith.select %eq3A_127, %jit3A_128, %jit3A_126 : i32
      %rem3A_130 = arith.remsi %scan3A_106, %select_n3A_129 : i32
      %ne3A_131 = arith.constant 0 : i32
      %ne3A_132 = arith.cmpi ne, %rem3A_130, %ne3A_131 : i32
      %lt3A = arith.constant 0 : i32
      %lt3A_133 = arith.cmpi slt, %rem3A_130, %lt3A : i32
      %lt3A_134 = arith.constant 0 : i32
      %lt3A_135 = arith.cmpi slt, %select_n3A_129, %lt3A_134 : i32
      %ne3A_136 = arith.xori %lt3A_133, %lt3A_135 : i1
      %and3A_137 = arith.andi %ne3A_136, %ne3A_132 : i1
      %add3A = arith.addi %rem3A_130, %select_n3A_129 : i32
      %select_n3A_138 = arith.select %and3A_137, %add3A, %rem3A_130 : i32
      %eq3A_139 = vector.broadcast %select_n3A_138 : i32 to vector<8x256xi32>
      %eq3A_140 = arith.cmpi eq, %iota3A_55, %eq3A_139 : vector<8x256xi32>
      %get3A_141 = arith.index_cast %multiple_of3A : i32 to index
      %get3A_142 = arith.constant 0 : index
      %get3A_143 = vector.load %arg6[%get3A_141, %get3A_142] : memref<1024x256xf32, #tpu.memory_space<vmem>>, vector<8x256xf32>
      %jit3A_144 = arith.constant -3.400000e+38 : f32
      %broadcast_in_dim3A_145 = vector.broadcast %jit3A_144 : f32 to vector<8x256xf32>
      %select_n3A_146 = arith.select %eq3A_140, %get3A_143, %broadcast_in_dim3A_145 : vector<8x256xi1>, vector<8x256xf32>
      %reduce_max3A = arith.constant dense<0xFF800000> : vector<256xf32>
      %reduce_max3A_147 = vector.multi_reduction <maximumf>, %select_n3A_146, %reduce_max3A [0] : vector<8x256xf32> to vector<256xf32>
      %broadcast_in_dim3A_148 = vector.shape_cast %reduce_max3A_147 : vector<256xf32> to vector<1x256xf32>
      %get3A_149 = arith.index_cast %multiple_of3A : i32 to index
      %get3A_150 = arith.constant 0 : index
      %get3A_151 = vector.load %arg7[%get3A_149, %get3A_150] : memref<1024x256xf32, #tpu.memory_space<vmem>>, vector<8x256xf32>
      %jit3A_152 = arith.constant -3.400000e+38 : f32
      %broadcast_in_dim3A_153 = vector.broadcast %jit3A_152 : f32 to vector<8x256xf32>
      %select_n3A_154 = arith.select %eq3A_140, %get3A_151, %broadcast_in_dim3A_153 : vector<8x256xi1>, vector<8x256xf32>
      %reduce_max3A_155 = arith.constant dense<0xFF800000> : vector<256xf32>
      %reduce_max3A_156 = vector.multi_reduction <maximumf>, %select_n3A_154, %reduce_max3A_155 [0] : vector<8x256xf32> to vector<256xf32>
      %broadcast_in_dim3A_157 = vector.shape_cast %reduce_max3A_156 : vector<256xf32> to vector<1x256xf32>
      %get3A_158 = arith.index_cast %multiple_of3A : i32 to index
      %get3A_159 = arith.constant 0 : index
      %get3A_160 = vector.load %arg8[%get3A_158, %get3A_159] : memref<1024x256xf32, #tpu.memory_space<vmem>>, vector<8x256xf32>
      %jit3A_161 = arith.constant -3.400000e+38 : f32
      %broadcast_in_dim3A_162 = vector.broadcast %jit3A_161 : f32 to vector<8x256xf32>
      %select_n3A_163 = arith.select %eq3A_140, %get3A_160, %broadcast_in_dim3A_162 : vector<8x256xi1>, vector<8x256xf32>
      %reduce_max3A_164 = arith.constant dense<0xFF800000> : vector<256xf32>
      %reduce_max3A_165 = vector.multi_reduction <maximumf>, %select_n3A_163, %reduce_max3A_164 [0] : vector<8x256xf32> to vector<256xf32>
      %broadcast_in_dim3A_166 = vector.shape_cast %reduce_max3A_165 : vector<256xf32> to vector<1x256xf32>
      %get3A_167 = arith.index_cast %multiple_of3A : i32 to index
      %get3A_168 = arith.constant 0 : index
      %get3A_169 = vector.load %arg9[%get3A_167, %get3A_168] : memref<1024x256xf32, #tpu.memory_space<vmem>>, vector<8x256xf32>
      %jit3A_170 = arith.constant -3.400000e+38 : f32
      %broadcast_in_dim3A_171 = vector.broadcast %jit3A_170 : f32 to vector<8x256xf32>
      %select_n3A_172 = arith.select %eq3A_140, %get3A_169, %broadcast_in_dim3A_171 : vector<8x256xi1>, vector<8x256xf32>
      %reduce_max3A_173 = arith.constant dense<0xFF800000> : vector<256xf32>
      %reduce_max3A_174 = vector.multi_reduction <maximumf>, %select_n3A_172, %reduce_max3A_173 [0] : vector<8x256xf32> to vector<256xf32>
      %broadcast_in_dim3A_175 = vector.shape_cast %reduce_max3A_174 : vector<256xf32> to vector<1x256xf32>
      %get3A_176 = arith.index_cast %multiple_of3A : i32 to index
      %get3A_177 = arith.constant 0 : index
      %get3A_178 = vector.load %arg11[%get3A_176, %get3A_177] : memref<1024x256xf32, #tpu.memory_space<vmem>>, vector<8x256xf32>
      %jit3A_179 = arith.constant -3.400000e+38 : f32
      %broadcast_in_dim3A_180 = vector.broadcast %jit3A_179 : f32 to vector<8x256xf32>
      %select_n3A_181 = arith.select %eq3A_140, %get3A_178, %broadcast_in_dim3A_180 : vector<8x256xi1>, vector<8x256xf32>
      %reduce_max3A_182 = arith.constant dense<0xFF800000> : vector<256xf32>
      %reduce_max3A_183 = vector.multi_reduction <maximumf>, %select_n3A_181, %reduce_max3A_182 [0] : vector<8x256xf32> to vector<256xf32>
      %broadcast_in_dim3A_184 = vector.shape_cast %reduce_max3A_183 : vector<256xf32> to vector<1x256xf32>
      %get3A_185 = arith.index_cast %multiple_of3A : i32 to index
      %get3A_186 = arith.constant 0 : index
      %get3A_187 = vector.load %arg13[%get3A_185, %get3A_186] : memref<1024x256xf32, #tpu.memory_space<vmem>>, vector<8x256xf32>
      %jit3A_188 = arith.constant -3.400000e+38 : f32
      %broadcast_in_dim3A_189 = vector.broadcast %jit3A_188 : f32 to vector<8x256xf32>
      %select_n3A_190 = arith.select %eq3A_140, %get3A_187, %broadcast_in_dim3A_189 : vector<8x256xi1>, vector<8x256xf32>
      %reduce_max3A_191 = arith.constant dense<0xFF800000> : vector<256xf32>
      %reduce_max3A_192 = vector.multi_reduction <maximumf>, %select_n3A_190, %reduce_max3A_191 [0] : vector<8x256xf32> to vector<256xf32>
      %broadcast_in_dim3A_193 = vector.shape_cast %reduce_max3A_192 : vector<256xf32> to vector<1x256xf32>
      %mul3A_194 = arith.mulf %broadcast_in_dim3A_193, %broadcast_in_dim3A_184 : vector<1x256xf32>
      %gt3A = arith.constant 5.000000e-01 : f32
      %gt3A_195 = vector.broadcast %gt3A : f32 to vector<1x256xf32>
      %gt3A_196 = arith.cmpf ogt, %mul3A_194, %gt3A_195 : vector<1x256xf32>
      %sub3A_197 = arith.subf %broadcast_in_dim3A_166, %broadcast_in_dim3A_148 : vector<1x256xf32>
      %sub3A_198 = arith.subf %broadcast_in_dim3A_175, %broadcast_in_dim3A_157 : vector<1x256xf32>
      %mul3A_199 = arith.mulf %sub3A_197, %sub3A_198 : vector<1x256xf32>
      %get3A_200 = arith.constant 256 : index
      %get3A_201 = arith.constant 0 : index
      %get3A_202 = vector.load %arg6[%get3A_200, %get3A_201] : memref<1024x256xf32, #tpu.memory_space<vmem>>, vector<768x256xf32>
      %get3A_203 = arith.constant 256 : index
      %get3A_204 = arith.constant 0 : index
      %get3A_205 = vector.load %arg7[%get3A_203, %get3A_204] : memref<1024x256xf32, #tpu.memory_space<vmem>>, vector<768x256xf32>
      %get3A_206 = arith.constant 256 : index
      %get3A_207 = arith.constant 0 : index
      %get3A_208 = vector.load %arg8[%get3A_206, %get3A_207] : memref<1024x256xf32, #tpu.memory_space<vmem>>, vector<768x256xf32>
      %get3A_209 = arith.constant 256 : index
      %get3A_210 = arith.constant 0 : index
      %get3A_211 = vector.load %arg9[%get3A_209, %get3A_210] : memref<1024x256xf32, #tpu.memory_space<vmem>>, vector<768x256xf32>
      %get3A_212 = arith.constant 256 : index
      %get3A_213 = arith.constant 0 : index
      %get3A_214 = vector.load %arg10[%get3A_212, %get3A_213] : memref<1024x256xf32, #tpu.memory_space<vmem>>, vector<768x256xf32>
      %get3A_215 = arith.constant 256 : index
      %get3A_216 = arith.constant 0 : index
      %get3A_217 = vector.load %arg12[%get3A_215, %get3A_216] : memref<1024x256xi32, #tpu.memory_space<vmem>>, vector<768x256xi32>
      %min3A = vector.broadcast %broadcast_in_dim3A_166 : vector<1x256xf32> to vector<768x256xf32>
      %min3A_218 = arith.minimumf %min3A, %get3A_208 : vector<768x256xf32>
      %max3A = vector.broadcast %broadcast_in_dim3A_148 : vector<1x256xf32> to vector<768x256xf32>
      %max3A_219 = arith.maximumf %max3A, %get3A_202 : vector<768x256xf32>
      %sub3A_220 = arith.subf %min3A_218, %max3A_219 : vector<768x256xf32>
      %max3A_221 = arith.constant 0.000000e+00 : f32
      %max3A_222 = vector.broadcast %max3A_221 : f32 to vector<768x256xf32>
      %max3A_223 = arith.maximumf %sub3A_220, %max3A_222 : vector<768x256xf32>
      %min3A_224 = vector.broadcast %broadcast_in_dim3A_175 : vector<1x256xf32> to vector<768x256xf32>
      %min3A_225 = arith.minimumf %min3A_224, %get3A_211 : vector<768x256xf32>
      %max3A_226 = vector.broadcast %broadcast_in_dim3A_157 : vector<1x256xf32> to vector<768x256xf32>
      %max3A_227 = arith.maximumf %max3A_226, %get3A_205 : vector<768x256xf32>
      %sub3A_228 = arith.subf %min3A_225, %max3A_227 : vector<768x256xf32>
      %max3A_229 = arith.constant 0.000000e+00 : f32
      %max3A_230 = vector.broadcast %max3A_229 : f32 to vector<768x256xf32>
      %max3A_231 = arith.maximumf %sub3A_228, %max3A_230 : vector<768x256xf32>
      %mul3A_232 = arith.mulf %max3A_223, %max3A_231 : vector<768x256xf32>
      %mul3A_233 = arith.constant 3.000000e+00 : f32
      %mul3A_234 = vector.broadcast %mul3A_233 : f32 to vector<768x256xf32>
      %mul3A_235 = arith.mulf %mul3A_234, %mul3A_232 : vector<768x256xf32>
      %add3A_236 = vector.broadcast %mul3A_199 : vector<1x256xf32> to vector<768x256xf32>
      %add3A_237 = arith.addf %add3A_236, %get3A_214 : vector<768x256xf32>
      %gt3A_238 = arith.cmpf ogt, %mul3A_235, %add3A_237 : vector<768x256xf32>
      %gt3A_239 = vector.broadcast %scan3A_106 : i32 to vector<768x256xi32>
      %gt3A_240 = arith.cmpi sgt, %get3A_217, %gt3A_239 : vector<768x256xi32>
      %and3A_241 = arith.andi %gt3A_238, %gt3A_240 : vector<768x256xi1>
      %and3A_242 = vector.broadcast %gt3A_196 : vector<1x256xi1> to vector<768x256xi1>
      %and3A_243 = arith.andi %and3A_241, %and3A_242 : vector<768x256xi1>
      %get3A_244 = arith.constant 256 : index
      %get3A_245 = arith.constant 0 : index
      %get3A_246 = vector.load %arg13[%get3A_244, %get3A_245] : memref<1024x256xf32, #tpu.memory_space<vmem>>, vector<768x256xf32>
      %jit3A_247 = arith.constant 0.000000e+00 : f32
      %broadcast_in_dim3A_248 = vector.broadcast %jit3A_247 : f32 to vector<768x256xf32>
      %select_n3A_249 = arith.select %and3A_243, %broadcast_in_dim3A_248, %get3A_246 : vector<768x256xi1>, vector<768x256xf32>
      %swap3A_250 = arith.constant 256 : index
      %swap3A_251 = arith.constant 0 : index
      %swap3A_252 = vector.load %arg13[%swap3A_250, %swap3A_251] : memref<1024x256xf32, #tpu.memory_space<vmem>>, vector<768x256xf32>
      tpu.vector_store %arg13[%swap3A_250, %swap3A_251], %select_n3A_249 {strides = array<i32>} : memref<1024x256xf32, #tpu.memory_space<vmem>>, vector<768x256xf32>,
    }
    %scan3A_69 = arith.constant 128 : i32
    %scan3A_70 = arith.constant 384 : i32
    %scan3A_71 = arith.constant 128 : i32
    %scan3A_72 = arith.addi %scan3A_70, %scan3A_71 : i32
    %scan3A_73 = arith.constant 1 : i32
    scf.for %scan3A_106 = %scan3A_70 to %scan3A_72 step %scan3A_73  : i32 {
      %jit3A = arith.constant 8 : i32
      %div3A = arith.divsi %scan3A_106, %jit3A : i32
      %sign3A = arith.constant 0 : i32
      %sign3A_107 = arith.cmpi sgt, %scan3A_106, %sign3A : i32
      %sign3A_108 = arith.extui %sign3A_107 : i1 to i32
      %sign3A_109 = arith.constant 0 : i32
      %sign3A_110 = arith.cmpi slt, %scan3A_106, %sign3A_109 : i32
      %sign3A_111 = arith.extui %sign3A_110 : i1 to i32
      %sign3A_112 = arith.subi %sign3A_108, %sign3A_111 : i32
      %sign3A_113 = arith.constant 0 : i32
      %sign3A_114 = arith.cmpi sgt, %jit3A, %sign3A_113 : i32
      %sign3A_115 = arith.extui %sign3A_114 : i1 to i32
      %sign3A_116 = arith.constant 0 : i32
      %sign3A_117 = arith.cmpi slt, %jit3A, %sign3A_116 : i32
      %sign3A_118 = arith.extui %sign3A_117 : i1 to i32
      %sign3A_119 = arith.subi %sign3A_115, %sign3A_118 : i32
      %ne3A = arith.cmpi ne, %sign3A_112, %sign3A_119 : i32
      %rem3A = arith.remsi %scan3A_106, %jit3A : i32
      %ne3A_120 = arith.constant 0 : i32
      %ne3A_121 = arith.cmpi ne, %rem3A, %ne3A_120 : i32
      %and3A = arith.andi %ne3A, %ne3A_121 : i1
      %sub3A_122 = arith.constant 1 : i32
      %sub3A_123 = arith.subi %div3A, %sub3A_122 : i32
      %select_n3A = arith.select %and3A, %sub3A_123, %div3A : i32
      %mul3A_124 = arith.constant 8 : i32
      %mul3A_125 = arith.muli %select_n3A, %mul3A_124 : i32
      %multiple_of3A = tpu.assume_multiple %mul3A_125, 8 : i32
      %jit3A_126 = arith.constant 8 : i32
      %eq3A = arith.constant 0 : i32
      %eq3A_127 = arith.cmpi eq, %jit3A_126, %eq3A : i32
      %jit3A_128 = arith.constant 1 : i32
      %select_n3A_129 = arith.select %eq3A_127, %jit3A_128, %jit3A_126 : i32
      %rem3A_130 = arith.remsi %scan3A_106, %select_n3A_129 : i32
      %ne3A_131 = arith.constant 0 : i32
      %ne3A_132 = arith.cmpi ne, %rem3A_130, %ne3A_131 : i32
      %lt3A = arith.constant 0 : i32
      %lt3A_133 = arith.cmpi slt, %rem3A_130, %lt3A : i32
      %lt3A_134 = arith.constant 0 : i32
      %lt3A_135 = arith.cmpi slt, %select_n3A_129, %lt3A_134 : i32
      %ne3A_136 = arith.xori %lt3A_133, %lt3A_135 : i1
      %and3A_137 = arith.andi %ne3A_136, %ne3A_132 : i1
      %add3A = arith.addi %rem3A_130, %select_n3A_129 : i32
      %select_n3A_138 = arith.select %and3A_137, %add3A, %rem3A_130 : i32
      %eq3A_139 = vector.broadcast %select_n3A_138 : i32 to vector<8x256xi32>
      %eq3A_140 = arith.cmpi eq, %iota3A_55, %eq3A_139 : vector<8x256xi32>
      %get3A_141 = arith.index_cast %multiple_of3A : i32 to index
      %get3A_142 = arith.constant 0 : index
      %get3A_143 = vector.load %arg6[%get3A_141, %get3A_142] : memref<1024x256xf32, #tpu.memory_space<vmem>>, vector<8x256xf32>
      %jit3A_144 = arith.constant -3.400000e+38 : f32
      %broadcast_in_dim3A_145 = vector.broadcast %jit3A_144 : f32 to vector<8x256xf32>
      %select_n3A_146 = arith.select %eq3A_140, %get3A_143, %broadcast_in_dim3A_145 : vector<8x256xi1>, vector<8x256xf32>
      %reduce_max3A = arith.constant dense<0xFF800000> : vector<256xf32>
      %reduce_max3A_147 = vector.multi_reduction <maximumf>, %select_n3A_146, %reduce_max3A [0] : vector<8x256xf32> to vector<256xf32>
      %broadcast_in_dim3A_148 = vector.shape_cast %reduce_max3A_147 : vector<256xf32> to vector<1x256xf32>
      %get3A_149 = arith.index_cast %multiple_of3A : i32 to index
      %get3A_150 = arith.constant 0 : index
      %get3A_151 = vector.load %arg7[%get3A_149, %get3A_150] : memref<1024x256xf32, #tpu.memory_space<vmem>>, vector<8x256xf32>
      %jit3A_152 = arith.constant -3.400000e+38 : f32
      %broadcast_in_dim3A_153 = vector.broadcast %jit3A_152 : f32 to vector<8x256xf32>
      %select_n3A_154 = arith.select %eq3A_140, %get3A_151, %broadcast_in_dim3A_153 : vector<8x256xi1>, vector<8x256xf32>
      %reduce_max3A_155 = arith.constant dense<0xFF800000> : vector<256xf32>
      %reduce_max3A_156 = vector.multi_reduction <maximumf>, %select_n3A_154, %reduce_max3A_155 [0] : vector<8x256xf32> to vector<256xf32>
      %broadcast_in_dim3A_157 = vector.shape_cast %reduce_max3A_156 : vector<256xf32> to vector<1x256xf32>
      %get3A_158 = arith.index_cast %multiple_of3A : i32 to index
      %get3A_159 = arith.constant 0 : index
      %get3A_160 = vector.load %arg8[%get3A_158, %get3A_159] : memref<1024x256xf32, #tpu.memory_space<vmem>>, vector<8x256xf32>
      %jit3A_161 = arith.constant -3.400000e+38 : f32
      %broadcast_in_dim3A_162 = vector.broadcast %jit3A_161 : f32 to vector<8x256xf32>
      %select_n3A_163 = arith.select %eq3A_140, %get3A_160, %broadcast_in_dim3A_162 : vector<8x256xi1>, vector<8x256xf32>
      %reduce_max3A_164 = arith.constant dense<0xFF800000> : vector<256xf32>
      %reduce_max3A_165 = vector.multi_reduction <maximumf>, %select_n3A_163, %reduce_max3A_164 [0] : vector<8x256xf32> to vector<256xf32>
      %broadcast_in_dim3A_166 = vector.shape_cast %reduce_max3A_165 : vector<256xf32> to vector<1x256xf32>
      %get3A_167 = arith.index_cast %multiple_of3A : i32 to index
      %get3A_168 = arith.constant 0 : index
      %get3A_169 = vector.load %arg9[%get3A_167, %get3A_168] : memref<1024x256xf32, #tpu.memory_space<vmem>>, vector<8x256xf32>
      %jit3A_170 = arith.constant -3.400000e+38 : f32
      %broadcast_in_dim3A_171 = vector.broadcast %jit3A_170 : f32 to vector<8x256xf32>
      %select_n3A_172 = arith.select %eq3A_140, %get3A_169, %broadcast_in_dim3A_171 : vector<8x256xi1>, vector<8x256xf32>
      %reduce_max3A_173 = arith.constant dense<0xFF800000> : vector<256xf32>
      %reduce_max3A_174 = vector.multi_reduction <maximumf>, %select_n3A_172, %reduce_max3A_173 [0] : vector<8x256xf32> to vector<256xf32>
      %broadcast_in_dim3A_175 = vector.shape_cast %reduce_max3A_174 : vector<256xf32> to vector<1x256xf32>
      %get3A_176 = arith.index_cast %multiple_of3A : i32 to index
      %get3A_177 = arith.constant 0 : index
      %get3A_178 = vector.load %arg11[%get3A_176, %get3A_177] : memref<1024x256xf32, #tpu.memory_space<vmem>>, vector<8x256xf32>
      %jit3A_179 = arith.constant -3.400000e+38 : f32
      %broadcast_in_dim3A_180 = vector.broadcast %jit3A_179 : f32 to vector<8x256xf32>
      %select_n3A_181 = arith.select %eq3A_140, %get3A_178, %broadcast_in_dim3A_180 : vector<8x256xi1>, vector<8x256xf32>
      %reduce_max3A_182 = arith.constant dense<0xFF800000> : vector<256xf32>
      %reduce_max3A_183 = vector.multi_reduction <maximumf>, %select_n3A_181, %reduce_max3A_182 [0] : vector<8x256xf32> to vector<256xf32>
      %broadcast_in_dim3A_184 = vector.shape_cast %reduce_max3A_183 : vector<256xf32> to vector<1x256xf32>
      %get3A_185 = arith.index_cast %multiple_of3A : i32 to index
      %get3A_186 = arith.constant 0 : index
      %get3A_187 = vector.load %arg13[%get3A_185, %get3A_186] : memref<1024x256xf32, #tpu.memory_space<vmem>>, vector<8x256xf32>
      %jit3A_188 = arith.constant -3.400000e+38 : f32
      %broadcast_in_dim3A_189 = vector.broadcast %jit3A_188 : f32 to vector<8x256xf32>
      %select_n3A_190 = arith.select %eq3A_140, %get3A_187, %broadcast_in_dim3A_189 : vector<8x256xi1>, vector<8x256xf32>
      %reduce_max3A_191 = arith.constant dense<0xFF800000> : vector<256xf32>
      %reduce_max3A_192 = vector.multi_reduction <maximumf>, %select_n3A_190, %reduce_max3A_191 [0] : vector<8x256xf32> to vector<256xf32>
      %broadcast_in_dim3A_193 = vector.shape_cast %reduce_max3A_192 : vector<256xf32> to vector<1x256xf32>
      %mul3A_194 = arith.mulf %broadcast_in_dim3A_193, %broadcast_in_dim3A_184 : vector<1x256xf32>
      %gt3A = arith.constant 5.000000e-01 : f32
      %gt3A_195 = vector.broadcast %gt3A : f32 to vector<1x256xf32>
      %gt3A_196 = arith.cmpf ogt, %mul3A_194, %gt3A_195 : vector<1x256xf32>
      %sub3A_197 = arith.subf %broadcast_in_dim3A_166, %broadcast_in_dim3A_148 : vector<1x256xf32>
      %sub3A_198 = arith.subf %broadcast_in_dim3A_175, %broadcast_in_dim3A_157 : vector<1x256xf32>
      %mul3A_199 = arith.mulf %sub3A_197, %sub3A_198 : vector<1x256xf32>
      %get3A_200 = arith.constant 384 : index
      %get3A_201 = arith.constant 0 : index
      %get3A_202 = vector.load %arg6[%get3A_200, %get3A_201] : memref<1024x256xf32, #tpu.memory_space<vmem>>, vector<640x256xf32>
      %get3A_203 = arith.constant 384 : index
      %get3A_204 = arith.constant 0 : index
      %get3A_205 = vector.load %arg7[%get3A_203, %get3A_204] : memref<1024x256xf32, #tpu.memory_space<vmem>>, vector<640x256xf32>
      %get3A_206 = arith.constant 384 : index
      %get3A_207 = arith.constant 0 : index
      %get3A_208 = vector.load %arg8[%get3A_206, %get3A_207] : memref<1024x256xf32, #tpu.memory_space<vmem>>, vector<640x256xf32>
      %get3A_209 = arith.constant 384 : index
      %get3A_210 = arith.constant 0 : index
      %get3A_211 = vector.load %arg9[%get3A_209, %get3A_210] : memref<1024x256xf32, #tpu.memory_space<vmem>>, vector<640x256xf32>
      %get3A_212 = arith.constant 384 : index
      %get3A_213 = arith.constant 0 : index
      %get3A_214 = vector.load %arg10[%get3A_212, %get3A_213] : memref<1024x256xf32, #tpu.memory_space<vmem>>, vector<640x256xf32>
      %get3A_215 = arith.constant 384 : index
      %get3A_216 = arith.constant 0 : index
      %get3A_217 = vector.load %arg12[%get3A_215, %get3A_216] : memref<1024x256xi32, #tpu.memory_space<vmem>>, vector<640x256xi32>
      %min3A = vector.broadcast %broadcast_in_dim3A_166 : vector<1x256xf32> to vector<640x256xf32>
      %min3A_218 = arith.minimumf %min3A, %get3A_208 : vector<640x256xf32>
      %max3A = vector.broadcast %broadcast_in_dim3A_148 : vector<1x256xf32> to vector<640x256xf32>
      %max3A_219 = arith.maximumf %max3A, %get3A_202 : vector<640x256xf32>
      %sub3A_220 = arith.subf %min3A_218, %max3A_219 : vector<640x256xf32>
      %max3A_221 = arith.constant 0.000000e+00 : f32
      %max3A_222 = vector.broadcast %max3A_221 : f32 to vector<640x256xf32>
      %max3A_223 = arith.maximumf %sub3A_220, %max3A_222 : vector<640x256xf32>
      %min3A_224 = vector.broadcast %broadcast_in_dim3A_175 : vector<1x256xf32> to vector<640x256xf32>
      %min3A_225 = arith.minimumf %min3A_224, %get3A_211 : vector<640x256xf32>
      %max3A_226 = vector.broadcast %broadcast_in_dim3A_157 : vector<1x256xf32> to vector<640x256xf32>
      %max3A_227 = arith.maximumf %max3A_226, %get3A_205 : vector<640x256xf32>
      %sub3A_228 = arith.subf %min3A_225, %max3A_227 : vector<640x256xf32>
      %max3A_229 = arith.constant 0.000000e+00 : f32
      %max3A_230 = vector.broadcast %max3A_229 : f32 to vector<640x256xf32>
      %max3A_231 = arith.maximumf %sub3A_228, %max3A_230 : vector<640x256xf32>
      %mul3A_232 = arith.mulf %max3A_223, %max3A_231 : vector<640x256xf32>
      %mul3A_233 = arith.constant 3.000000e+00 : f32
      %mul3A_234 = vector.broadcast %mul3A_233 : f32 to vector<640x256xf32>
      %mul3A_235 = arith.mulf %mul3A_234, %mul3A_232 : vector<640x256xf32>
      %add3A_236 = vector.broadcast %mul3A_199 : vector<1x256xf32> to vector<640x256xf32>
      %add3A_237 = arith.addf %add3A_236, %get3A_214 : vector<640x256xf32>
      %gt3A_238 = arith.cmpf ogt, %mul3A_235, %add3A_237 : vector<640x256xf32>
      %gt3A_239 = vector.broadcast %scan3A_106 : i32 to vector<640x256xi32>
      %gt3A_240 = arith.cmpi sgt, %get3A_217, %gt3A_239 : vector<640x256xi32>
      %and3A_241 = arith.andi %gt3A_238, %gt3A_240 : vector<640x256xi1>
      %and3A_242 = vector.broadcast %gt3A_196 : vector<1x256xi1> to vector<640x256xi1>
      %and3A_243 = arith.andi %and3A_241, %and3A_242 : vector<640x256xi1>
      %get3A_244 = arith.constant 384 : index
      %get3A_245 = arith.constant 0 : index
      %get3A_246 = vector.load %arg13[%get3A_244, %get3A_245] : memref<1024x256xf32, #tpu.memory_space<vmem>>, vector<640x256xf32>
      %jit3A_247 = arith.constant 0.000000e+00 : f32
      %broadcast_in_dim3A_248 = vector.broadcast %jit3A_247 : f32 to vector<640x256xf32>
      %select_n3A_249 = arith.select %and3A_243, %broadcast_in_dim3A_248, %get3A_246 : vector<640x256xi1>, vector<640x256xf32>
      %swap3A_250 = arith.constant 384 : index
      %swap3A_251 = arith.constant 0 : index
      %swap3A_252 = vector.load %arg13[%swap3A_250, %swap3A_251] : memref<1024x256xf32, #tpu.memory_space<vmem>>, vector<640x256xf32>
      tpu.vector_store %arg13[%swap3A_250, %swap3A_251], %select_n3A_249 {strides = array<i32>} : memref<1024x256xf32, #tpu.memory_space<vmem>>, vector<640x256xf32>,
    }
    %scan3A_74 = arith.constant 128 : i32
    %scan3A_75 = arith.constant 512 : i32
    %scan3A_76 = arith.constant 128 : i32
    %scan3A_77 = arith.addi %scan3A_75, %scan3A_76 : i32
    %scan3A_78 = arith.constant 1 : i32
    scf.for %scan3A_106 = %scan3A_75 to %scan3A_77 step %scan3A_78  : i32 {
      %jit3A = arith.constant 8 : i32
      %div3A = arith.divsi %scan3A_106, %jit3A : i32
      %sign3A = arith.constant 0 : i32
      %sign3A_107 = arith.cmpi sgt, %scan3A_106, %sign3A : i32
      %sign3A_108 = arith.extui %sign3A_107 : i1 to i32
      %sign3A_109 = arith.constant 0 : i32
      %sign3A_110 = arith.cmpi slt, %scan3A_106, %sign3A_109 : i32
      %sign3A_111 = arith.extui %sign3A_110 : i1 to i32
      %sign3A_112 = arith.subi %sign3A_108, %sign3A_111 : i32
      %sign3A_113 = arith.constant 0 : i32
      %sign3A_114 = arith.cmpi sgt, %jit3A, %sign3A_113 : i32
      %sign3A_115 = arith.extui %sign3A_114 : i1 to i32
      %sign3A_116 = arith.constant 0 : i32
      %sign3A_117 = arith.cmpi slt, %jit3A, %sign3A_116 : i32
      %sign3A_118 = arith.extui %sign3A_117 : i1 to i32
      %sign3A_119 = arith.subi %sign3A_115, %sign3A_118 : i32
      %ne3A = arith.cmpi ne, %sign3A_112, %sign3A_119 : i32
      %rem3A = arith.remsi %scan3A_106, %jit3A : i32
      %ne3A_120 = arith.constant 0 : i32
      %ne3A_121 = arith.cmpi ne, %rem3A, %ne3A_120 : i32
      %and3A = arith.andi %ne3A, %ne3A_121 : i1
      %sub3A_122 = arith.constant 1 : i32
      %sub3A_123 = arith.subi %div3A, %sub3A_122 : i32
      %select_n3A = arith.select %and3A, %sub3A_123, %div3A : i32
      %mul3A_124 = arith.constant 8 : i32
      %mul3A_125 = arith.muli %select_n3A, %mul3A_124 : i32
      %multiple_of3A = tpu.assume_multiple %mul3A_125, 8 : i32
      %jit3A_126 = arith.constant 8 : i32
      %eq3A = arith.constant 0 : i32
      %eq3A_127 = arith.cmpi eq, %jit3A_126, %eq3A : i32
      %jit3A_128 = arith.constant 1 : i32
      %select_n3A_129 = arith.select %eq3A_127, %jit3A_128, %jit3A_126 : i32
      %rem3A_130 = arith.remsi %scan3A_106, %select_n3A_129 : i32
      %ne3A_131 = arith.constant 0 : i32
      %ne3A_132 = arith.cmpi ne, %rem3A_130, %ne3A_131 : i32
      %lt3A = arith.constant 0 : i32
      %lt3A_133 = arith.cmpi slt, %rem3A_130, %lt3A : i32
      %lt3A_134 = arith.constant 0 : i32
      %lt3A_135 = arith.cmpi slt, %select_n3A_129, %lt3A_134 : i32
      %ne3A_136 = arith.xori %lt3A_133, %lt3A_135 : i1
      %and3A_137 = arith.andi %ne3A_136, %ne3A_132 : i1
      %add3A = arith.addi %rem3A_130, %select_n3A_129 : i32
      %select_n3A_138 = arith.select %and3A_137, %add3A, %rem3A_130 : i32
      %eq3A_139 = vector.broadcast %select_n3A_138 : i32 to vector<8x256xi32>
      %eq3A_140 = arith.cmpi eq, %iota3A_55, %eq3A_139 : vector<8x256xi32>
      %get3A_141 = arith.index_cast %multiple_of3A : i32 to index
      %get3A_142 = arith.constant 0 : index
      %get3A_143 = vector.load %arg6[%get3A_141, %get3A_142] : memref<1024x256xf32, #tpu.memory_space<vmem>>, vector<8x256xf32>
      %jit3A_144 = arith.constant -3.400000e+38 : f32
      %broadcast_in_dim3A_145 = vector.broadcast %jit3A_144 : f32 to vector<8x256xf32>
      %select_n3A_146 = arith.select %eq3A_140, %get3A_143, %broadcast_in_dim3A_145 : vector<8x256xi1>, vector<8x256xf32>
      %reduce_max3A = arith.constant dense<0xFF800000> : vector<256xf32>
      %reduce_max3A_147 = vector.multi_reduction <maximumf>, %select_n3A_146, %reduce_max3A [0] : vector<8x256xf32> to vector<256xf32>
      %broadcast_in_dim3A_148 = vector.shape_cast %reduce_max3A_147 : vector<256xf32> to vector<1x256xf32>
      %get3A_149 = arith.index_cast %multiple_of3A : i32 to index
      %get3A_150 = arith.constant 0 : index
      %get3A_151 = vector.load %arg7[%get3A_149, %get3A_150] : memref<1024x256xf32, #tpu.memory_space<vmem>>, vector<8x256xf32>
      %jit3A_152 = arith.constant -3.400000e+38 : f32
      %broadcast_in_dim3A_153 = vector.broadcast %jit3A_152 : f32 to vector<8x256xf32>
      %select_n3A_154 = arith.select %eq3A_140, %get3A_151, %broadcast_in_dim3A_153 : vector<8x256xi1>, vector<8x256xf32>
      %reduce_max3A_155 = arith.constant dense<0xFF800000> : vector<256xf32>
      %reduce_max3A_156 = vector.multi_reduction <maximumf>, %select_n3A_154, %reduce_max3A_155 [0] : vector<8x256xf32> to vector<256xf32>
      %broadcast_in_dim3A_157 = vector.shape_cast %reduce_max3A_156 : vector<256xf32> to vector<1x256xf32>
      %get3A_158 = arith.index_cast %multiple_of3A : i32 to index
      %get3A_159 = arith.constant 0 : index
      %get3A_160 = vector.load %arg8[%get3A_158, %get3A_159] : memref<1024x256xf32, #tpu.memory_space<vmem>>, vector<8x256xf32>
      %jit3A_161 = arith.constant -3.400000e+38 : f32
      %broadcast_in_dim3A_162 = vector.broadcast %jit3A_161 : f32 to vector<8x256xf32>
      %select_n3A_163 = arith.select %eq3A_140, %get3A_160, %broadcast_in_dim3A_162 : vector<8x256xi1>, vector<8x256xf32>
      %reduce_max3A_164 = arith.constant dense<0xFF800000> : vector<256xf32>
      %reduce_max3A_165 = vector.multi_reduction <maximumf>, %select_n3A_163, %reduce_max3A_164 [0] : vector<8x256xf32> to vector<256xf32>
      %broadcast_in_dim3A_166 = vector.shape_cast %reduce_max3A_165 : vector<256xf32> to vector<1x256xf32>
      %get3A_167 = arith.index_cast %multiple_of3A : i32 to index
      %get3A_168 = arith.constant 0 : index
      %get3A_169 = vector.load %arg9[%get3A_167, %get3A_168] : memref<1024x256xf32, #tpu.memory_space<vmem>>, vector<8x256xf32>
      %jit3A_170 = arith.constant -3.400000e+38 : f32
      %broadcast_in_dim3A_171 = vector.broadcast %jit3A_170 : f32 to vector<8x256xf32>
      %select_n3A_172 = arith.select %eq3A_140, %get3A_169, %broadcast_in_dim3A_171 : vector<8x256xi1>, vector<8x256xf32>
      %reduce_max3A_173 = arith.constant dense<0xFF800000> : vector<256xf32>
      %reduce_max3A_174 = vector.multi_reduction <maximumf>, %select_n3A_172, %reduce_max3A_173 [0] : vector<8x256xf32> to vector<256xf32>
      %broadcast_in_dim3A_175 = vector.shape_cast %reduce_max3A_174 : vector<256xf32> to vector<1x256xf32>
      %get3A_176 = arith.index_cast %multiple_of3A : i32 to index
      %get3A_177 = arith.constant 0 : index
      %get3A_178 = vector.load %arg11[%get3A_176, %get3A_177] : memref<1024x256xf32, #tpu.memory_space<vmem>>, vector<8x256xf32>
      %jit3A_179 = arith.constant -3.400000e+38 : f32
      %broadcast_in_dim3A_180 = vector.broadcast %jit3A_179 : f32 to vector<8x256xf32>
      %select_n3A_181 = arith.select %eq3A_140, %get3A_178, %broadcast_in_dim3A_180 : vector<8x256xi1>, vector<8x256xf32>
      %reduce_max3A_182 = arith.constant dense<0xFF800000> : vector<256xf32>
      %reduce_max3A_183 = vector.multi_reduction <maximumf>, %select_n3A_181, %reduce_max3A_182 [0] : vector<8x256xf32> to vector<256xf32>
      %broadcast_in_dim3A_184 = vector.shape_cast %reduce_max3A_183 : vector<256xf32> to vector<1x256xf32>
      %get3A_185 = arith.index_cast %multiple_of3A : i32 to index
      %get3A_186 = arith.constant 0 : index
      %get3A_187 = vector.load %arg13[%get3A_185, %get3A_186] : memref<1024x256xf32, #tpu.memory_space<vmem>>, vector<8x256xf32>
      %jit3A_188 = arith.constant -3.400000e+38 : f32
      %broadcast_in_dim3A_189 = vector.broadcast %jit3A_188 : f32 to vector<8x256xf32>
      %select_n3A_190 = arith.select %eq3A_140, %get3A_187, %broadcast_in_dim3A_189 : vector<8x256xi1>, vector<8x256xf32>
      %reduce_max3A_191 = arith.constant dense<0xFF800000> : vector<256xf32>
      %reduce_max3A_192 = vector.multi_reduction <maximumf>, %select_n3A_190, %reduce_max3A_191 [0] : vector<8x256xf32> to vector<256xf32>
      %broadcast_in_dim3A_193 = vector.shape_cast %reduce_max3A_192 : vector<256xf32> to vector<1x256xf32>
      %mul3A_194 = arith.mulf %broadcast_in_dim3A_193, %broadcast_in_dim3A_184 : vector<1x256xf32>
      %gt3A = arith.constant 5.000000e-01 : f32
      %gt3A_195 = vector.broadcast %gt3A : f32 to vector<1x256xf32>
      %gt3A_196 = arith.cmpf ogt, %mul3A_194, %gt3A_195 : vector<1x256xf32>
      %sub3A_197 = arith.subf %broadcast_in_dim3A_166, %broadcast_in_dim3A_148 : vector<1x256xf32>
      %sub3A_198 = arith.subf %broadcast_in_dim3A_175, %broadcast_in_dim3A_157 : vector<1x256xf32>
      %mul3A_199 = arith.mulf %sub3A_197, %sub3A_198 : vector<1x256xf32>
      %get3A_200 = arith.constant 512 : index
      %get3A_201 = arith.constant 0 : index
      %get3A_202 = vector.load %arg6[%get3A_200, %get3A_201] : memref<1024x256xf32, #tpu.memory_space<vmem>>, vector<512x256xf32>
      %get3A_203 = arith.constant 512 : index
      %get3A_204 = arith.constant 0 : index
      %get3A_205 = vector.load %arg7[%get3A_203, %get3A_204] : memref<1024x256xf32, #tpu.memory_space<vmem>>, vector<512x256xf32>
      %get3A_206 = arith.constant 512 : index
      %get3A_207 = arith.constant 0 : index
      %get3A_208 = vector.load %arg8[%get3A_206, %get3A_207] : memref<1024x256xf32, #tpu.memory_space<vmem>>, vector<512x256xf32>
      %get3A_209 = arith.constant 512 : index
      %get3A_210 = arith.constant 0 : index
      %get3A_211 = vector.load %arg9[%get3A_209, %get3A_210] : memref<1024x256xf32, #tpu.memory_space<vmem>>, vector<512x256xf32>
      %get3A_212 = arith.constant 512 : index
      %get3A_213 = arith.constant 0 : index
      %get3A_214 = vector.load %arg10[%get3A_212, %get3A_213] : memref<1024x256xf32, #tpu.memory_space<vmem>>, vector<512x256xf32>
      %get3A_215 = arith.constant 512 : index
      %get3A_216 = arith.constant 0 : index
      %get3A_217 = vector.load %arg12[%get3A_215, %get3A_216] : memref<1024x256xi32, #tpu.memory_space<vmem>>, vector<512x256xi32>
      %min3A = vector.broadcast %broadcast_in_dim3A_166 : vector<1x256xf32> to vector<512x256xf32>
      %min3A_218 = arith.minimumf %min3A, %get3A_208 : vector<512x256xf32>
      %max3A = vector.broadcast %broadcast_in_dim3A_148 : vector<1x256xf32> to vector<512x256xf32>
      %max3A_219 = arith.maximumf %max3A, %get3A_202 : vector<512x256xf32>
      %sub3A_220 = arith.subf %min3A_218, %max3A_219 : vector<512x256xf32>
      %max3A_221 = arith.constant 0.000000e+00 : f32
      %max3A_222 = vector.broadcast %max3A_221 : f32 to vector<512x256xf32>
      %max3A_223 = arith.maximumf %sub3A_220, %max3A_222 : vector<512x256xf32>
      %min3A_224 = vector.broadcast %broadcast_in_dim3A_175 : vector<1x256xf32> to vector<512x256xf32>
      %min3A_225 = arith.minimumf %min3A_224, %get3A_211 : vector<512x256xf32>
      %max3A_226 = vector.broadcast %broadcast_in_dim3A_157 : vector<1x256xf32> to vector<512x256xf32>
      %max3A_227 = arith.maximumf %max3A_226, %get3A_205 : vector<512x256xf32>
      %sub3A_228 = arith.subf %min3A_225, %max3A_227 : vector<512x256xf32>
      %max3A_229 = arith.constant 0.000000e+00 : f32
      %max3A_230 = vector.broadcast %max3A_229 : f32 to vector<512x256xf32>
      %max3A_231 = arith.maximumf %sub3A_228, %max3A_230 : vector<512x256xf32>
      %mul3A_232 = arith.mulf %max3A_223, %max3A_231 : vector<512x256xf32>
      %mul3A_233 = arith.constant 3.000000e+00 : f32
      %mul3A_234 = vector.broadcast %mul3A_233 : f32 to vector<512x256xf32>
      %mul3A_235 = arith.mulf %mul3A_234, %mul3A_232 : vector<512x256xf32>
      %add3A_236 = vector.broadcast %mul3A_199 : vector<1x256xf32> to vector<512x256xf32>
      %add3A_237 = arith.addf %add3A_236, %get3A_214 : vector<512x256xf32>
      %gt3A_238 = arith.cmpf ogt, %mul3A_235, %add3A_237 : vector<512x256xf32>
      %gt3A_239 = vector.broadcast %scan3A_106 : i32 to vector<512x256xi32>
      %gt3A_240 = arith.cmpi sgt, %get3A_217, %gt3A_239 : vector<512x256xi32>
      %and3A_241 = arith.andi %gt3A_238, %gt3A_240 : vector<512x256xi1>
      %and3A_242 = vector.broadcast %gt3A_196 : vector<1x256xi1> to vector<512x256xi1>
      %and3A_243 = arith.andi %and3A_241, %and3A_242 : vector<512x256xi1>
      %get3A_244 = arith.constant 512 : index
      %get3A_245 = arith.constant 0 : index
      %get3A_246 = vector.load %arg13[%get3A_244, %get3A_245] : memref<1024x256xf32, #tpu.memory_space<vmem>>, vector<512x256xf32>
      %jit3A_247 = arith.constant 0.000000e+00 : f32
      %broadcast_in_dim3A_248 = vector.broadcast %jit3A_247 : f32 to vector<512x256xf32>
      %select_n3A_249 = arith.select %and3A_243, %broadcast_in_dim3A_248, %get3A_246 : vector<512x256xi1>, vector<512x256xf32>
      %swap3A_250 = arith.constant 512 : index
      %swap3A_251 = arith.constant 0 : index
      %swap3A_252 = vector.load %arg13[%swap3A_250, %swap3A_251] : memref<1024x256xf32, #tpu.memory_space<vmem>>, vector<512x256xf32>
      tpu.vector_store %arg13[%swap3A_250, %swap3A_251], %select_n3A_249 {strides = array<i32>} : memref<1024x256xf32, #tpu.memory_space<vmem>>, vector<512x256xf32>,
    }
    %scan3A_79 = arith.constant 128 : i32
    %scan3A_80 = arith.constant 640 : i32
    %scan3A_81 = arith.constant 128 : i32
    %scan3A_82 = arith.addi %scan3A_80, %scan3A_81 : i32
    %scan3A_83 = arith.constant 1 : i32
    scf.for %scan3A_106 = %scan3A_80 to %scan3A_82 step %scan3A_83  : i32 {
      %jit3A = arith.constant 8 : i32
      %div3A = arith.divsi %scan3A_106, %jit3A : i32
      %sign3A = arith.constant 0 : i32
      %sign3A_107 = arith.cmpi sgt, %scan3A_106, %sign3A : i32
      %sign3A_108 = arith.extui %sign3A_107 : i1 to i32
      %sign3A_109 = arith.constant 0 : i32
      %sign3A_110 = arith.cmpi slt, %scan3A_106, %sign3A_109 : i32
      %sign3A_111 = arith.extui %sign3A_110 : i1 to i32
      %sign3A_112 = arith.subi %sign3A_108, %sign3A_111 : i32
      %sign3A_113 = arith.constant 0 : i32
      %sign3A_114 = arith.cmpi sgt, %jit3A, %sign3A_113 : i32
      %sign3A_115 = arith.extui %sign3A_114 : i1 to i32
      %sign3A_116 = arith.constant 0 : i32
      %sign3A_117 = arith.cmpi slt, %jit3A, %sign3A_116 : i32
      %sign3A_118 = arith.extui %sign3A_117 : i1 to i32
      %sign3A_119 = arith.subi %sign3A_115, %sign3A_118 : i32
      %ne3A = arith.cmpi ne, %sign3A_112, %sign3A_119 : i32
      %rem3A = arith.remsi %scan3A_106, %jit3A : i32
      %ne3A_120 = arith.constant 0 : i32
      %ne3A_121 = arith.cmpi ne, %rem3A, %ne3A_120 : i32
      %and3A = arith.andi %ne3A, %ne3A_121 : i1
      %sub3A_122 = arith.constant 1 : i32
      %sub3A_123 = arith.subi %div3A, %sub3A_122 : i32
      %select_n3A = arith.select %and3A, %sub3A_123, %div3A : i32
      %mul3A_124 = arith.constant 8 : i32
      %mul3A_125 = arith.muli %select_n3A, %mul3A_124 : i32
      %multiple_of3A = tpu.assume_multiple %mul3A_125, 8 : i32
      %jit3A_126 = arith.constant 8 : i32
      %eq3A = arith.constant 0 : i32
      %eq3A_127 = arith.cmpi eq, %jit3A_126, %eq3A : i32
      %jit3A_128 = arith.constant 1 : i32
      %select_n3A_129 = arith.select %eq3A_127, %jit3A_128, %jit3A_126 : i32
      %rem3A_130 = arith.remsi %scan3A_106, %select_n3A_129 : i32
      %ne3A_131 = arith.constant 0 : i32
      %ne3A_132 = arith.cmpi ne, %rem3A_130, %ne3A_131 : i32
      %lt3A = arith.constant 0 : i32
      %lt3A_133 = arith.cmpi slt, %rem3A_130, %lt3A : i32
      %lt3A_134 = arith.constant 0 : i32
      %lt3A_135 = arith.cmpi slt, %select_n3A_129, %lt3A_134 : i32
      %ne3A_136 = arith.xori %lt3A_133, %lt3A_135 : i1
      %and3A_137 = arith.andi %ne3A_136, %ne3A_132 : i1
      %add3A = arith.addi %rem3A_130, %select_n3A_129 : i32
      %select_n3A_138 = arith.select %and3A_137, %add3A, %rem3A_130 : i32
      %eq3A_139 = vector.broadcast %select_n3A_138 : i32 to vector<8x256xi32>
      %eq3A_140 = arith.cmpi eq, %iota3A_55, %eq3A_139 : vector<8x256xi32>
      %get3A_141 = arith.index_cast %multiple_of3A : i32 to index
      %get3A_142 = arith.constant 0 : index
      %get3A_143 = vector.load %arg6[%get3A_141, %get3A_142] : memref<1024x256xf32, #tpu.memory_space<vmem>>, vector<8x256xf32>
      %jit3A_144 = arith.constant -3.400000e+38 : f32
      %broadcast_in_dim3A_145 = vector.broadcast %jit3A_144 : f32 to vector<8x256xf32>
      %select_n3A_146 = arith.select %eq3A_140, %get3A_143, %broadcast_in_dim3A_145 : vector<8x256xi1>, vector<8x256xf32>
      %reduce_max3A = arith.constant dense<0xFF800000> : vector<256xf32>
      %reduce_max3A_147 = vector.multi_reduction <maximumf>, %select_n3A_146, %reduce_max3A [0] : vector<8x256xf32> to vector<256xf32>
      %broadcast_in_dim3A_148 = vector.shape_cast %reduce_max3A_147 : vector<256xf32> to vector<1x256xf32>
      %get3A_149 = arith.index_cast %multiple_of3A : i32 to index
      %get3A_150 = arith.constant 0 : index
      %get3A_151 = vector.load %arg7[%get3A_149, %get3A_150] : memref<1024x256xf32, #tpu.memory_space<vmem>>, vector<8x256xf32>
      %jit3A_152 = arith.constant -3.400000e+38 : f32
      %broadcast_in_dim3A_153 = vector.broadcast %jit3A_152 : f32 to vector<8x256xf32>
      %select_n3A_154 = arith.select %eq3A_140, %get3A_151, %broadcast_in_dim3A_153 : vector<8x256xi1>, vector<8x256xf32>
      %reduce_max3A_155 = arith.constant dense<0xFF800000> : vector<256xf32>
      %reduce_max3A_156 = vector.multi_reduction <maximumf>, %select_n3A_154, %reduce_max3A_155 [0] : vector<8x256xf32> to vector<256xf32>
      %broadcast_in_dim3A_157 = vector.shape_cast %reduce_max3A_156 : vector<256xf32> to vector<1x256xf32>
      %get3A_158 = arith.index_cast %multiple_of3A : i32 to index
      %get3A_159 = arith.constant 0 : index
      %get3A_160 = vector.load %arg8[%get3A_158, %get3A_159] : memref<1024x256xf32, #tpu.memory_space<vmem>>, vector<8x256xf32>
      %jit3A_161 = arith.constant -3.400000e+38 : f32
      %broadcast_in_dim3A_162 = vector.broadcast %jit3A_161 : f32 to vector<8x256xf32>
      %select_n3A_163 = arith.select %eq3A_140, %get3A_160, %broadcast_in_dim3A_162 : vector<8x256xi1>, vector<8x256xf32>
      %reduce_max3A_164 = arith.constant dense<0xFF800000> : vector<256xf32>
      %reduce_max3A_165 = vector.multi_reduction <maximumf>, %select_n3A_163, %reduce_max3A_164 [0] : vector<8x256xf32> to vector<256xf32>
      %broadcast_in_dim3A_166 = vector.shape_cast %reduce_max3A_165 : vector<256xf32> to vector<1x256xf32>
      %get3A_167 = arith.index_cast %multiple_of3A : i32 to index
      %get3A_168 = arith.constant 0 : index
      %get3A_169 = vector.load %arg9[%get3A_167, %get3A_168] : memref<1024x256xf32, #tpu.memory_space<vmem>>, vector<8x256xf32>
      %jit3A_170 = arith.constant -3.400000e+38 : f32
      %broadcast_in_dim3A_171 = vector.broadcast %jit3A_170 : f32 to vector<8x256xf32>
      %select_n3A_172 = arith.select %eq3A_140, %get3A_169, %broadcast_in_dim3A_171 : vector<8x256xi1>, vector<8x256xf32>
      %reduce_max3A_173 = arith.constant dense<0xFF800000> : vector<256xf32>
      %reduce_max3A_174 = vector.multi_reduction <maximumf>, %select_n3A_172, %reduce_max3A_173 [0] : vector<8x256xf32> to vector<256xf32>
      %broadcast_in_dim3A_175 = vector.shape_cast %reduce_max3A_174 : vector<256xf32> to vector<1x256xf32>
      %get3A_176 = arith.index_cast %multiple_of3A : i32 to index
      %get3A_177 = arith.constant 0 : index
      %get3A_178 = vector.load %arg11[%get3A_176, %get3A_177] : memref<1024x256xf32, #tpu.memory_space<vmem>>, vector<8x256xf32>
      %jit3A_179 = arith.constant -3.400000e+38 : f32
      %broadcast_in_dim3A_180 = vector.broadcast %jit3A_179 : f32 to vector<8x256xf32>
      %select_n3A_181 = arith.select %eq3A_140, %get3A_178, %broadcast_in_dim3A_180 : vector<8x256xi1>, vector<8x256xf32>
      %reduce_max3A_182 = arith.constant dense<0xFF800000> : vector<256xf32>
      %reduce_max3A_183 = vector.multi_reduction <maximumf>, %select_n3A_181, %reduce_max3A_182 [0] : vector<8x256xf32> to vector<256xf32>
      %broadcast_in_dim3A_184 = vector.shape_cast %reduce_max3A_183 : vector<256xf32> to vector<1x256xf32>
      %get3A_185 = arith.index_cast %multiple_of3A : i32 to index
      %get3A_186 = arith.constant 0 : index
      %get3A_187 = vector.load %arg13[%get3A_185, %get3A_186] : memref<1024x256xf32, #tpu.memory_space<vmem>>, vector<8x256xf32>
      %jit3A_188 = arith.constant -3.400000e+38 : f32
      %broadcast_in_dim3A_189 = vector.broadcast %jit3A_188 : f32 to vector<8x256xf32>
      %select_n3A_190 = arith.select %eq3A_140, %get3A_187, %broadcast_in_dim3A_189 : vector<8x256xi1>, vector<8x256xf32>
      %reduce_max3A_191 = arith.constant dense<0xFF800000> : vector<256xf32>
      %reduce_max3A_192 = vector.multi_reduction <maximumf>, %select_n3A_190, %reduce_max3A_191 [0] : vector<8x256xf32> to vector<256xf32>
      %broadcast_in_dim3A_193 = vector.shape_cast %reduce_max3A_192 : vector<256xf32> to vector<1x256xf32>
      %mul3A_194 = arith.mulf %broadcast_in_dim3A_193, %broadcast_in_dim3A_184 : vector<1x256xf32>
      %gt3A = arith.constant 5.000000e-01 : f32
      %gt3A_195 = vector.broadcast %gt3A : f32 to vector<1x256xf32>
      %gt3A_196 = arith.cmpf ogt, %mul3A_194, %gt3A_195 : vector<1x256xf32>
      %sub3A_197 = arith.subf %broadcast_in_dim3A_166, %broadcast_in_dim3A_148 : vector<1x256xf32>
      %sub3A_198 = arith.subf %broadcast_in_dim3A_175, %broadcast_in_dim3A_157 : vector<1x256xf32>
      %mul3A_199 = arith.mulf %sub3A_197, %sub3A_198 : vector<1x256xf32>
      %get3A_200 = arith.constant 640 : index
      %get3A_201 = arith.constant 0 : index
      %get3A_202 = vector.load %arg6[%get3A_200, %get3A_201] : memref<1024x256xf32, #tpu.memory_space<vmem>>, vector<384x256xf32>
      %get3A_203 = arith.constant 640 : index
      %get3A_204 = arith.constant 0 : index
      %get3A_205 = vector.load %arg7[%get3A_203, %get3A_204] : memref<1024x256xf32, #tpu.memory_space<vmem>>, vector<384x256xf32>
      %get3A_206 = arith.constant 640 : index
      %get3A_207 = arith.constant 0 : index
      %get3A_208 = vector.load %arg8[%get3A_206, %get3A_207] : memref<1024x256xf32, #tpu.memory_space<vmem>>, vector<384x256xf32>
      %get3A_209 = arith.constant 640 : index
      %get3A_210 = arith.constant 0 : index
      %get3A_211 = vector.load %arg9[%get3A_209, %get3A_210] : memref<1024x256xf32, #tpu.memory_space<vmem>>, vector<384x256xf32>
      %get3A_212 = arith.constant 640 : index
      %get3A_213 = arith.constant 0 : index
      %get3A_214 = vector.load %arg10[%get3A_212, %get3A_213] : memref<1024x256xf32, #tpu.memory_space<vmem>>, vector<384x256xf32>
      %get3A_215 = arith.constant 640 : index
      %get3A_216 = arith.constant 0 : index
      %get3A_217 = vector.load %arg12[%get3A_215, %get3A_216] : memref<1024x256xi32, #tpu.memory_space<vmem>>, vector<384x256xi32>
      %min3A = vector.broadcast %broadcast_in_dim3A_166 : vector<1x256xf32> to vector<384x256xf32>
      %min3A_218 = arith.minimumf %min3A, %get3A_208 : vector<384x256xf32>
      %max3A = vector.broadcast %broadcast_in_dim3A_148 : vector<1x256xf32> to vector<384x256xf32>
      %max3A_219 = arith.maximumf %max3A, %get3A_202 : vector<384x256xf32>
      %sub3A_220 = arith.subf %min3A_218, %max3A_219 : vector<384x256xf32>
      %max3A_221 = arith.constant 0.000000e+00 : f32
      %max3A_222 = vector.broadcast %max3A_221 : f32 to vector<384x256xf32>
      %max3A_223 = arith.maximumf %sub3A_220, %max3A_222 : vector<384x256xf32>
      %min3A_224 = vector.broadcast %broadcast_in_dim3A_175 : vector<1x256xf32> to vector<384x256xf32>
      %min3A_225 = arith.minimumf %min3A_224, %get3A_211 : vector<384x256xf32>
      %max3A_226 = vector.broadcast %broadcast_in_dim3A_157 : vector<1x256xf32> to vector<384x256xf32>
      %max3A_227 = arith.maximumf %max3A_226, %get3A_205 : vector<384x256xf32>
      %sub3A_228 = arith.subf %min3A_225, %max3A_227 : vector<384x256xf32>
      %max3A_229 = arith.constant 0.000000e+00 : f32
      %max3A_230 = vector.broadcast %max3A_229 : f32 to vector<384x256xf32>
      %max3A_231 = arith.maximumf %sub3A_228, %max3A_230 : vector<384x256xf32>
      %mul3A_232 = arith.mulf %max3A_223, %max3A_231 : vector<384x256xf32>
      %mul3A_233 = arith.constant 3.000000e+00 : f32
      %mul3A_234 = vector.broadcast %mul3A_233 : f32 to vector<384x256xf32>
      %mul3A_235 = arith.mulf %mul3A_234, %mul3A_232 : vector<384x256xf32>
      %add3A_236 = vector.broadcast %mul3A_199 : vector<1x256xf32> to vector<384x256xf32>
      %add3A_237 = arith.addf %add3A_236, %get3A_214 : vector<384x256xf32>
      %gt3A_238 = arith.cmpf ogt, %mul3A_235, %add3A_237 : vector<384x256xf32>
      %gt3A_239 = vector.broadcast %scan3A_106 : i32 to vector<384x256xi32>
      %gt3A_240 = arith.cmpi sgt, %get3A_217, %gt3A_239 : vector<384x256xi32>
      %and3A_241 = arith.andi %gt3A_238, %gt3A_240 : vector<384x256xi1>
      %and3A_242 = vector.broadcast %gt3A_196 : vector<1x256xi1> to vector<384x256xi1>
      %and3A_243 = arith.andi %and3A_241, %and3A_242 : vector<384x256xi1>
      %get3A_244 = arith.constant 640 : index
      %get3A_245 = arith.constant 0 : index
      %get3A_246 = vector.load %arg13[%get3A_244, %get3A_245] : memref<1024x256xf32, #tpu.memory_space<vmem>>, vector<384x256xf32>
      %jit3A_247 = arith.constant 0.000000e+00 : f32
      %broadcast_in_dim3A_248 = vector.broadcast %jit3A_247 : f32 to vector<384x256xf32>
      %select_n3A_249 = arith.select %and3A_243, %broadcast_in_dim3A_248, %get3A_246 : vector<384x256xi1>, vector<384x256xf32>
      %swap3A_250 = arith.constant 640 : index
      %swap3A_251 = arith.constant 0 : index
      %swap3A_252 = vector.load %arg13[%swap3A_250, %swap3A_251] : memref<1024x256xf32, #tpu.memory_space<vmem>>, vector<384x256xf32>
      tpu.vector_store %arg13[%swap3A_250, %swap3A_251], %select_n3A_249 {strides = array<i32>} : memref<1024x256xf32, #tpu.memory_space<vmem>>, vector<384x256xf32>,
    }
    %scan3A_84 = arith.constant 128 : i32
    %scan3A_85 = arith.constant 768 : i32
    %scan3A_86 = arith.constant 128 : i32
    %scan3A_87 = arith.addi %scan3A_85, %scan3A_86 : i32
    %scan3A_88 = arith.constant 1 : i32
    scf.for %scan3A_106 = %scan3A_85 to %scan3A_87 step %scan3A_88  : i32 {
      %jit3A = arith.constant 8 : i32
      %div3A = arith.divsi %scan3A_106, %jit3A : i32
      %sign3A = arith.constant 0 : i32
      %sign3A_107 = arith.cmpi sgt, %scan3A_106, %sign3A : i32
      %sign3A_108 = arith.extui %sign3A_107 : i1 to i32
      %sign3A_109 = arith.constant 0 : i32
      %sign3A_110 = arith.cmpi slt, %scan3A_106, %sign3A_109 : i32
      %sign3A_111 = arith.extui %sign3A_110 : i1 to i32
      %sign3A_112 = arith.subi %sign3A_108, %sign3A_111 : i32
      %sign3A_113 = arith.constant 0 : i32
      %sign3A_114 = arith.cmpi sgt, %jit3A, %sign3A_113 : i32
      %sign3A_115 = arith.extui %sign3A_114 : i1 to i32
      %sign3A_116 = arith.constant 0 : i32
      %sign3A_117 = arith.cmpi slt, %jit3A, %sign3A_116 : i32
      %sign3A_118 = arith.extui %sign3A_117 : i1 to i32
      %sign3A_119 = arith.subi %sign3A_115, %sign3A_118 : i32
      %ne3A = arith.cmpi ne, %sign3A_112, %sign3A_119 : i32
      %rem3A = arith.remsi %scan3A_106, %jit3A : i32
      %ne3A_120 = arith.constant 0 : i32
      %ne3A_121 = arith.cmpi ne, %rem3A, %ne3A_120 : i32
      %and3A = arith.andi %ne3A, %ne3A_121 : i1
      %sub3A_122 = arith.constant 1 : i32
      %sub3A_123 = arith.subi %div3A, %sub3A_122 : i32
      %select_n3A = arith.select %and3A, %sub3A_123, %div3A : i32
      %mul3A_124 = arith.constant 8 : i32
      %mul3A_125 = arith.muli %select_n3A, %mul3A_124 : i32
      %multiple_of3A = tpu.assume_multiple %mul3A_125, 8 : i32
      %jit3A_126 = arith.constant 8 : i32
      %eq3A = arith.constant 0 : i32
      %eq3A_127 = arith.cmpi eq, %jit3A_126, %eq3A : i32
      %jit3A_128 = arith.constant 1 : i32
      %select_n3A_129 = arith.select %eq3A_127, %jit3A_128, %jit3A_126 : i32
      %rem3A_130 = arith.remsi %scan3A_106, %select_n3A_129 : i32
      %ne3A_131 = arith.constant 0 : i32
      %ne3A_132 = arith.cmpi ne, %rem3A_130, %ne3A_131 : i32
      %lt3A = arith.constant 0 : i32
      %lt3A_133 = arith.cmpi slt, %rem3A_130, %lt3A : i32
      %lt3A_134 = arith.constant 0 : i32
      %lt3A_135 = arith.cmpi slt, %select_n3A_129, %lt3A_134 : i32
      %ne3A_136 = arith.xori %lt3A_133, %lt3A_135 : i1
      %and3A_137 = arith.andi %ne3A_136, %ne3A_132 : i1
      %add3A = arith.addi %rem3A_130, %select_n3A_129 : i32
      %select_n3A_138 = arith.select %and3A_137, %add3A, %rem3A_130 : i32
      %eq3A_139 = vector.broadcast %select_n3A_138 : i32 to vector<8x256xi32>
      %eq3A_140 = arith.cmpi eq, %iota3A_55, %eq3A_139 : vector<8x256xi32>
      %get3A_141 = arith.index_cast %multiple_of3A : i32 to index
      %get3A_142 = arith.constant 0 : index
      %get3A_143 = vector.load %arg6[%get3A_141, %get3A_142] : memref<1024x256xf32, #tpu.memory_space<vmem>>, vector<8x256xf32>
      %jit3A_144 = arith.constant -3.400000e+38 : f32
      %broadcast_in_dim3A_145 = vector.broadcast %jit3A_144 : f32 to vector<8x256xf32>
      %select_n3A_146 = arith.select %eq3A_140, %get3A_143, %broadcast_in_dim3A_145 : vector<8x256xi1>, vector<8x256xf32>
      %reduce_max3A = arith.constant dense<0xFF800000> : vector<256xf32>
      %reduce_max3A_147 = vector.multi_reduction <maximumf>, %select_n3A_146, %reduce_max3A [0] : vector<8x256xf32> to vector<256xf32>
      %broadcast_in_dim3A_148 = vector.shape_cast %reduce_max3A_147 : vector<256xf32> to vector<1x256xf32>
      %get3A_149 = arith.index_cast %multiple_of3A : i32 to index
      %get3A_150 = arith.constant 0 : index
      %get3A_151 = vector.load %arg7[%get3A_149, %get3A_150] : memref<1024x256xf32, #tpu.memory_space<vmem>>, vector<8x256xf32>
      %jit3A_152 = arith.constant -3.400000e+38 : f32
      %broadcast_in_dim3A_153 = vector.broadcast %jit3A_152 : f32 to vector<8x256xf32>
      %select_n3A_154 = arith.select %eq3A_140, %get3A_151, %broadcast_in_dim3A_153 : vector<8x256xi1>, vector<8x256xf32>
      %reduce_max3A_155 = arith.constant dense<0xFF800000> : vector<256xf32>
      %reduce_max3A_156 = vector.multi_reduction <maximumf>, %select_n3A_154, %reduce_max3A_155 [0] : vector<8x256xf32> to vector<256xf32>
      %broadcast_in_dim3A_157 = vector.shape_cast %reduce_max3A_156 : vector<256xf32> to vector<1x256xf32>
      %get3A_158 = arith.index_cast %multiple_of3A : i32 to index
      %get3A_159 = arith.constant 0 : index
      %get3A_160 = vector.load %arg8[%get3A_158, %get3A_159] : memref<1024x256xf32, #tpu.memory_space<vmem>>, vector<8x256xf32>
      %jit3A_161 = arith.constant -3.400000e+38 : f32
      %broadcast_in_dim3A_162 = vector.broadcast %jit3A_161 : f32 to vector<8x256xf32>
      %select_n3A_163 = arith.select %eq3A_140, %get3A_160, %broadcast_in_dim3A_162 : vector<8x256xi1>, vector<8x256xf32>
      %reduce_max3A_164 = arith.constant dense<0xFF800000> : vector<256xf32>
      %reduce_max3A_165 = vector.multi_reduction <maximumf>, %select_n3A_163, %reduce_max3A_164 [0] : vector<8x256xf32> to vector<256xf32>
      %broadcast_in_dim3A_166 = vector.shape_cast %reduce_max3A_165 : vector<256xf32> to vector<1x256xf32>
      %get3A_167 = arith.index_cast %multiple_of3A : i32 to index
      %get3A_168 = arith.constant 0 : index
      %get3A_169 = vector.load %arg9[%get3A_167, %get3A_168] : memref<1024x256xf32, #tpu.memory_space<vmem>>, vector<8x256xf32>
      %jit3A_170 = arith.constant -3.400000e+38 : f32
      %broadcast_in_dim3A_171 = vector.broadcast %jit3A_170 : f32 to vector<8x256xf32>
      %select_n3A_172 = arith.select %eq3A_140, %get3A_169, %broadcast_in_dim3A_171 : vector<8x256xi1>, vector<8x256xf32>
      %reduce_max3A_173 = arith.constant dense<0xFF800000> : vector<256xf32>
      %reduce_max3A_174 = vector.multi_reduction <maximumf>, %select_n3A_172, %reduce_max3A_173 [0] : vector<8x256xf32> to vector<256xf32>
      %broadcast_in_dim3A_175 = vector.shape_cast %reduce_max3A_174 : vector<256xf32> to vector<1x256xf32>
      %get3A_176 = arith.index_cast %multiple_of3A : i32 to index
      %get3A_177 = arith.constant 0 : index
      %get3A_178 = vector.load %arg11[%get3A_176, %get3A_177] : memref<1024x256xf32, #tpu.memory_space<vmem>>, vector<8x256xf32>
      %jit3A_179 = arith.constant -3.400000e+38 : f32
      %broadcast_in_dim3A_180 = vector.broadcast %jit3A_179 : f32 to vector<8x256xf32>
      %select_n3A_181 = arith.select %eq3A_140, %get3A_178, %broadcast_in_dim3A_180 : vector<8x256xi1>, vector<8x256xf32>
      %reduce_max3A_182 = arith.constant dense<0xFF800000> : vector<256xf32>
      %reduce_max3A_183 = vector.multi_reduction <maximumf>, %select_n3A_181, %reduce_max3A_182 [0] : vector<8x256xf32> to vector<256xf32>
      %broadcast_in_dim3A_184 = vector.shape_cast %reduce_max3A_183 : vector<256xf32> to vector<1x256xf32>
      %get3A_185 = arith.index_cast %multiple_of3A : i32 to index
      %get3A_186 = arith.constant 0 : index
      %get3A_187 = vector.load %arg13[%get3A_185, %get3A_186] : memref<1024x256xf32, #tpu.memory_space<vmem>>, vector<8x256xf32>
      %jit3A_188 = arith.constant -3.400000e+38 : f32
      %broadcast_in_dim3A_189 = vector.broadcast %jit3A_188 : f32 to vector<8x256xf32>
      %select_n3A_190 = arith.select %eq3A_140, %get3A_187, %broadcast_in_dim3A_189 : vector<8x256xi1>, vector<8x256xf32>
      %reduce_max3A_191 = arith.constant dense<0xFF800000> : vector<256xf32>
      %reduce_max3A_192 = vector.multi_reduction <maximumf>, %select_n3A_190, %reduce_max3A_191 [0] : vector<8x256xf32> to vector<256xf32>
      %broadcast_in_dim3A_193 = vector.shape_cast %reduce_max3A_192 : vector<256xf32> to vector<1x256xf32>
      %mul3A_194 = arith.mulf %broadcast_in_dim3A_193, %broadcast_in_dim3A_184 : vector<1x256xf32>
      %gt3A = arith.constant 5.000000e-01 : f32
      %gt3A_195 = vector.broadcast %gt3A : f32 to vector<1x256xf32>
      %gt3A_196 = arith.cmpf ogt, %mul3A_194, %gt3A_195 : vector<1x256xf32>
      %sub3A_197 = arith.subf %broadcast_in_dim3A_166, %broadcast_in_dim3A_148 : vector<1x256xf32>
      %sub3A_198 = arith.subf %broadcast_in_dim3A_175, %broadcast_in_dim3A_157 : vector<1x256xf32>
      %mul3A_199 = arith.mulf %sub3A_197, %sub3A_198 : vector<1x256xf32>
      %get3A_200 = arith.constant 768 : index
      %get3A_201 = arith.constant 0 : index
      %get3A_202 = vector.load %arg6[%get3A_200, %get3A_201] : memref<1024x256xf32, #tpu.memory_space<vmem>>, vector<256x256xf32>
      %get3A_203 = arith.constant 768 : index
      %get3A_204 = arith.constant 0 : index
      %get3A_205 = vector.load %arg7[%get3A_203, %get3A_204] : memref<1024x256xf32, #tpu.memory_space<vmem>>, vector<256x256xf32>
      %get3A_206 = arith.constant 768 : index
      %get3A_207 = arith.constant 0 : index
      %get3A_208 = vector.load %arg8[%get3A_206, %get3A_207] : memref<1024x256xf32, #tpu.memory_space<vmem>>, vector<256x256xf32>
      %get3A_209 = arith.constant 768 : index
      %get3A_210 = arith.constant 0 : index
      %get3A_211 = vector.load %arg9[%get3A_209, %get3A_210] : memref<1024x256xf32, #tpu.memory_space<vmem>>, vector<256x256xf32>
      %get3A_212 = arith.constant 768 : index
      %get3A_213 = arith.constant 0 : index
      %get3A_214 = vector.load %arg10[%get3A_212, %get3A_213] : memref<1024x256xf32, #tpu.memory_space<vmem>>, vector<256x256xf32>
      %get3A_215 = arith.constant 768 : index
      %get3A_216 = arith.constant 0 : index
      %get3A_217 = vector.load %arg12[%get3A_215, %get3A_216] : memref<1024x256xi32, #tpu.memory_space<vmem>>, vector<256x256xi32>
      %min3A = vector.broadcast %broadcast_in_dim3A_166 : vector<1x256xf32> to vector<256x256xf32>
      %min3A_218 = arith.minimumf %min3A, %get3A_208 : vector<256x256xf32>
      %max3A = vector.broadcast %broadcast_in_dim3A_148 : vector<1x256xf32> to vector<256x256xf32>
      %max3A_219 = arith.maximumf %max3A, %get3A_202 : vector<256x256xf32>
      %sub3A_220 = arith.subf %min3A_218, %max3A_219 : vector<256x256xf32>
      %max3A_221 = arith.constant 0.000000e+00 : f32
      %max3A_222 = vector.broadcast %max3A_221 : f32 to vector<256x256xf32>
      %max3A_223 = arith.maximumf %sub3A_220, %max3A_222 : vector<256x256xf32>
      %min3A_224 = vector.broadcast %broadcast_in_dim3A_175 : vector<1x256xf32> to vector<256x256xf32>
      %min3A_225 = arith.minimumf %min3A_224, %get3A_211 : vector<256x256xf32>
      %max3A_226 = vector.broadcast %broadcast_in_dim3A_157 : vector<1x256xf32> to vector<256x256xf32>
      %max3A_227 = arith.maximumf %max3A_226, %get3A_205 : vector<256x256xf32>
      %sub3A_228 = arith.subf %min3A_225, %max3A_227 : vector<256x256xf32>
      %max3A_229 = arith.constant 0.000000e+00 : f32
      %max3A_230 = vector.broadcast %max3A_229 : f32 to vector<256x256xf32>
      %max3A_231 = arith.maximumf %sub3A_228, %max3A_230 : vector<256x256xf32>
      %mul3A_232 = arith.mulf %max3A_223, %max3A_231 : vector<256x256xf32>
      %mul3A_233 = arith.constant 3.000000e+00 : f32
      %mul3A_234 = vector.broadcast %mul3A_233 : f32 to vector<256x256xf32>
      %mul3A_235 = arith.mulf %mul3A_234, %mul3A_232 : vector<256x256xf32>
      %add3A_236 = vector.broadcast %mul3A_199 : vector<1x256xf32> to vector<256x256xf32>
      %add3A_237 = arith.addf %add3A_236, %get3A_214 : vector<256x256xf32>
      %gt3A_238 = arith.cmpf ogt, %mul3A_235, %add3A_237 : vector<256x256xf32>
      %gt3A_239 = vector.broadcast %scan3A_106 : i32 to vector<256x256xi32>
      %gt3A_240 = arith.cmpi sgt, %get3A_217, %gt3A_239 : vector<256x256xi32>
      %and3A_241 = arith.andi %gt3A_238, %gt3A_240 : vector<256x256xi1>
      %and3A_242 = vector.broadcast %gt3A_196 : vector<1x256xi1> to vector<256x256xi1>
      %and3A_243 = arith.andi %and3A_241, %and3A_242 : vector<256x256xi1>
      %get3A_244 = arith.constant 768 : index
      %get3A_245 = arith.constant 0 : index
      %get3A_246 = vector.load %arg13[%get3A_244, %get3A_245] : memref<1024x256xf32, #tpu.memory_space<vmem>>, vector<256x256xf32>
      %jit3A_247 = arith.constant 0.000000e+00 : f32
      %broadcast_in_dim3A_248 = vector.broadcast %jit3A_247 : f32 to vector<256x256xf32>
      %select_n3A_249 = arith.select %and3A_243, %broadcast_in_dim3A_248, %get3A_246 : vector<256x256xi1>, vector<256x256xf32>
      %swap3A_250 = arith.constant 768 : index
      %swap3A_251 = arith.constant 0 : index
      %swap3A_252 = vector.load %arg13[%swap3A_250, %swap3A_251] : memref<1024x256xf32, #tpu.memory_space<vmem>>, vector<256x256xf32>
      tpu.vector_store %arg13[%swap3A_250, %swap3A_251], %select_n3A_249 {strides = array<i32>} : memref<1024x256xf32, #tpu.memory_space<vmem>>, vector<256x256xf32>,
    }
    %scan3A_89 = arith.constant 128 : i32
    %scan3A_90 = arith.constant 896 : i32
    %scan3A_91 = arith.constant 104 : i32
    %scan3A_92 = arith.addi %scan3A_90, %scan3A_91 : i32
    %scan3A_93 = arith.constant 1 : i32
    scf.for %scan3A_106 = %scan3A_90 to %scan3A_92 step %scan3A_93  : i32 {
      %jit3A = arith.constant 8 : i32
      %div3A = arith.divsi %scan3A_106, %jit3A : i32
      %sign3A = arith.constant 0 : i32
      %sign3A_107 = arith.cmpi sgt, %scan3A_106, %sign3A : i32
      %sign3A_108 = arith.extui %sign3A_107 : i1 to i32
      %sign3A_109 = arith.constant 0 : i32
      %sign3A_110 = arith.cmpi slt, %scan3A_106, %sign3A_109 : i32
      %sign3A_111 = arith.extui %sign3A_110 : i1 to i32
      %sign3A_112 = arith.subi %sign3A_108, %sign3A_111 : i32
      %sign3A_113 = arith.constant 0 : i32
      %sign3A_114 = arith.cmpi sgt, %jit3A, %sign3A_113 : i32
      %sign3A_115 = arith.extui %sign3A_114 : i1 to i32
      %sign3A_116 = arith.constant 0 : i32
      %sign3A_117 = arith.cmpi slt, %jit3A, %sign3A_116 : i32
      %sign3A_118 = arith.extui %sign3A_117 : i1 to i32
      %sign3A_119 = arith.subi %sign3A_115, %sign3A_118 : i32
      %ne3A = arith.cmpi ne, %sign3A_112, %sign3A_119 : i32
      %rem3A = arith.remsi %scan3A_106, %jit3A : i32
      %ne3A_120 = arith.constant 0 : i32
      %ne3A_121 = arith.cmpi ne, %rem3A, %ne3A_120 : i32
      %and3A = arith.andi %ne3A, %ne3A_121 : i1
      %sub3A_122 = arith.constant 1 : i32
      %sub3A_123 = arith.subi %div3A, %sub3A_122 : i32
      %select_n3A = arith.select %and3A, %sub3A_123, %div3A : i32
      %mul3A_124 = arith.constant 8 : i32
      %mul3A_125 = arith.muli %select_n3A, %mul3A_124 : i32
      %multiple_of3A = tpu.assume_multiple %mul3A_125, 8 : i32
      %jit3A_126 = arith.constant 8 : i32
      %eq3A = arith.constant 0 : i32
      %eq3A_127 = arith.cmpi eq, %jit3A_126, %eq3A : i32
      %jit3A_128 = arith.constant 1 : i32
      %select_n3A_129 = arith.select %eq3A_127, %jit3A_128, %jit3A_126 : i32
      %rem3A_130 = arith.remsi %scan3A_106, %select_n3A_129 : i32
      %ne3A_131 = arith.constant 0 : i32
      %ne3A_132 = arith.cmpi ne, %rem3A_130, %ne3A_131 : i32
      %lt3A = arith.constant 0 : i32
      %lt3A_133 = arith.cmpi slt, %rem3A_130, %lt3A : i32
      %lt3A_134 = arith.constant 0 : i32
      %lt3A_135 = arith.cmpi slt, %select_n3A_129, %lt3A_134 : i32
      %ne3A_136 = arith.xori %lt3A_133, %lt3A_135 : i1
      %and3A_137 = arith.andi %ne3A_136, %ne3A_132 : i1
      %add3A = arith.addi %rem3A_130, %select_n3A_129 : i32
      %select_n3A_138 = arith.select %and3A_137, %add3A, %rem3A_130 : i32
      %eq3A_139 = vector.broadcast %select_n3A_138 : i32 to vector<8x256xi32>
      %eq3A_140 = arith.cmpi eq, %iota3A_55, %eq3A_139 : vector<8x256xi32>
      %get3A_141 = arith.index_cast %multiple_of3A : i32 to index
      %get3A_142 = arith.constant 0 : index
      %get3A_143 = vector.load %arg6[%get3A_141, %get3A_142] : memref<1024x256xf32, #tpu.memory_space<vmem>>, vector<8x256xf32>
      %jit3A_144 = arith.constant -3.400000e+38 : f32
      %broadcast_in_dim3A_145 = vector.broadcast %jit3A_144 : f32 to vector<8x256xf32>
      %select_n3A_146 = arith.select %eq3A_140, %get3A_143, %broadcast_in_dim3A_145 : vector<8x256xi1>, vector<8x256xf32>
      %reduce_max3A = arith.constant dense<0xFF800000> : vector<256xf32>
      %reduce_max3A_147 = vector.multi_reduction <maximumf>, %select_n3A_146, %reduce_max3A [0] : vector<8x256xf32> to vector<256xf32>
      %broadcast_in_dim3A_148 = vector.shape_cast %reduce_max3A_147 : vector<256xf32> to vector<1x256xf32>
      %get3A_149 = arith.index_cast %multiple_of3A : i32 to index
      %get3A_150 = arith.constant 0 : index
      %get3A_151 = vector.load %arg7[%get3A_149, %get3A_150] : memref<1024x256xf32, #tpu.memory_space<vmem>>, vector<8x256xf32>
      %jit3A_152 = arith.constant -3.400000e+38 : f32
      %broadcast_in_dim3A_153 = vector.broadcast %jit3A_152 : f32 to vector<8x256xf32>
      %select_n3A_154 = arith.select %eq3A_140, %get3A_151, %broadcast_in_dim3A_153 : vector<8x256xi1>, vector<8x256xf32>
      %reduce_max3A_155 = arith.constant dense<0xFF800000> : vector<256xf32>
      %reduce_max3A_156 = vector.multi_reduction <maximumf>, %select_n3A_154, %reduce_max3A_155 [0] : vector<8x256xf32> to vector<256xf32>
      %broadcast_in_dim3A_157 = vector.shape_cast %reduce_max3A_156 : vector<256xf32> to vector<1x256xf32>
      %get3A_158 = arith.index_cast %multiple_of3A : i32 to index
      %get3A_159 = arith.constant 0 : index
      %get3A_160 = vector.load %arg8[%get3A_158, %get3A_159] : memref<1024x256xf32, #tpu.memory_space<vmem>>, vector<8x256xf32>
      %jit3A_161 = arith.constant -3.400000e+38 : f32
      %broadcast_in_dim3A_162 = vector.broadcast %jit3A_161 : f32 to vector<8x256xf32>
      %select_n3A_163 = arith.select %eq3A_140, %get3A_160, %broadcast_in_dim3A_162 : vector<8x256xi1>, vector<8x256xf32>
      %reduce_max3A_164 = arith.constant dense<0xFF800000> : vector<256xf32>
      %reduce_max3A_165 = vector.multi_reduction <maximumf>, %select_n3A_163, %reduce_max3A_164 [0] : vector<8x256xf32> to vector<256xf32>
      %broadcast_in_dim3A_166 = vector.shape_cast %reduce_max3A_165 : vector<256xf32> to vector<1x256xf32>
      %get3A_167 = arith.index_cast %multiple_of3A : i32 to index
      %get3A_168 = arith.constant 0 : index
      %get3A_169 = vector.load %arg9[%get3A_167, %get3A_168] : memref<1024x256xf32, #tpu.memory_space<vmem>>, vector<8x256xf32>
      %jit3A_170 = arith.constant -3.400000e+38 : f32
      %broadcast_in_dim3A_171 = vector.broadcast %jit3A_170 : f32 to vector<8x256xf32>
      %select_n3A_172 = arith.select %eq3A_140, %get3A_169, %broadcast_in_dim3A_171 : vector<8x256xi1>, vector<8x256xf32>
      %reduce_max3A_173 = arith.constant dense<0xFF800000> : vector<256xf32>
      %reduce_max3A_174 = vector.multi_reduction <maximumf>, %select_n3A_172, %reduce_max3A_173 [0] : vector<8x256xf32> to vector<256xf32>
      %broadcast_in_dim3A_175 = vector.shape_cast %reduce_max3A_174 : vector<256xf32> to vector<1x256xf32>
      %get3A_176 = arith.index_cast %multiple_of3A : i32 to index
      %get3A_177 = arith.constant 0 : index
      %get3A_178 = vector.load %arg11[%get3A_176, %get3A_177] : memref<1024x256xf32, #tpu.memory_space<vmem>>, vector<8x256xf32>
      %jit3A_179 = arith.constant -3.400000e+38 : f32
      %broadcast_in_dim3A_180 = vector.broadcast %jit3A_179 : f32 to vector<8x256xf32>
      %select_n3A_181 = arith.select %eq3A_140, %get3A_178, %broadcast_in_dim3A_180 : vector<8x256xi1>, vector<8x256xf32>
      %reduce_max3A_182 = arith.constant dense<0xFF800000> : vector<256xf32>
      %reduce_max3A_183 = vector.multi_reduction <maximumf>, %select_n3A_181, %reduce_max3A_182 [0] : vector<8x256xf32> to vector<256xf32>
      %broadcast_in_dim3A_184 = vector.shape_cast %reduce_max3A_183 : vector<256xf32> to vector<1x256xf32>
      %get3A_185 = arith.index_cast %multiple_of3A : i32 to index
      %get3A_186 = arith.constant 0 : index
      %get3A_187 = vector.load %arg13[%get3A_185, %get3A_186] : memref<1024x256xf32, #tpu.memory_space<vmem>>, vector<8x256xf32>
      %jit3A_188 = arith.constant -3.400000e+38 : f32
      %broadcast_in_dim3A_189 = vector.broadcast %jit3A_188 : f32 to vector<8x256xf32>
      %select_n3A_190 = arith.select %eq3A_140, %get3A_187, %broadcast_in_dim3A_189 : vector<8x256xi1>, vector<8x256xf32>
      %reduce_max3A_191 = arith.constant dense<0xFF800000> : vector<256xf32>
      %reduce_max3A_192 = vector.multi_reduction <maximumf>, %select_n3A_190, %reduce_max3A_191 [0] : vector<8x256xf32> to vector<256xf32>
      %broadcast_in_dim3A_193 = vector.shape_cast %reduce_max3A_192 : vector<256xf32> to vector<1x256xf32>
      %mul3A_194 = arith.mulf %broadcast_in_dim3A_193, %broadcast_in_dim3A_184 : vector<1x256xf32>
      %gt3A = arith.constant 5.000000e-01 : f32
      %gt3A_195 = vector.broadcast %gt3A : f32 to vector<1x256xf32>
      %gt3A_196 = arith.cmpf ogt, %mul3A_194, %gt3A_195 : vector<1x256xf32>
      %sub3A_197 = arith.subf %broadcast_in_dim3A_166, %broadcast_in_dim3A_148 : vector<1x256xf32>
      %sub3A_198 = arith.subf %broadcast_in_dim3A_175, %broadcast_in_dim3A_157 : vector<1x256xf32>
      %mul3A_199 = arith.mulf %sub3A_197, %sub3A_198 : vector<1x256xf32>
      %get3A_200 = arith.constant 896 : index
      %get3A_201 = arith.constant 0 : index
      %get3A_202 = vector.load %arg6[%get3A_200, %get3A_201] : memref<1024x256xf32, #tpu.memory_space<vmem>>, vector<128x256xf32>
      %get3A_203 = arith.constant 896 : index
      %get3A_204 = arith.constant 0 : index
      %get3A_205 = vector.load %arg7[%get3A_203, %get3A_204] : memref<1024x256xf32, #tpu.memory_space<vmem>>, vector<128x256xf32>
      %get3A_206 = arith.constant 896 : index
      %get3A_207 = arith.constant 0 : index
      %get3A_208 = vector.load %arg8[%get3A_206, %get3A_207] : memref<1024x256xf32, #tpu.memory_space<vmem>>, vector<128x256xf32>
      %get3A_209 = arith.constant 896 : index
      %get3A_210 = arith.constant 0 : index
      %get3A_211 = vector.load %arg9[%get3A_209, %get3A_210] : memref<1024x256xf32, #tpu.memory_space<vmem>>, vector<128x256xf32>
      %get3A_212 = arith.constant 896 : index
      %get3A_213 = arith.constant 0 : index
      %get3A_214 = vector.load %arg10[%get3A_212, %get3A_213] : memref<1024x256xf32, #tpu.memory_space<vmem>>, vector<128x256xf32>
      %get3A_215 = arith.constant 896 : index
      %get3A_216 = arith.constant 0 : index
      %get3A_217 = vector.load %arg12[%get3A_215, %get3A_216] : memref<1024x256xi32, #tpu.memory_space<vmem>>, vector<128x256xi32>
      %min3A = vector.broadcast %broadcast_in_dim3A_166 : vector<1x256xf32> to vector<128x256xf32>
      %min3A_218 = arith.minimumf %min3A, %get3A_208 : vector<128x256xf32>
      %max3A = vector.broadcast %broadcast_in_dim3A_148 : vector<1x256xf32> to vector<128x256xf32>
      %max3A_219 = arith.maximumf %max3A, %get3A_202 : vector<128x256xf32>
      %sub3A_220 = arith.subf %min3A_218, %max3A_219 : vector<128x256xf32>
      %max3A_221 = arith.constant 0.000000e+00 : f32
      %max3A_222 = vector.broadcast %max3A_221 : f32 to vector<128x256xf32>
      %max3A_223 = arith.maximumf %sub3A_220, %max3A_222 : vector<128x256xf32>
      %min3A_224 = vector.broadcast %broadcast_in_dim3A_175 : vector<1x256xf32> to vector<128x256xf32>
      %min3A_225 = arith.minimumf %min3A_224, %get3A_211 : vector<128x256xf32>
      %max3A_226 = vector.broadcast %broadcast_in_dim3A_157 : vector<1x256xf32> to vector<128x256xf32>
      %max3A_227 = arith.maximumf %max3A_226, %get3A_205 : vector<128x256xf32>
      %sub3A_228 = arith.subf %min3A_225, %max3A_227 : vector<128x256xf32>
      %max3A_229 = arith.constant 0.000000e+00 : f32
      %max3A_230 = vector.broadcast %max3A_229 : f32 to vector<128x256xf32>
      %max3A_231 = arith.maximumf %sub3A_228, %max3A_230 : vector<128x256xf32>
      %mul3A_232 = arith.mulf %max3A_223, %max3A_231 : vector<128x256xf32>
      %mul3A_233 = arith.constant 3.000000e+00 : f32
      %mul3A_234 = vector.broadcast %mul3A_233 : f32 to vector<128x256xf32>
      %mul3A_235 = arith.mulf %mul3A_234, %mul3A_232 : vector<128x256xf32>
      %add3A_236 = vector.broadcast %mul3A_199 : vector<1x256xf32> to vector<128x256xf32>
      %add3A_237 = arith.addf %add3A_236, %get3A_214 : vector<128x256xf32>
      %gt3A_238 = arith.cmpf ogt, %mul3A_235, %add3A_237 : vector<128x256xf32>
      %gt3A_239 = vector.broadcast %scan3A_106 : i32 to vector<128x256xi32>
      %gt3A_240 = arith.cmpi sgt, %get3A_217, %gt3A_239 : vector<128x256xi32>
      %and3A_241 = arith.andi %gt3A_238, %gt3A_240 : vector<128x256xi1>
      %and3A_242 = vector.broadcast %gt3A_196 : vector<1x256xi1> to vector<128x256xi1>
      %and3A_243 = arith.andi %and3A_241, %and3A_242 : vector<128x256xi1>
      %get3A_244 = arith.constant 896 : index
      %get3A_245 = arith.constant 0 : index
      %get3A_246 = vector.load %arg13[%get3A_244, %get3A_245] : memref<1024x256xf32, #tpu.memory_space<vmem>>, vector<128x256xf32>
      %jit3A_247 = arith.constant 0.000000e+00 : f32
      %broadcast_in_dim3A_248 = vector.broadcast %jit3A_247 : f32 to vector<128x256xf32>
      %select_n3A_249 = arith.select %and3A_243, %broadcast_in_dim3A_248, %get3A_246 : vector<128x256xi1>, vector<128x256xf32>
      %swap3A_250 = arith.constant 896 : index
      %swap3A_251 = arith.constant 0 : index
      %swap3A_252 = vector.load %arg13[%swap3A_250, %swap3A_251] : memref<1024x256xf32, #tpu.memory_space<vmem>>, vector<128x256xf32>
      tpu.vector_store %arg13[%swap3A_250, %swap3A_251], %select_n3A_249 {strides = array<i32>} : memref<1024x256xf32, #tpu.memory_space<vmem>>, vector<128x256xf32>,
    }
    %scan3A_94 = arith.constant 104 : i32
    %get3A_95 = arith.constant 0 : index
    %get3A_96 = arith.constant 0 : index
    %get3A_97 = vector.load %arg13[%get3A_95, %get3A_96] : memref<1024x256xf32, #tpu.memory_space<vmem>>, vector<1024x256xf32>
    %get3A_98 = arith.constant 0 : index
    %get3A_99 = arith.constant 0 : index
    %get3A_100 = vector.load %arg11[%get3A_98, %get3A_99] : memref<1024x256xf32, #tpu.memory_space<vmem>>, vector<1024x256xf32>
    %mul3A_101 = arith.mulf %get3A_97, %get3A_100 : vector<1024x256xf32>
    %transpose3A_102 = tpu.transpose %mul3A_101, [1, 0] : vector<1024x256xf32> -> vector<256x1024xf32>
    %swap3A_103 = arith.constant 0 : index
    %swap3A_104 = arith.constant 0 : index
    %swap3A_105 = vector.load %arg5[%swap3A_103, %swap3A_104] : memref<256x1024xf32, #tpu.memory_space<vmem>>, vector<256x1024xf32>
    tpu.vector_store %arg5[%swap3A_103, %swap3A_104], %transpose3A_102 {strides = array<i32>} : memref<256x1024xf32, #tpu.memory_space<vmem>>, vector<256x1024xf32>,
    return
  }
}

</mosaic_0001>

<sc_bundles>
// kernel: gather_offload_async_start.1
scs
__scs_entry_jumppad:
0x0: {  	(pc) =	sbr.rel $0x88, $3  }
0x1: {  	(tag) =	ssettag $0x0;
	lr =	simm.s32 $0x1  }
0x2: {  	[smem:$0x3F9E] =	sst lr;
	_ =	strace $0xD0000000  }
0x3: {  	_ = 	snop  }
0x4: {  	_ = 	snop  }
0x5: {  	_ = 	snop  }
0x6: {  	_ = 	snop  }
0x7: {  	_ = 	snop  }
__scs_overlays_trampoline_lowered:
0x8: {  	[smem:$0x3FAD] =	sst s0  }
0x9: {  	[smem:$0x3FAE] =	sst s1  }
0xa: {  	[smem:$0x3FAF] =	sst s2  }
0xb: {  	[smem:$0x3FB0] =	sst s3  }
0xc: {  	[smem:$0x3FB1] =	sst s4  }
0xd: {  	[smem:$0x3FB2] =	sst s5  }
0xe: {  	[smem:$0x3FB3] =	sst s6  }
0xf: {  	[smem:$0x3FB4] =	sst s7  }
0x10: {  	[smem:$0x3FB5] =	sst s8  }
0x11: {  	[smem:$0x3FB6] =	sst s9;
	s0 =	simm.s32 @!p0 $0x0  }
0x12: {  	s1 =	sld [smem:$0x3F9C];
	s0 =	simm.s32 @p0 $0x1  }
0x13: {  	[smem:$0x3FB7] =	sst s0;
	s0 =	simm.s32 @!p1 $0x0  }
0x14: {  	s2 =	sld [smem:$0x3F9B];
	s0 =	simm.s32 @p1 $0x1  }
0x15: {  	[smem:$0x3FB8] =	sst s0;
	s0 =	simm.s32 @!p2 $0x0  }
0x16: {  	s3 =	sld [smem:$0x3FDB];
	s0 =	simm.s32 @p2 $0x1  }
0x17: {  	s4 =	simm.s32 $0x1BF5;
	[smem:$0x3FBA] =	sst s0  }
0x18: {  	s0 =	sld [smem:$0x3F9D];
	_ =	swait.ge [sflag:s4], $0x0  }
0x19: {  	s7 =	sld [smem:$0x3F9E]  }
0x1a: {  	s8 =	sadd.s32 $0xFFFFE003, lr  }
0x1b: {  	s9 =	sadd.s32 $0xFFFFFEF7, lr;
	s5 =	simm.s32 $0xFFFFFFFF;
	p2 =	slt.u32 s8, $0xFFFFF086  }
0x1c: {  	p1 =	slt.u32 s9, $0xF7A;
	s5 =	simm.s32 @!p2 $0x0  }
0x1d: {  	s5 =	simm.s32 @p1 $0x1;
	p0 =	seq.s32 s7, s2  }
0x1e: {  	s7 =	smul.u32 @!p0 $0xF7A, s2;
	p2 =	seq.s32 @!p0 s5, $0x0  }
0x1f: {  	s9 =	smul.u32 $0xF7A, s1;
	s8 =	simm.s32 @!p0 $0x1BF5;
	p2 =	por !p2, p0  }
0x20: {  	[sflag:s8] =	ssyncset.s32 @!p0 $0xFFFFF086;
	s6 =	sadd.s32 @!p0 s3, s7;
	s7 =	simm.s32 @!p0 $0x108  }
0x21: {  	s3 =	sadd.s32 s3, s9;
	s6 =	sadd.s32 @!p0 $0x88, s6;
	s7 =	simm.s32 @p2 $0x1082  }
0x22: {  	[simem:s7], [sflag:s8] =	dma.local @!p0 [hbm:s6], $0xF7A  }
0x23: {  	s9 =	sor.u32 $0xD0000000, s2;
	s6 =	simm.s32 $0x108;
	_ =	swait.ge @!p0 [sflag:s8], $0x0  }
0x24: {  	s3 =	sadd.s32 $0x88, s3;
	s6 =	simm.s32 @!p1 $0x1082;
	[sflag:s4] =	ssyncset.s32 $0xFFFFF086  }
0x25: {  	[simem:s6], [sflag:s4] =	dma.local [hbm:s3], $0xF7A  }
0x26: {  	[smem:$0x3F9E] =	sst s1;
	(tag) =	ssettag s2;
	_ =	strace s9  }
0x27: {  	s1 =	sld [smem:$0x3FAE]  }
0x28: {  	s2 =	sld [smem:$0x3FAF]  }
0x29: {  	s4 =	sld [smem:$0x3FB1]  }
0x2a: {  	p0 =	seq.s32 s5, $0x0;
	s5 =	sld [smem:$0x3FB2]  }
0x2b: {  	s6 =	sld [smem:$0x3FB3]  }
0x2c: {  	s7 =	sld [smem:$0x3FB4]  }
0x2d: {  	s3 =	simm.s32 $0x108;
	s8 =	sld [smem:$0x3FB5]  }
0x2e: {  	s3 =	simm.s32 @!p0 $0x1082;
	s9 =	sld [smem:$0x3FB6]  }
0x2f: {  	lr =	sadd.s32 s0, s3;
	s0 =	sld [smem:$0x3FAD]  }
0x30: {  	s3 =	sld [smem:$0x3FB0]  }
0x31: {  	[smem:$0x3FB9] =	sst s10  }
0x32: {  	s10 =	sld [smem:$0x3FB7];
	_ =	sdelay $0x3  }
0x33: {  	p0 =	seq.s32 s10, $0x1;
	s10 =	sld [smem:$0x3FB9];
	_ =	sdelay $0x3  }
0x34: {  	[smem:$0x3FB9] =	sst s10  }
0x35: {  	s10 =	sld [smem:$0x3FB8];
	_ =	sdelay $0x3  }
0x36: {  	p1 =	seq.s32 s10, $0x1;
	s10 =	sld [smem:$0x3FB9];
	_ =	sdelay $0x3  }
0x37: {  	[smem:$0x3FB9] =	sst s10  }
0x38: {  	s10 =	sld [smem:$0x3FBA]  }
0x39: {  	_ = 	snop;
	(pc) =	sbr.ind lr, $3  }
0x3a: {  	_ = 	snop  }
0x3b: {  	_ = 	snop  }
0x3c: {  	p2 =	seq.s32 s10, $0x1;
	s10 =	sld [smem:$0x3FB9]  }
0x3d: {  	_ =	shalt  }
0x3e: {  	_ =	shalt  }
0x3f: {  	_ =	shalt  }
0x40: {  	_ =	shalt  }
0x41: {  	_ =	shalt  }
0x42: {  	_ =	shalt  }
0x43: {  	_ =	shalt  }
0x44: {  	_ =	shalt  }
0x45: {  	_ =	shalt  }
0x46: {  	_ =	shalt  }
0x47: {  	_ =	shalt  }
0x48: {  	_ =	shalt  }
0x49: {  	_ =	shalt  }
0x4a: {  	_ =	shalt  }
0x4b: {  	_ =	shalt  }
0x4c: {  	_ =	shalt  }
0x4d: {  	_ =	shalt  }
0x4e: {  	_ =	shalt  }
0x4f: {  	_ =	shalt  }
0x50: {  	_ =	shalt  }
0x51: {  	_ =	shalt  }
0x52: {  	_ =	shalt  }
0x53: {  	_ =	shalt  }
0x54: {  	_ =	shalt  }
0x55: {  	_ =	shalt  }
0x56: {  	_ =	shalt  }
0x57: {  	_ =	shalt  }
0x58: {  	_ =	shalt  }
0x59: {  	_ =	shalt  }
0x5a: {  	_ =	shalt  }
0x5b: {  	_ =	shalt  }
0x5c: {  	_ =	shalt  }
0x5d: {  	_ =	shalt  }
0x5e: {  	_ =	shalt  }
0x5f: {  	_ =	shalt  }
0x60: {  	_ =	shalt  }
0x61: {  	_ =	shalt  }
0x62: {  	_ =	shalt  }
0x63: {  	_ =	shalt  }
0x64: {  	_ =	shalt  }
0x65: {  	_ =	shalt  }
0x66: {  	_ =	shalt  }
0x67: {  	_ =	shalt  }
0x68: {  	_ =	shalt  }
0x69: {  	_ =	shalt  }
0x6a: {  	_ =	shalt  }
0x6b: {  	_ =	shalt  }
0x6c: {  	_ =	shalt  }
0x6d: {  	_ =	shalt  }
0x6e: {  	_ =	shalt  }
0x6f: {  	_ =	shalt  }
0x70: {  	_ =	shalt  }
0x71: {  	_ =	shalt  }
0x72: {  	_ =	shalt  }
0x73: {  	_ =	shalt  }
0x74: {  	_ =	shalt  }
0x75: {  	_ =	shalt  }
0x76: {  	_ =	shalt  }
0x77: {  	_ =	shalt  }
0x78: {  	_ =	shalt  }
0x79: {  	_ =	shalt  }
0x7a: {  	_ =	shalt  }
0x7b: {  	_ =	shalt  }
0x7c: {  	_ =	shalt  }
0x7d: {  	_ =	shalt  }
0x7e: {  	_ =	shalt  }
0x7f: {  	_ =	shalt  }
0x80: {  	_ =	shalt  }
0x81: {  	_ =	shalt  }
0x82: {  	_ =	shalt  }
0x83: {  	_ =	shalt  }
0x84: {  	_ =	shalt  }
0x85: {  	_ =	shalt  }
0x86: {  	_ =	shalt  }
0x87: {  	_ =	shalt  }
.Lfunc_end0:
.L_simem_size_0:
called_computation.1_lowered:
.L_overlay_start_0:
0x88: {  	s2 =	sld [smem:$0x3FD9]  }
0x89: {  	s3 =	sld [smem:$0x3FFE];
	_ =	sdelay $0x1  }
0x8a: {  	s1 =	srdreg.scid  }
0x8b: {  	s0 =	sand.u32 $0x1, s1  }
0x8c: {  	s17 =	sshll.u32 s0, $0xA;
	s2 =	sadd.s32 s3, s2  }
0x8d: {  	s2 =	sadd.s32 s2, s17  }
0x8e: {  	[smem:$0x3FC5] =	sst s2  }
0x8f: {  	_ = 	snop  }
0x90: {  	(tm) =	ssettm $0x1  }
0x91: {  	s18 =	sld [smem:$0x3FFB];
	_ =	sdelay $0x3  }
0x92: {  	_ =	strace s18  }
0x93: {  	s2 =	sld [smem:$0x3FFC];
	_ =	sdelay $0x3  }
0x94: {  	_ =	strace s2  }
0x95: {  	s2 =	sld [smem:$0x3FFD];
	_ =	sdelay $0x3  }
0x96: {  	_ =	strace s2  }
0x97: {  	_ =	strace $0x8FFFFFFF  }
0x98: {  	s19 =	sld [smem:$0x3FDB];
	_ =	sdelay $0x1  }
0x99: {  	s20 =	simm.s32 $_scs_section_size  }
0x9a: {  	s4 =	simm.s32 $_size__tile_overlayer_lowered;
	s5 =	simm.s32 $_tile_overlayer_lowered  }
0x9b: {  	s6 =	simm.s32 $0x1BFF;
	s21 =	sshll.u32 s5, $0x1;
	s3 =	sadd.s32 s20, s19  }
0x9c: {  	s22 =	simm.s32 $0x0;
	s4 =	sshll.u32 s4, $0x1;
	s5 =	sadd.s32 s21, s3  }
0x9d: {  	[timem:s22], [sflag:s6] =	dma.local [hbm:s5], s4  }
0x9e: {  	_ =	swait.ge [sflag:s6], s4  }
0x9f: {  	s4 =	ssub.s32 $0x0, s4;
	[sflag:s6] =	ssyncset.done $0x0  }
0xa0: {  	[sflag:s6] =	ssyncadd.s32 s4;
	_ =	sdelay $0x1  }
0xa1: {  	s23 =	simm.s32 $0x1B8B  }
0xa2: {  	_ =	swait.ge [sflag:s23], $0x1  }
0xa3: {  	[sflag:s23] =	ssyncset.done $0x0  }
0xa4: {  	[sflag:s23] =	ssyncadd.s32 $0xFFFFFFFF  }
0xa5: {  	s4 =	sld [smem:$0x0]  }
0xa6: {  	s5 =	sand.u32 $0xFFFFFFFE, s1  }
0xa7: {  	p0 =	sne.s32 s1, s5  }
0xa8: {  	s5 =	sshll.u32 @p0 s5, $0xE  }
0xa9: {  	s5 =	sadd.s32 @p0 $0x11B8D, s5;
	s6 =	sshll.u32 @p0 s4, $0x11  }
0xaa: {  	s5 =	sor.u32 @p0 s6, s5  }
0xab: {  	[sflag:s5] =	ssyncadd.remote.s32 @p0 $0x1;
	_ =	sdelay $0x1  }
0xac: {  	s5 =	simm.s32 @p0 $0x1B8D  }
0xad: {  	_ =	swait.eq @p0 [sflag:s5], $0x1  }
0xae: {  	[sflag:s5] =	ssyncadd.s32 @p0 $0xFFFFFFFF  }
0xaf: {  	s6 =	sshll.u32 @!p0 s1, $0xE  }
0xb0: {  	s6 =	sor.u32 @!p0 $0x4000, s6;
	s5 =	simm.s32 @!p0 $0x1B8D  }
0xb1: {  	s4 =	sshll.u32 @!p0 s4, $0x11;
	s6 =	sadd.s32 @!p0 $0x11B8D, s6;
	_ =	swait.eq @!p0 [sflag:s5], $0x1  }
0xb2: {  	s4 =	sor.u32 @!p0 s4, s6;
	[sflag:s5] =	ssyncadd.s32 @!p0 $0xFFFFFFFF  }
0xb3: {  	s25 =	simm.s32 $0x1B8E;
	s24 =	sld [smem:$0x3FFE];
	[sflag:s4] =	ssyncadd.remote.s32 @!p0 $0x1  }
0xb4: {  	s26 =	simm.s32 $execute0_lowered;
	[smem:$0x3FD2] =	sst s25  }
0xb5: {  	s5 =	sshll.u32 s26, $0x1;
	_ =	strace $0x8000004C;
	[dreg:$0x1] =	wrdreg $0xFFFFFFFF  }
0xb6: {  	s28 =	simm.s32 $_size_execute0_lowered;
	s3 =	sadd.s32 s3, s5;
	[dreg:$0x0] =	wrdreg $0x0  }
0xb7: {  	s5 =	sshll.u32 s28, $0x1;
	[dreg:$0x2] =	wrdreg s3  }
0xb8: {  	[dreg:$0x3] =	wrdreg s5  }
0xb9: {  	[dreg:$0x4] =	wrdreg $0xC0  }
0xba: {  	_ =	task [dreg:s22], $0x5FFFF  }
0xbb: {  	[dreg:$0x1] =	wrdreg $0xFFFFFFFF  }
0xbc: {  	[dreg:$0x0] =	wrdreg $0x60  }
0xbd: {  	[dreg:$0x2] =	wrdreg s24  }
0xbe: {  	[dreg:$0x3] =	wrdreg $0xA  }
0xbf: {  	_ =	task.clear_ibuf [dreg:s22], $0x4FFFF;
	_ =	strace $0x9000004C  }
0xc0: {  	s29 =	simm.s32 $0xA;
	_ =	strace $0x8000004E  }
0xc1: {  	_ =	swait.ge [sflag:s29], $0x1  }
0xc2: {  	[sflag:s29] =	ssyncadd.s32 $0xFFFFFFFF  }
0xc3: {  	_ =	strace $0x9000004E  }
0xc4: {  	_ =	sfence  }
0xc5: {  	s30 =	sld [smem:$0x0];
	_ =	sdelay $0x2  }
0xc6: {  	s31 =	sshll.u32 s1, $0xD;
	s1 =	sshrl.u32 s1, $0x2  }
0xc7: {  	s4 =	sand.u32 $0x4000, s31;
	s1 =	sadd.s32 s1, s30  }
0xc8: {  	s0 =	sor.u32 s4, s0;
	s1 =	sshll.u32 s1, $0x11  }
0xc9: {  	s0 =	sor.u32 s1, s0  }
0xca: {  	s0 =	sadd.s32 $0x8F2B, s0  }
0xcb: {  	[sflag:s0] =	ssyncadd.remote.s32 $0x1  }
0xcc: {  	_ =	sfence.sel $0xFFFF  }
0xcd: {  	[dreg:$0x0] =	wrdreg $0xFFFFFFFF;
	(pc) =	sbr.abs _section_cstart, $3  }
0xce: {  	[dreg:$0x1] =	wrdreg $0xFFFFFFFF  }
0xcf: {  	_ =	task.clear_ibuf [dreg:s22], $0x2FFFF;
	_ =	strace $0x9FFFFFFF  }
0xd0: {  	(tm) =	ssettm $0x7FFFFFFF  }
0xd1: {  	_ =	shalt  }
tec
execute0_lowered:
.L_overlay_start_1:
0x0: {  	(tag) =	ssettag $0x1  }
0x1: {  	s8 =	rddreg [dreg:$0x0]  }
0x2: {  	s0 =	rddreg [dreg:$0x1];
	_ =	strace $0x8000004D;
	s1 =	stileid.u32  }
0x3: {  	s3 =	srdreg.scid;
	s4 =	simm.s32 $0x1;
	s7 =	simm.s32 $0x1  }
0x4: {  	s9 =	simm.s32 $0x1;
	s10 =	simm.s32 $0x3;
	s13 =	simm.s32 $0x0  }
0x5: {  	s12 =	simm.s32 $0x0;
	s5 =	sand.u32 $0x1, s3;
	s6 =	sshll.u32 s1, $0x1  }
0x6: {  	s2 =	sadd.s32 $0x2E200, s8;
	s3 =	sadd.s32 $0xD000, s8;
	s5 =	sor.u32 s6, s5  }
.Ltmp0:
0x7: {  	[sflag:s4] =	ssyncpa.u1 $0x0;
	p0 =	slt.u32 s5, $0x9;
	(pc) =	sbr.rel .LBB2_1-.Ltmp0, $4  }
0x8: {  	s6 =	simm.s32 $0x2;
	s7 =	simm.s32 @!p0 $0x0;
	p0 =	sne.s32 s5, $0x8  }
0x9: {  	[sflag:s6] =	ssyncpa.u1 $0x0;
	s5 =	smul.u32 $0xFA0, s5;
	s9 =	simm.s32 @!p0 $0x0  }
0xa: {  	s8 =	sadd.s32 $0x33200, s8;
	[sflag:s10] =	ssyncpa.u1 $0x0;
	s7 =	sadd.s32 s9, s7  }
0xb: {  	vm0 =	vmmov $0xffff;
	v0 =	vimm.s32 $0x0;
	s10 =	simm.s32 $0x0;
	s11 =	smov.u32 s5;
	s9 =	sadd.s32 $0x1, s7  }
.LBB2_4:
0xc: {  	v2 =	vand.u32 $0x7F, v2;
	v3 =	vand.u32 $0x3FF, v3;
	vm2 =	veq.s32 v4, $0x1  }
0xd: {  	v2 =	vsel vm1, $0xFFFFFFFF, v2;
	v3 =	vsel vm1, $0xFFFFFFFF, v3;
	v4 =	vsel vm2, $0x14000, v0  }
0xe: {  	v5 =	vand.u32 $0x7F, v3;
	v4 =	vsel vm1, $0xFFFEC000, v4;
	v6 =	vshll.u32 v2, $0xA  }
0xf: {  	v3 =	vshll.u32 v3, $0x3;
	v6 =	vand.u32 $0xFFFFE000, v6;
	v4 =	vor.u32 v4, v5  }
0x10: {  	v2 =	vshll.u32 v2, $0x7;
	v3 =	vand.u32 $0xFFFFFC00, v3;
	v4 =	vadd.s32 v6, v4  }
0x11: {  	v2 =	vand.u32 $0x380, v2;
	v3 =	vadd.s32 v3, v4  }
0x12: {  	v2 =	vor.u32 v2, v3;
	_ =	sdelay $0x1  }
0x13: {  	(ifvalue) =	ssetifvalue $0x7FFFFFFF;
	s15 =	sadd.s32 $0x10, s15  }
0x14: {  	[tilespmem:s15], [sflag:$0x1] =	stream.indirect_vreg.gather [hbm4b:s2+s10], $0x1, v1, vm0, $0x4038;
	[tilespmem:$0x3E80] =	vst v63  }
0x15: {  	(ifvalue) =	ssetifvalue $0x7FFFFFFF;
	s15 =	sadd.s32 $0x10, s15  }
0x16: {  	[tilespmem:s15], [sflag:$0x1] =	stream.indirect_vreg.gather [hbm4b:s2+s10], $0x1, v2, vm0, $0x4038;
	[tilespmem:$0x3E80] =	vst v63  }
0x17: {  	_ =	swait.ge [sflag:s4], $0xFA0  }
0x18: {  	s30 =	sshrl.u32 s13, $0x3;
	[sflag:s4] =	ssyncset.done $0x0  }
0x19: {  	s31 =	sand.u32 $0x7, s13;
	s15 =	sadd.s32 s8, s30;
	[sflag:s4] =	ssyncadd.s32 $0xFFFFF060  }
0x1a: {  	[hbm4b:s15+s31] =	stream.linear.scatter [tilespmem:s14], [sflag:$0x3], $0xFA0, $0x38;
	[tilespmem:$0x3E80] =	vst v63  }
.LBB2_5:
0x1b: {  	s15 =	sadd.s32 $0x1F400, s11  }
0x1c: {  	p1 =	sgt.s32 s15, $0x270FF  }
0x1d: {  	s15 =	smov.u32 @p1 s5;
	p1 =	sne.s32 s12, s9  }
.Ltmp1:
0x1e: {  	p0 =	slt.u32 s12, $0x2;
	(pc) =	sbr.rel @!p1 .LBB2_6-.Ltmp1, $4  }
0x1f: {  	s14 =	simm.s32 @!p0 $0x3  }
0x20: {  	_ =	swait.ge @!p0 [sflag:s14], $0xFA0  }
0x21: {  	s16 =	sadd.s32 $0x1, s12;
	s13 =	smov.u32 s11;
	[sflag:s14] =	ssyncset.done @!p0 $0x0  }
0x22: {  	s12 =	smov.u32 s16;
	s11 =	smov.u32 s15;
	[sflag:s14] =	ssyncadd.s32 @!p0 $0xFFFFF060  }
.LBB2_1:
0x23: {  	p0 =	sge.u32 s12, s7  }
0x24: {  	s14 =	sxor.u32 @!p0 $0x1, s12  }
0x25: {  	s14 =	smul.u32 @!p0 $0x3E80, s14  }
0x26: {  	s31 =	sadd.s32 $0xFFFFFFFF, s12;
	s15 =	sshrl.u32 @!p0 s11, $0x3  }
0x27: {  	s16 =	sand.u32 @!p0 $0x7, s11;
	s15 =	sadd.s32 @!p0 s3, s15;
	s14 =	sshra.s32 @!p0 s14, $0x2  }
0x28: {  	[tilespmem:s14], [sflag:$0x2] =	stream.linear.gather @!p0 [hbm4b:s15+s16], $0xFA0, $0x38;
	[tilespmem:$0x3E80] =	vst v63  }
0x29: {  	p0 =	sge.u32 s31, s7  }
.Ltmp2:
0x2a: {  	_ = 	snop;
	(pc) =	sbr.rel @p0 .LBB2_5-.Ltmp2, $1  }
0x2b: {  	_ =	sdelay $0x3  }
0x2c: {  	s14 =	sand.u32 $0x1, s12  }
0x2d: {  	_ =	swait.ge [sflag:s6], $0xFA0;
	p0 =	seq.s32 s14, $0x1;
	s14 =	simm.s32 $0xFA0  }
0x2e: {  	[sflag:s6] =	ssyncset.done $0x0;
	s14 =	simm.s32 @!p0 $0x0  }
0x2f: {  	[sflag:s6] =	ssyncadd.s32 $0xFFFFF060;
	(ifvalue) =	ssetifvalue $0x7FFFFFFF;
	v1 =	vld.msk [tilespmem:s14+$0x0 ss:$0x1], $0xffff;
	_ =	sdelay $0x4  }
0x30: {  	vm1 =	veq.s32 v1, $0x80000000;
	v3 =	vshrl.u32 v1, $0x8  }
0x31: {  	s15 =	sadd.s32 $0x10, s14;
	v2 =	vshrl.u32 v1, $0x1;
	v1 =	vand.u32 $0x1, v1;
	v3 =	vand.u32 $0x3FF, v3  }
0x32: {  	v2 =	vand.u32 $0x7F, v2;
	vm2 =	veq.s32 v1, $0x1;
	v1 =	vld.msk [tilespmem:s15+$0x0 ss:$0x1], $0xffff;
	v3 =	vsel vm1, $0xFFFFFFFF, v3  }
0x33: {  	v2 =	vsel vm1, $0xFFFFFFFF, v2;
	v4 =	vsel vm2, $0x14000, v0;
	v5 =	vand.u32 $0x7F, v3  }
0x34: {  	v4 =	vsel vm1, $0xFFFEC000, v4;
	v6 =	vshll.u32 v2, $0xA;
	v3 =	vshll.u32 v3, $0x3  }
0x35: {  	v2 =	vshll.u32 v2, $0x7;
	v6 =	vand.u32 $0xFFFFE000, v6;
	v4 =	vor.u32 v4, v5  }
0x36: {  	v3 =	vand.u32 $0xFFFFFC00, v3;
	v2 =	vand.u32 $0x380, v2;
	v4 =	vadd.s32 v6, v4  }
0x37: {  	v3 =	vadd.s32 v3, v4;
	vm1 =	veq.s32 v1, $0x80000000;
	v4 =	vshrl.u32 v1, $0x8  }
0x38: {  	v2 =	vor.u32 v2, v3;
	v3 =	vshrl.u32 v1, $0x1;
	v1 =	vand.u32 $0x1, v1  }
0x39: {  	s15 =	sadd.s32 $0x10, s15;
	v4 =	vand.u32 $0x3FF, v4;
	v3 =	vand.u32 $0x7F, v3;
	vm2 =	veq.s32 v1, $0x1  }
0x3a: {  	v5 =	vld.msk [tilespmem:s15+$0x0 ss:$0x1], $0xffff;
	v1 =	vsel vm1, $0xFFFFFFFF, v3;
	v3 =	vsel vm1, $0xFFFFFFFF, v4;
	v4 =	vsel vm2, $0x14000, v0  }
0x3b: {  	v6 =	vand.u32 $0x7F, v3;
	v4 =	vsel vm1, $0xFFFEC000, v4;
	v7 =	vshll.u32 v1, $0xA  }
0x3c: {  	v3 =	vshll.u32 v3, $0x3;
	v7 =	vand.u32 $0xFFFFE000, v7;
	v4 =	vor.u32 v4, v6  }
0x3d: {  	s14 =	sadd.s32 $0x1F40, s14;
	(ifvalue) =	ssetifvalue $0x7FFFFFFF;
	v1 =	vshll.u32 v1, $0x7;
	v3 =	vand.u32 $0xFFFFFC00, v3;
	v4 =	vadd.s32 v7, v4  }
0x3e: {  	v1 =	vand.u32 $0x380, v1;
	[tilespmem:s14], [sflag:$0x1] =	stream.indirect_vreg.gather [hbm4b:s2+s10], $0x1, v2, vm0, $0x4038;
	v2 =	vadd.s32 v3, v4;
	[tilespmem:$0x3E80] =	vst v63  }
0x3f: {  	vm1 =	veq.s32 v5, $0x80000000;
	v1 =	vor.u32 v1, v2  }
0x40: {  	s16 =	simm.s32 $0x20;
	s17 =	sadd.s32 $0x10, s15;
	s15 =	smov.u32 s14;
	v3 =	vshrl.u32 v5, $0x8;
	v4 =	vand.u32 $0x1, v5;
	v2 =	vshrl.u32 v5, $0x1  }
.LBB2_3:
0x41: {  	v5 =	vld.msk [tilespmem:s17+$0x0 ss:$0x1], $0xffff;
	v2 =	vand.u32 $0x7F, v2;
	v3 =	vand.u32 $0x3FF, v3;
	vm2 =	veq.s32 v4, $0x1  }
0x42: {  	s16 =	sadd.s32 $0x10, s16;
	v2 =	vsel vm1, $0xFFFFFFFF, v2;
	v3 =	vsel vm1, $0xFFFFFFFF, v3;
	v4 =	vsel vm2, $0x14000, v0  }
0x43: {  	s15 =	sadd.s32 $0x10, s15;
	p0 =	slt.u32 s16, $0xF90;
	v6 =	vand.u32 $0x7F, v3;
	v4 =	vsel vm1, $0xFFFEC000, v4;
	v7 =	vshll.u32 v2, $0xA;
	(ifvalue) =	ssetifvalue $0x7FFFFFFF  }
0x44: {  	[tilespmem:s15], [sflag:$0x1] =	stream.indirect_vreg.gather [hbm4b:s2+s10], $0x1, v1, vm0, $0x4038;
	[tilespmem:$0x3E80] =	vst v63  }
.Ltmp3:
0x45: {  	v3 =	vshll.u32 v3, $0x3;
	v7 =	vand.u32 $0xFFFFE000, v7;
	v4 =	vor.u32 v4, v6;
	(pc) =	sbr.rel @p0 .LBB2_3-.Ltmp3, $4  }
0x46: {  	v2 =	vshll.u32 v2, $0x7;
	v1 =	vand.u32 $0xFFFFFC00, v3;
	v3 =	vadd.s32 v7, v4  }
0x47: {  	v2 =	vand.u32 $0x380, v2;
	v1 =	vadd.s32 v1, v3  }
0x48: {  	vm1 =	veq.s32 v5, $0x80000000;
	v1 =	vor.u32 v2, v1  }
0x49: {  	s17 =	sadd.s32 $0x10, s17;
	v3 =	vshrl.u32 v5, $0x8;
	v4 =	vand.u32 $0x1, v5;
	v2 =	vshrl.u32 v5, $0x1  }
.Ltmp4:
0x4a: {  	_ = 	snop;
	(pc) =	sbr.rel .LBB2_4-.Ltmp4, $1  }
0x4b: {  	_ =	sdelay $0x3  }
.LBB2_6:
0x4c: {  	_ =	sfence.sel $0x180000  }
0x4d: {  	s2 =	simm.s32 $0x2;
	[bflag:$0x0] =	sbarrier.arrive $0xFFFF  }
0x4e: {  	s30 =	simm.s32 $0x3;
	[sflag:s2] =	ssyncpa.u1 $0x1  }
0x4f: {  	s31 =	simm.s32 $0x1;
	[sflag:s30] =	ssyncpa.u1 $0x1  }
0x50: {  	[sflag:s31] =	ssyncpa.u1 $0x1  }
0x51: {  	p0 =	sne.s32 s1, $0x0;
	_ =	strace $0x9000004D  }
0x52: {  	s0 =	sadd.s32 @!p0 $0x100000, s0;
	[bflag:$0x2] =	sbarrier.arrive $0xFFFF  }
0x53: {  	[sflag:s0] =	ssyncadd.tile.s32 @!p0 $0x1;
	_ =	shalt  }
.Lfunc_end2:
_tile_overlayer_lowered:
.L_overlay_start_2:
0x54: {  	(tag) =	ssettag $0x2  }
0x55: {  	s0 =	rddreg [dreg:$0x0];
	s2 =	stileid.u32  }
0x56: {  	s1 =	rddreg [dreg:$0x1];
	p0 =	sne.s32 s2, $0x0  }
0x57: {  	s3 =	rddreg [dreg:$0x2];
	[bflag:$0x3] =	sbarrier.arrive $0xFFFF;
	s2 =	simm.s32 @!p0 $0x1C01  }
0x58: {  	[timem:s3], [sflag:s2] =	dma.local @!p0 [hbm:s0], s1  }
0x59: {  	s0 =	simm.s32 @!p0 $0x1  }
0x5a: {  	_ =	swait.ge @!p0 [sflag:s0], s1  }
0x5b: {  	s1 =	ssub.s32 @!p0 $0x0, s1;
	[sflag:s0] =	ssyncset.done @!p0 $0x0  }
0x5c: {  	[sflag:s0] =	ssyncadd.s32 @!p0 s1  }
0x5d: {  	[bflag:$0x3] =	sbarrier.arrive $0xFFFF  }
0x5e: {  	_ =	shalt  }

// kernel: gather_offload_async_start.2
scs
__scs_entry_jumppad:
0x0: {  	(pc) =	sbr.rel $0x88, $3  }
0x1: {  	(tag) =	ssettag $0x0;
	lr =	simm.s32 $0x1  }
0x2: {  	[smem:$0x3F9E] =	sst lr;
	_ =	strace $0xD0000000  }
0x3: {  	_ = 	snop  }
0x4: {  	_ = 	snop  }
0x5: {  	_ = 	snop  }
0x6: {  	_ = 	snop  }
0x7: {  	_ = 	snop  }
__scs_overlays_trampoline_lowered:
0x8: {  	[smem:$0x3FAD] =	sst s0  }
0x9: {  	[smem:$0x3FAE] =	sst s1  }
0xa: {  	[smem:$0x3FAF] =	sst s2  }
0xb: {  	[smem:$0x3FB0] =	sst s3  }
0xc: {  	[smem:$0x3FB1] =	sst s4  }
0xd: {  	[smem:$0x3FB2] =	sst s5  }
0xe: {  	[smem:$0x3FB3] =	sst s6  }
0xf: {  	[smem:$0x3FB4] =	sst s7  }
0x10: {  	[smem:$0x3FB5] =	sst s8  }
0x11: {  	[smem:$0x3FB6] =	sst s9;
	s0 =	simm.s32 @!p0 $0x0  }
0x12: {  	s1 =	sld [smem:$0x3F9C];
	s0 =	simm.s32 @p0 $0x1  }
0x13: {  	[smem:$0x3FB7] =	sst s0;
	s0 =	simm.s32 @!p1 $0x0  }
0x14: {  	s2 =	sld [smem:$0x3F9B];
	s0 =	simm.s32 @p1 $0x1  }
0x15: {  	[smem:$0x3FB8] =	sst s0;
	s0 =	simm.s32 @!p2 $0x0  }
0x16: {  	s3 =	sld [smem:$0x3FDB];
	s0 =	simm.s32 @p2 $0x1  }
0x17: {  	s4 =	simm.s32 $0x1BF5;
	[smem:$0x3FBA] =	sst s0  }
0x18: {  	s0 =	sld [smem:$0x3F9D];
	_ =	swait.ge [sflag:s4], $0x0  }
0x19: {  	s7 =	sld [smem:$0x3F9E]  }
0x1a: {  	s8 =	sadd.s32 $0xFFFFE003, lr  }
0x1b: {  	s9 =	sadd.s32 $0xFFFFFEF7, lr;
	s5 =	simm.s32 $0xFFFFFFFF;
	p2 =	slt.u32 s8, $0xFFFFF086  }
0x1c: {  	p1 =	slt.u32 s9, $0xF7A;
	s5 =	simm.s32 @!p2 $0x0  }
0x1d: {  	s5 =	simm.s32 @p1 $0x1;
	p0 =	seq.s32 s7, s2  }
0x1e: {  	s7 =	smul.u32 @!p0 $0xF7A, s2;
	p2 =	seq.s32 @!p0 s5, $0x0  }
0x1f: {  	s9 =	smul.u32 $0xF7A, s1;
	s8 =	simm.s32 @!p0 $0x1BF5;
	p2 =	por !p2, p0  }
0x20: {  	[sflag:s8] =	ssyncset.s32 @!p0 $0xFFFFF086;
	s6 =	sadd.s32 @!p0 s3, s7;
	s7 =	simm.s32 @!p0 $0x108  }
0x21: {  	s3 =	sadd.s32 s3, s9;
	s6 =	sadd.s32 @!p0 $0x88, s6;
	s7 =	simm.s32 @p2 $0x1082  }
0x22: {  	[simem:s7], [sflag:s8] =	dma.local @!p0 [hbm:s6], $0xF7A  }
0x23: {  	s9 =	sor.u32 $0xD0000000, s2;
	s6 =	simm.s32 $0x108;
	_ =	swait.ge @!p0 [sflag:s8], $0x0  }
0x24: {  	s3 =	sadd.s32 $0x88, s3;
	s6 =	simm.s32 @!p1 $0x1082;
	[sflag:s4] =	ssyncset.s32 $0xFFFFF086  }
0x25: {  	[simem:s6], [sflag:s4] =	dma.local [hbm:s3], $0xF7A  }
0x26: {  	[smem:$0x3F9E] =	sst s1;
	(tag) =	ssettag s2;
	_ =	strace s9  }
0x27: {  	s1 =	sld [smem:$0x3FAE]  }
0x28: {  	s2 =	sld [smem:$0x3FAF]  }
0x29: {  	s4 =	sld [smem:$0x3FB1]  }
0x2a: {  	p0 =	seq.s32 s5, $0x0;
	s5 =	sld [smem:$0x3FB2]  }
0x2b: {  	s6 =	sld [smem:$0x3FB3]  }
0x2c: {  	s7 =	sld [smem:$0x3FB4]  }
0x2d: {  	s3 =	simm.s32 $0x108;
	s8 =	sld [smem:$0x3FB5]  }
0x2e: {  	s3 =	simm.s32 @!p0 $0x1082;
	s9 =	sld [smem:$0x3FB6]  }
0x2f: {  	lr =	sadd.s32 s0, s3;
	s0 =	sld [smem:$0x3FAD]  }
0x30: {  	s3 =	sld [smem:$0x3FB0]  }
0x31: {  	[smem:$0x3FB9] =	sst s10  }
0x32: {  	s10 =	sld [smem:$0x3FB7];
	_ =	sdelay $0x3  }
0x33: {  	p0 =	seq.s32 s10, $0x1;
	s10 =	sld [smem:$0x3FB9];
	_ =	sdelay $0x3  }
0x34: {  	[smem:$0x3FB9] =	sst s10  }
0x35: {  	s10 =	sld [smem:$0x3FB8];
	_ =	sdelay $0x3  }
0x36: {  	p1 =	seq.s32 s10, $0x1;
	s10 =	sld [smem:$0x3FB9];
	_ =	sdelay $0x3  }
0x37: {  	[smem:$0x3FB9] =	sst s10  }
0x38: {  	s10 =	sld [smem:$0x3FBA]  }
0x39: {  	_ = 	snop;
	(pc) =	sbr.ind lr, $3  }
0x3a: {  	_ = 	snop  }
0x3b: {  	_ = 	snop  }
0x3c: {  	p2 =	seq.s32 s10, $0x1;
	s10 =	sld [smem:$0x3FB9]  }
0x3d: {  	_ =	shalt  }
0x3e: {  	_ =	shalt  }
0x3f: {  	_ =	shalt  }
0x40: {  	_ =	shalt  }
0x41: {  	_ =	shalt  }
0x42: {  	_ =	shalt  }
0x43: {  	_ =	shalt  }
0x44: {  	_ =	shalt  }
0x45: {  	_ =	shalt  }
0x46: {  	_ =	shalt  }
0x47: {  	_ =	shalt  }
0x48: {  	_ =	shalt  }
0x49: {  	_ =	shalt  }
0x4a: {  	_ =	shalt  }
0x4b: {  	_ =	shalt  }
0x4c: {  	_ =	shalt  }
0x4d: {  	_ =	shalt  }
0x4e: {  	_ =	shalt  }
0x4f: {  	_ =	shalt  }
0x50: {  	_ =	shalt  }
0x51: {  	_ =	shalt  }
0x52: {  	_ =	shalt  }
0x53: {  	_ =	shalt  }
0x54: {  	_ =	shalt  }
0x55: {  	_ =	shalt  }
0x56: {  	_ =	shalt  }
0x57: {  	_ =	shalt  }
0x58: {  	_ =	shalt  }
0x59: {  	_ =	shalt  }
0x5a: {  	_ =	shalt  }
0x5b: {  	_ =	shalt  }
0x5c: {  	_ =	shalt  }
0x5d: {  	_ =	shalt  }
0x5e: {  	_ =	shalt  }
0x5f: {  	_ =	shalt  }
0x60: {  	_ =	shalt  }
0x61: {  	_ =	shalt  }
0x62: {  	_ =	shalt  }
0x63: {  	_ =	shalt  }
0x64: {  	_ =	shalt  }
0x65: {  	_ =	shalt  }
0x66: {  	_ =	shalt  }
0x67: {  	_ =	shalt  }
0x68: {  	_ =	shalt  }
0x69: {  	_ =	shalt  }
0x6a: {  	_ =	shalt  }
0x6b: {  	_ =	shalt  }
0x6c: {  	_ =	shalt  }
0x6d: {  	_ =	shalt  }
0x6e: {  	_ =	shalt  }
0x6f: {  	_ =	shalt  }
0x70: {  	_ =	shalt  }
0x71: {  	_ =	shalt  }
0x72: {  	_ =	shalt  }
0x73: {  	_ =	shalt  }
0x74: {  	_ =	shalt  }
0x75: {  	_ =	shalt  }
0x76: {  	_ =	shalt  }
0x77: {  	_ =	shalt  }
0x78: {  	_ =	shalt  }
0x79: {  	_ =	shalt  }
0x7a: {  	_ =	shalt  }
0x7b: {  	_ =	shalt  }
0x7c: {  	_ =	shalt  }
0x7d: {  	_ =	shalt  }
0x7e: {  	_ =	shalt  }
0x7f: {  	_ =	shalt  }
0x80: {  	_ =	shalt  }
0x81: {  	_ =	shalt  }
0x82: {  	_ =	shalt  }
0x83: {  	_ =	shalt  }
0x84: {  	_ =	shalt  }
0x85: {  	_ =	shalt  }
0x86: {  	_ =	shalt  }
0x87: {  	_ =	shalt  }
.Lfunc_end0:
.L_simem_size_0:
called_computation.2_lowered:
.L_overlay_start_0:
0x88: {  	s2 =	sld [smem:$0x3FD9]  }
0x89: {  	s3 =	sld [smem:$0x3FFE];
	_ =	sdelay $0x1  }
0x8a: {  	s1 =	srdreg.scid  }
0x8b: {  	s0 =	sand.u32 $0x1, s1  }
0x8c: {  	s16 =	sshll.u32 s0, $0xA;
	s2 =	sadd.s32 s3, s2  }
0x8d: {  	s2 =	sadd.s32 s2, s16  }
0x8e: {  	[smem:$0x3FC5] =	sst s2  }
0x8f: {  	_ = 	snop  }
0x90: {  	(tm) =	ssettm $0x1  }
0x91: {  	s17 =	sld [smem:$0x3FFB];
	_ =	sdelay $0x3  }
0x92: {  	_ =	strace s17  }
0x93: {  	s2 =	sld [smem:$0x3FFC];
	_ =	sdelay $0x3  }
0x94: {  	_ =	strace s2  }
0x95: {  	s2 =	sld [smem:$0x3FFD];
	_ =	sdelay $0x3  }
0x96: {  	_ =	strace s2  }
0x97: {  	_ =	strace $0x8FFFFFFF  }
0x98: {  	s18 =	sld [smem:$0x3FDB];
	_ =	sdelay $0x1  }
0x99: {  	s19 =	simm.s32 $_scs_section_size  }
0x9a: {  	s4 =	simm.s32 $_size__tile_overlayer_lowered;
	s5 =	simm.s32 $_tile_overlayer_lowered  }
0x9b: {  	s22 =	simm.s32 $0x1BFF;
	s21 =	sshll.u32 s5, $0x1;
	s2 =	sadd.s32 s19, s18  }
0x9c: {  	s6 =	simm.s32 $0x0;
	s20 =	sshll.u32 s4, $0x1;
	s4 =	sadd.s32 s21, s2  }
0x9d: {  	[timem:s6], [sflag:s22] =	dma.local [hbm:s4], s20  }
0x9e: {  	_ =	swait.ge [sflag:s22], s20  }
0x9f: {  	s3 =	ssub.s32 $0x0, s20;
	[sflag:s22] =	ssyncset.done $0x0  }
0xa0: {  	[sflag:s22] =	ssyncadd.s32 s3;
	_ =	sdelay $0x1  }
0xa1: {  	s23 =	simm.s32 $0x1B8B  }
0xa2: {  	_ =	swait.ge [sflag:s23], $0x1  }
0xa3: {  	[sflag:s23] =	ssyncset.done $0x0  }
0xa4: {  	s25 =	simm.s32 $0x1B8E;
	s24 =	sld [smem:$0x3FFE];
	[sflag:s23] =	ssyncadd.s32 $0xFFFFFFFF  }
0xa5: {  	s26 =	simm.s32 $execute0_lowered;
	[smem:$0x3FD2] =	sst s25  }
0xa6: {  	s4 =	sshll.u32 s26, $0x1;
	_ =	strace $0x8000004F;
	[dreg:$0x1] =	wrdreg $0xFFFFFFFF  }
0xa7: {  	s28 =	simm.s32 $_size_execute0_lowered;
	s2 =	sadd.s32 s2, s4;
	[dreg:$0x0] =	wrdreg $0x0  }
0xa8: {  	s4 =	sshll.u32 s28, $0x1;
	[dreg:$0x2] =	wrdreg s2  }
0xa9: {  	[dreg:$0x3] =	wrdreg s4  }
0xaa: {  	[dreg:$0x4] =	wrdreg $0xC0  }
0xab: {  	_ =	task [dreg:s6], $0x5FFFF  }
0xac: {  	[dreg:$0x1] =	wrdreg $0xFFFFFFFF  }
0xad: {  	[dreg:$0x0] =	wrdreg $0x60  }
0xae: {  	[dreg:$0x2] =	wrdreg s24  }
0xaf: {  	[dreg:$0x3] =	wrdreg $0x9  }
0xb0: {  	_ =	task.clear_ibuf [dreg:s6], $0x4FFFF;
	_ =	strace $0x9000004F  }
0xb1: {  	s29 =	simm.s32 $0x9;
	_ =	strace $0x80000051  }
0xb2: {  	_ =	swait.ge [sflag:s29], $0x1  }
0xb3: {  	[sflag:s29] =	ssyncadd.s32 $0xFFFFFFFF  }
0xb4: {  	_ =	strace $0x90000051  }
0xb5: {  	_ =	sfence  }
0xb6: {  	s30 =	sld [smem:$0x0];
	_ =	sdelay $0x2  }
0xb7: {  	s31 =	sshll.u32 s1, $0xD;
	s1 =	sshrl.u32 s1, $0x2  }
0xb8: {  	s3 =	sand.u32 $0x4000, s31;
	s1 =	sadd.s32 s1, s30  }
0xb9: {  	s0 =	sor.u32 s3, s0;
	s1 =	sshll.u32 s1, $0x11  }
0xba: {  	s0 =	sor.u32 s1, s0  }
0xbb: {  	s0 =	sadd.s32 $0x8F2B, s0  }
0xbc: {  	[sflag:s0] =	ssyncadd.remote.s32 $0x1  }
0xbd: {  	_ =	sfence.sel $0xFFFF  }
0xbe: {  	[dreg:$0x0] =	wrdreg $0xFFFFFFFF;
	(pc) =	sbr.abs _section_cstart, $3  }
0xbf: {  	[dreg:$0x1] =	wrdreg $0xFFFFFFFF  }
0xc0: {  	_ =	task.clear_ibuf [dreg:s6], $0x2FFFF;
	_ =	strace $0x9FFFFFFF  }
0xc1: {  	(tm) =	ssettm $0x7FFFFFFF  }
tec
execute0_lowered:
.L_overlay_start_1:
0x0: {  	(tag) =	ssettag $0x1  }
0x1: {  	s8 =	rddreg [dreg:$0x0]  }
0x2: {  	s0 =	rddreg [dreg:$0x1];
	_ =	strace $0x80000050;
	s1 =	stileid.u32  }
0x3: {  	s3 =	srdreg.scid;
	s4 =	simm.s32 $0x1;
	s7 =	simm.s32 $0x1  }
0x4: {  	s9 =	simm.s32 $0x1;
	s10 =	simm.s32 $0x3;
	s13 =	simm.s32 $0x0  }
0x5: {  	s12 =	simm.s32 $0x0;
	s5 =	sand.u32 $0x1, s3;
	s6 =	sshll.u32 s1, $0x1  }
0x6: {  	s2 =	sadd.s32 $0x2E200, s8;
	s3 =	sadd.s32 $0xD000, s8;
	s5 =	sor.u32 s6, s5  }
.Ltmp0:
0x7: {  	[sflag:s4] =	ssyncpa.u1 $0x0;
	p0 =	slt.u32 s5, $0x9;
	(pc) =	sbr.rel .LBB2_1-.Ltmp0, $4  }
0x8: {  	s6 =	simm.s32 $0x2;
	s7 =	simm.s32 @!p0 $0x0;
	p0 =	sne.s32 s5, $0x8  }
0x9: {  	[sflag:s6] =	ssyncpa.u1 $0x0;
	s5 =	smul.u32 $0xFA0, s5;
	s9 =	simm.s32 @!p0 $0x0  }
0xa: {  	s8 =	sadd.s32 $0x33200, s8;
	[sflag:s10] =	ssyncpa.u1 $0x0;
	s7 =	sadd.s32 s9, s7  }
0xb: {  	vm0 =	vmmov $0xffff;
	v0 =	vimm.s32 $0x0;
	s10 =	simm.s32 $0x0;
	s11 =	smov.u32 s5;
	s9 =	sadd.s32 $0x1, s7  }
.LBB2_4:
0xc: {  	v2 =	vand.u32 $0x7F, v2;
	v3 =	vand.u32 $0x3FF, v3;
	vm2 =	veq.s32 v4, $0x1  }
0xd: {  	v2 =	vsel vm1, $0xFFFFFFFF, v2;
	v3 =	vsel vm1, $0xFFFFFFFF, v3;
	v4 =	vsel vm2, $0x14000, v0  }
0xe: {  	v5 =	vand.u32 $0x7F, v3;
	v4 =	vsel vm1, $0xFFFEC000, v4;
	v6 =	vshll.u32 v2, $0xA  }
0xf: {  	v3 =	vshll.u32 v3, $0x3;
	v6 =	vand.u32 $0xFFFFE000, v6;
	v4 =	vor.u32 v4, v5  }
0x10: {  	v2 =	vshll.u32 v2, $0x7;
	v3 =	vand.u32 $0xFFFFFC00, v3;
	v4 =	vadd.s32 v6, v4  }
0x11: {  	v2 =	vand.u32 $0x380, v2;
	v3 =	vadd.s32 v3, v4  }
0x12: {  	v2 =	vor.u32 v2, v3;
	_ =	sdelay $0x1  }
0x13: {  	(ifvalue) =	ssetifvalue $0x7FFFFFFF;
	s15 =	sadd.s32 $0x10, s15  }
0x14: {  	[tilespmem:s15], [sflag:$0x1] =	stream.indirect_vreg.gather [hbm4b:s2+s10], $0x1, v1, vm0, $0x4038;
	[tilespmem:$0x3E80] =	vst v63  }
0x15: {  	(ifvalue) =	ssetifvalue $0x7FFFFFFF;
	s15 =	sadd.s32 $0x10, s15  }
0x16: {  	[tilespmem:s15], [sflag:$0x1] =	stream.indirect_vreg.gather [hbm4b:s2+s10], $0x1, v2, vm0, $0x4038;
	[tilespmem:$0x3E80] =	vst v63  }
0x17: {  	_ =	swait.ge [sflag:s4], $0xFA0  }
0x18: {  	s30 =	sshrl.u32 s13, $0x3;
	[sflag:s4] =	ssyncset.done $0x0  }
0x19: {  	s31 =	sand.u32 $0x7, s13;
	s15 =	sadd.s32 s8, s30;
	[sflag:s4] =	ssyncadd.s32 $0xFFFFF060  }
0x1a: {  	[hbm4b:s15+s31] =	stream.linear.scatter [tilespmem:s14], [sflag:$0x3], $0xFA0, $0x38;
	[tilespmem:$0x3E80] =	vst v63  }
.LBB2_5:
0x1b: {  	s15 =	sadd.s32 $0x1F400, s11  }
0x1c: {  	p1 =	sgt.s32 s15, $0x270FF  }
0x1d: {  	s15 =	smov.u32 @p1 s5;
	p1 =	sne.s32 s12, s9  }
.Ltmp1:
0x1e: {  	p0 =	slt.u32 s12, $0x2;
	(pc) =	sbr.rel @!p1 .LBB2_6-.Ltmp1, $4  }
0x1f: {  	s14 =	simm.s32 @!p0 $0x3  }
0x20: {  	_ =	swait.ge @!p0 [sflag:s14], $0xFA0  }
0x21: {  	s16 =	sadd.s32 $0x1, s12;
	s13 =	smov.u32 s11;
	[sflag:s14] =	ssyncset.done @!p0 $0x0  }
0x22: {  	s12 =	smov.u32 s16;
	s11 =	smov.u32 s15;
	[sflag:s14] =	ssyncadd.s32 @!p0 $0xFFFFF060  }
.LBB2_1:
0x23: {  	p0 =	sge.u32 s12, s7  }
0x24: {  	s14 =	sxor.u32 @!p0 $0x1, s12  }
0x25: {  	s14 =	smul.u32 @!p0 $0x3E80, s14  }
0x26: {  	s31 =	sadd.s32 $0xFFFFFFFF, s12;
	s15 =	sshrl.u32 @!p0 s11, $0x3  }
0x27: {  	s16 =	sand.u32 @!p0 $0x7, s11;
	s15 =	sadd.s32 @!p0 s3, s15;
	s14 =	sshra.s32 @!p0 s14, $0x2  }
0x28: {  	[tilespmem:s14], [sflag:$0x2] =	stream.linear.gather @!p0 [hbm4b:s15+s16], $0xFA0, $0x38;
	[tilespmem:$0x3E80] =	vst v63  }
0x29: {  	p0 =	sge.u32 s31, s7  }
.Ltmp2:
0x2a: {  	_ = 	snop;
	(pc) =	sbr.rel @p0 .LBB2_5-.Ltmp2, $1  }
0x2b: {  	_ =	sdelay $0x3  }
0x2c: {  	s14 =	sand.u32 $0x1, s12  }
0x2d: {  	_ =	swait.ge [sflag:s6], $0xFA0;
	p0 =	seq.s32 s14, $0x1;
	s14 =	simm.s32 $0xFA0  }
0x2e: {  	[sflag:s6] =	ssyncset.done $0x0;
	s14 =	simm.s32 @!p0 $0x0  }
0x2f: {  	[sflag:s6] =	ssyncadd.s32 $0xFFFFF060;
	(ifvalue) =	ssetifvalue $0x7FFFFFFF;
	v1 =	vld.msk [tilespmem:s14+$0x0 ss:$0x1], $0xffff;
	_ =	sdelay $0x4  }
0x30: {  	vm1 =	veq.s32 v1, $0x80000000;
	v3 =	vshrl.u32 v1, $0x8  }
0x31: {  	s15 =	sadd.s32 $0x10, s14;
	v2 =	vshrl.u32 v1, $0x1;
	v1 =	vand.u32 $0x1, v1;
	v3 =	vand.u32 $0x3FF, v3  }
0x32: {  	v2 =	vand.u32 $0x7F, v2;
	vm2 =	veq.s32 v1, $0x1;
	v1 =	vld.msk [tilespmem:s15+$0x0 ss:$0x1], $0xffff;
	v3 =	vsel vm1, $0xFFFFFFFF, v3  }
0x33: {  	v2 =	vsel vm1, $0xFFFFFFFF, v2;
	v4 =	vsel vm2, $0x14000, v0;
	v5 =	vand.u32 $0x7F, v3  }
0x34: {  	v4 =	vsel vm1, $0xFFFEC000, v4;
	v6 =	vshll.u32 v2, $0xA;
	v3 =	vshll.u32 v3, $0x3  }
0x35: {  	v2 =	vshll.u32 v2, $0x7;
	v6 =	vand.u32 $0xFFFFE000, v6;
	v4 =	vor.u32 v4, v5  }
0x36: {  	v3 =	vand.u32 $0xFFFFFC00, v3;
	v2 =	vand.u32 $0x380, v2;
	v4 =	vadd.s32 v6, v4  }
0x37: {  	v3 =	vadd.s32 v3, v4;
	vm1 =	veq.s32 v1, $0x80000000;
	v4 =	vshrl.u32 v1, $0x8  }
0x38: {  	v2 =	vor.u32 v2, v3;
	v3 =	vshrl.u32 v1, $0x1;
	v1 =	vand.u32 $0x1, v1  }
0x39: {  	s15 =	sadd.s32 $0x10, s15;
	v4 =	vand.u32 $0x3FF, v4;
	v3 =	vand.u32 $0x7F, v3;
	vm2 =	veq.s32 v1, $0x1  }
0x3a: {  	v5 =	vld.msk [tilespmem:s15+$0x0 ss:$0x1], $0xffff;
	v1 =	vsel vm1, $0xFFFFFFFF, v3;
	v3 =	vsel vm1, $0xFFFFFFFF, v4;
	v4 =	vsel vm2, $0x14000, v0  }
0x3b: {  	v6 =	vand.u32 $0x7F, v3;
	v4 =	vsel vm1, $0xFFFEC000, v4;
	v7 =	vshll.u32 v1, $0xA  }
0x3c: {  	v3 =	vshll.u32 v3, $0x3;
	v7 =	vand.u32 $0xFFFFE000, v7;
	v4 =	vor.u32 v4, v6  }
0x3d: {  	s14 =	sadd.s32 $0x1F40, s14;
	(ifvalue) =	ssetifvalue $0x7FFFFFFF;
	v1 =	vshll.u32 v1, $0x7;
	v3 =	vand.u32 $0xFFFFFC00, v3;
	v4 =	vadd.s32 v7, v4  }
0x3e: {  	v1 =	vand.u32 $0x380, v1;
	[tilespmem:s14], [sflag:$0x1] =	stream.indirect_vreg.gather [hbm4b:s2+s10], $0x1, v2, vm0, $0x4038;
	v2 =	vadd.s32 v3, v4;
	[tilespmem:$0x3E80] =	vst v63  }
0x3f: {  	vm1 =	veq.s32 v5, $0x80000000;
	v1 =	vor.u32 v1, v2  }
0x40: {  	s16 =	simm.s32 $0x20;
	s17 =	sadd.s32 $0x10, s15;
	s15 =	smov.u32 s14;
	v3 =	vshrl.u32 v5, $0x8;
	v4 =	vand.u32 $0x1, v5;
	v2 =	vshrl.u32 v5, $0x1  }
.LBB2_3:
0x41: {  	v5 =	vld.msk [tilespmem:s17+$0x0 ss:$0x1], $0xffff;
	v2 =	vand.u32 $0x7F, v2;
	v3 =	vand.u32 $0x3FF, v3;
	vm2 =	veq.s32 v4, $0x1  }
0x42: {  	s16 =	sadd.s32 $0x10, s16;
	v2 =	vsel vm1, $0xFFFFFFFF, v2;
	v3 =	vsel vm1, $0xFFFFFFFF, v3;
	v4 =	vsel vm2, $0x14000, v0  }
0x43: {  	s15 =	sadd.s32 $0x10, s15;
	p0 =	slt.u32 s16, $0xF90;
	v6 =	vand.u32 $0x7F, v3;
	v4 =	vsel vm1, $0xFFFEC000, v4;
	v7 =	vshll.u32 v2, $0xA;
	(ifvalue) =	ssetifvalue $0x7FFFFFFF  }
0x44: {  	[tilespmem:s15], [sflag:$0x1] =	stream.indirect_vreg.gather [hbm4b:s2+s10], $0x1, v1, vm0, $0x4038;
	[tilespmem:$0x3E80] =	vst v63  }
.Ltmp3:
0x45: {  	v3 =	vshll.u32 v3, $0x3;
	v7 =	vand.u32 $0xFFFFE000, v7;
	v4 =	vor.u32 v4, v6;
	(pc) =	sbr.rel @p0 .LBB2_3-.Ltmp3, $4  }
0x46: {  	v2 =	vshll.u32 v2, $0x7;
	v1 =	vand.u32 $0xFFFFFC00, v3;
	v3 =	vadd.s32 v7, v4  }
0x47: {  	v2 =	vand.u32 $0x380, v2;
	v1 =	vadd.s32 v1, v3  }
0x48: {  	vm1 =	veq.s32 v5, $0x80000000;
	v1 =	vor.u32 v2, v1  }
0x49: {  	s17 =	sadd.s32 $0x10, s17;
	v3 =	vshrl.u32 v5, $0x8;
	v4 =	vand.u32 $0x1, v5;
	v2 =	vshrl.u32 v5, $0x1  }
.Ltmp4:
0x4a: {  	_ = 	snop;
	(pc) =	sbr.rel .LBB2_4-.Ltmp4, $1  }
0x4b: {  	_ =	sdelay $0x3  }
.LBB2_6:
0x4c: {  	_ =	sfence.sel $0x180000  }
0x4d: {  	s2 =	simm.s32 $0x2;
	[bflag:$0x0] =	sbarrier.arrive $0xFFFF  }
0x4e: {  	s30 =	simm.s32 $0x3;
	[sflag:s2] =	ssyncpa.u1 $0x1  }
0x4f: {  	s31 =	simm.s32 $0x1;
	[sflag:s30] =	ssyncpa.u1 $0x1  }
0x50: {  	[sflag:s31] =	ssyncpa.u1 $0x1  }
0x51: {  	p0 =	sne.s32 s1, $0x0;
	_ =	strace $0x90000050  }
0x52: {  	s0 =	sadd.s32 @!p0 $0x100000, s0;
	[bflag:$0x2] =	sbarrier.arrive $0xFFFF  }
0x53: {  	[sflag:s0] =	ssyncadd.tile.s32 @!p0 $0x1;
	_ =	shalt  }
.Lfunc_end2:
_tile_overlayer_lowered:
.L_overlay_start_2:
0x54: {  	(tag) =	ssettag $0x2  }
0x55: {  	s0 =	rddreg [dreg:$0x0];
	s2 =	stileid.u32  }
0x56: {  	s1 =	rddreg [dreg:$0x1];
	p0 =	sne.s32 s2, $0x0  }
0x57: {  	s3 =	rddreg [dreg:$0x2];
	[bflag:$0x3] =	sbarrier.arrive $0xFFFF;
	s2 =	simm.s32 @!p0 $0x1C01  }
0x58: {  	[timem:s3], [sflag:s2] =	dma.local @!p0 [hbm:s0], s1  }
0x59: {  	s0 =	simm.s32 @!p0 $0x1  }
0x5a: {  	_ =	swait.ge @!p0 [sflag:s0], s1  }
0x5b: {  	s1 =	ssub.s32 @!p0 $0x0, s1;
	[sflag:s0] =	ssyncset.done @!p0 $0x0  }
0x5c: {  	[sflag:s0] =	ssyncadd.s32 @!p0 s1  }
0x5d: {  	[bflag:$0x3] =	sbarrier.arrive $0xFFFF  }
0x5e: {  	_ =	shalt  }

// kernel: gather_offload_async_start.3
scs
__scs_entry_jumppad:
0x0: {  	(pc) =	sbr.rel $0x88, $3  }
0x1: {  	(tag) =	ssettag $0x0;
	lr =	simm.s32 $0x1  }
0x2: {  	[smem:$0x3F9E] =	sst lr;
	_ =	strace $0xD0000000  }
0x3: {  	_ = 	snop  }
0x4: {  	_ = 	snop  }
0x5: {  	_ = 	snop  }
0x6: {  	_ = 	snop  }
0x7: {  	_ = 	snop  }
__scs_overlays_trampoline_lowered:
0x8: {  	[smem:$0x3FAD] =	sst s0  }
0x9: {  	[smem:$0x3FAE] =	sst s1  }
0xa: {  	[smem:$0x3FAF] =	sst s2  }
0xb: {  	[smem:$0x3FB0] =	sst s3  }
0xc: {  	[smem:$0x3FB1] =	sst s4  }
0xd: {  	[smem:$0x3FB2] =	sst s5  }
0xe: {  	[smem:$0x3FB3] =	sst s6  }
0xf: {  	[smem:$0x3FB4] =	sst s7  }
0x10: {  	[smem:$0x3FB5] =	sst s8  }
0x11: {  	[smem:$0x3FB6] =	sst s9;
	s0 =	simm.s32 @!p0 $0x0  }
0x12: {  	s1 =	sld [smem:$0x3F9C];
	s0 =	simm.s32 @p0 $0x1  }
0x13: {  	[smem:$0x3FB7] =	sst s0;
	s0 =	simm.s32 @!p1 $0x0  }
0x14: {  	s2 =	sld [smem:$0x3F9B];
	s0 =	simm.s32 @p1 $0x1  }
0x15: {  	[smem:$0x3FB8] =	sst s0;
	s0 =	simm.s32 @!p2 $0x0  }
0x16: {  	s3 =	sld [smem:$0x3FDB];
	s0 =	simm.s32 @p2 $0x1  }
0x17: {  	s4 =	simm.s32 $0x1BF5;
	[smem:$0x3FBA] =	sst s0  }
0x18: {  	s0 =	sld [smem:$0x3F9D];
	_ =	swait.ge [sflag:s4], $0x0  }
0x19: {  	s7 =	sld [smem:$0x3F9E]  }
0x1a: {  	s8 =	sadd.s32 $0xFFFFE003, lr  }
0x1b: {  	s9 =	sadd.s32 $0xFFFFFEF7, lr;
	s5 =	simm.s32 $0xFFFFFFFF;
	p2 =	slt.u32 s8, $0xFFFFF086  }
0x1c: {  	p1 =	slt.u32 s9, $0xF7A;
	s5 =	simm.s32 @!p2 $0x0  }
0x1d: {  	s5 =	simm.s32 @p1 $0x1;
	p0 =	seq.s32 s7, s2  }
0x1e: {  	s7 =	smul.u32 @!p0 $0xF7A, s2;
	p2 =	seq.s32 @!p0 s5, $0x0  }
0x1f: {  	s9 =	smul.u32 $0xF7A, s1;
	s8 =	simm.s32 @!p0 $0x1BF5;
	p2 =	por !p2, p0  }
0x20: {  	[sflag:s8] =	ssyncset.s32 @!p0 $0xFFFFF086;
	s6 =	sadd.s32 @!p0 s3, s7;
	s7 =	simm.s32 @!p0 $0x108  }
0x21: {  	s3 =	sadd.s32 s3, s9;
	s6 =	sadd.s32 @!p0 $0x88, s6;
	s7 =	simm.s32 @p2 $0x1082  }
0x22: {  	[simem:s7], [sflag:s8] =	dma.local @!p0 [hbm:s6], $0xF7A  }
0x23: {  	s9 =	sor.u32 $0xD0000000, s2;
	s6 =	simm.s32 $0x108;
	_ =	swait.ge @!p0 [sflag:s8], $0x0  }
0x24: {  	s3 =	sadd.s32 $0x88, s3;
	s6 =	simm.s32 @!p1 $0x1082;
	[sflag:s4] =	ssyncset.s32 $0xFFFFF086  }
0x25: {  	[simem:s6], [sflag:s4] =	dma.local [hbm:s3], $0xF7A  }
0x26: {  	[smem:$0x3F9E] =	sst s1;
	(tag) =	ssettag s2;
	_ =	strace s9  }
0x27: {  	s1 =	sld [smem:$0x3FAE]  }
0x28: {  	s2 =	sld [smem:$0x3FAF]  }
0x29: {  	s4 =	sld [smem:$0x3FB1]  }
0x2a: {  	p0 =	seq.s32 s5, $0x0;
	s5 =	sld [smem:$0x3FB2]  }
0x2b: {  	s6 =	sld [smem:$0x3FB3]  }
0x2c: {  	s7 =	sld [smem:$0x3FB4]  }
0x2d: {  	s3 =	simm.s32 $0x108;
	s8 =	sld [smem:$0x3FB5]  }
0x2e: {  	s3 =	simm.s32 @!p0 $0x1082;
	s9 =	sld [smem:$0x3FB6]  }
0x2f: {  	lr =	sadd.s32 s0, s3;
	s0 =	sld [smem:$0x3FAD]  }
0x30: {  	s3 =	sld [smem:$0x3FB0]  }
0x31: {  	[smem:$0x3FB9] =	sst s10  }
0x32: {  	s10 =	sld [smem:$0x3FB7];
	_ =	sdelay $0x3  }
0x33: {  	p0 =	seq.s32 s10, $0x1;
	s10 =	sld [smem:$0x3FB9];
	_ =	sdelay $0x3  }
0x34: {  	[smem:$0x3FB9] =	sst s10  }
0x35: {  	s10 =	sld [smem:$0x3FB8];
	_ =	sdelay $0x3  }
0x36: {  	p1 =	seq.s32 s10, $0x1;
	s10 =	sld [smem:$0x3FB9];
	_ =	sdelay $0x3  }
0x37: {  	[smem:$0x3FB9] =	sst s10  }
0x38: {  	s10 =	sld [smem:$0x3FBA]  }
0x39: {  	_ = 	snop;
	(pc) =	sbr.ind lr, $3  }
0x3a: {  	_ = 	snop  }
0x3b: {  	_ = 	snop  }
0x3c: {  	p2 =	seq.s32 s10, $0x1;
	s10 =	sld [smem:$0x3FB9]  }
0x3d: {  	_ =	shalt  }
0x3e: {  	_ =	shalt  }
0x3f: {  	_ =	shalt  }
0x40: {  	_ =	shalt  }
0x41: {  	_ =	shalt  }
0x42: {  	_ =	shalt  }
0x43: {  	_ =	shalt  }
0x44: {  	_ =	shalt  }
0x45: {  	_ =	shalt  }
0x46: {  	_ =	shalt  }
0x47: {  	_ =	shalt  }
0x48: {  	_ =	shalt  }
0x49: {  	_ =	shalt  }
0x4a: {  	_ =	shalt  }
0x4b: {  	_ =	shalt  }
0x4c: {  	_ =	shalt  }
0x4d: {  	_ =	shalt  }
0x4e: {  	_ =	shalt  }
0x4f: {  	_ =	shalt  }
0x50: {  	_ =	shalt  }
0x51: {  	_ =	shalt  }
0x52: {  	_ =	shalt  }
0x53: {  	_ =	shalt  }
0x54: {  	_ =	shalt  }
0x55: {  	_ =	shalt  }
0x56: {  	_ =	shalt  }
0x57: {  	_ =	shalt  }
0x58: {  	_ =	shalt  }
0x59: {  	_ =	shalt  }
0x5a: {  	_ =	shalt  }
0x5b: {  	_ =	shalt  }
0x5c: {  	_ =	shalt  }
0x5d: {  	_ =	shalt  }
0x5e: {  	_ =	shalt  }
0x5f: {  	_ =	shalt  }
0x60: {  	_ =	shalt  }
0x61: {  	_ =	shalt  }
0x62: {  	_ =	shalt  }
0x63: {  	_ =	shalt  }
0x64: {  	_ =	shalt  }
0x65: {  	_ =	shalt  }
0x66: {  	_ =	shalt  }
0x67: {  	_ =	shalt  }
0x68: {  	_ =	shalt  }
0x69: {  	_ =	shalt  }
0x6a: {  	_ =	shalt  }
0x6b: {  	_ =	shalt  }
0x6c: {  	_ =	shalt  }
0x6d: {  	_ =	shalt  }
0x6e: {  	_ =	shalt  }
0x6f: {  	_ =	shalt  }
0x70: {  	_ =	shalt  }
0x71: {  	_ =	shalt  }
0x72: {  	_ =	shalt  }
0x73: {  	_ =	shalt  }
0x74: {  	_ =	shalt  }
0x75: {  	_ =	shalt  }
0x76: {  	_ =	shalt  }
0x77: {  	_ =	shalt  }
0x78: {  	_ =	shalt  }
0x79: {  	_ =	shalt  }
0x7a: {  	_ =	shalt  }
0x7b: {  	_ =	shalt  }
0x7c: {  	_ =	shalt  }
0x7d: {  	_ =	shalt  }
0x7e: {  	_ =	shalt  }
0x7f: {  	_ =	shalt  }
0x80: {  	_ =	shalt  }
0x81: {  	_ =	shalt  }
0x82: {  	_ =	shalt  }
0x83: {  	_ =	shalt  }
0x84: {  	_ =	shalt  }
0x85: {  	_ =	shalt  }
0x86: {  	_ =	shalt  }
0x87: {  	_ =	shalt  }
.Lfunc_end0:
.L_simem_size_0:
called_computation.3_lowered:
.L_overlay_start_0:
0x88: {  	s2 =	sld [smem:$0x3FD9]  }
0x89: {  	s3 =	sld [smem:$0x3FFE];
	_ =	sdelay $0x1  }
0x8a: {  	s1 =	srdreg.scid  }
0x8b: {  	s0 =	sand.u32 $0x1, s1  }
0x8c: {  	s17 =	sshll.u32 s0, $0xA;
	s2 =	sadd.s32 s3, s2  }
0x8d: {  	s2 =	sadd.s32 s2, s17  }
0x8e: {  	[smem:$0x3FC5] =	sst s2  }
0x8f: {  	_ = 	snop  }
0x90: {  	(tm) =	ssettm $0x1  }
0x91: {  	s18 =	sld [smem:$0x3FFB];
	_ =	sdelay $0x3  }
0x92: {  	_ =	strace s18  }
0x93: {  	s2 =	sld [smem:$0x3FFC];
	_ =	sdelay $0x3  }
0x94: {  	_ =	strace s2  }
0x95: {  	s2 =	sld [smem:$0x3FFD];
	_ =	sdelay $0x3  }
0x96: {  	_ =	strace s2  }
0x97: {  	_ =	strace $0x8FFFFFFF  }
0x98: {  	s19 =	sld [smem:$0x3FDB];
	_ =	sdelay $0x1  }
0x99: {  	s20 =	simm.s32 $_scs_section_size  }
0x9a: {  	s4 =	simm.s32 $_size__tile_overlayer_lowered;
	s5 =	simm.s32 $_tile_overlayer_lowered  }
0x9b: {  	s6 =	simm.s32 $0x1BFF;
	s21 =	sshll.u32 s5, $0x1;
	s3 =	sadd.s32 s20, s19  }
0x9c: {  	s22 =	simm.s32 $0x0;
	s4 =	sshll.u32 s4, $0x1;
	s5 =	sadd.s32 s21, s3  }
0x9d: {  	[timem:s22], [sflag:s6] =	dma.local [hbm:s5], s4  }
0x9e: {  	_ =	swait.ge [sflag:s6], s4  }
0x9f: {  	s4 =	ssub.s32 $0x0, s4;
	[sflag:s6] =	ssyncset.done $0x0  }
0xa0: {  	[sflag:s6] =	ssyncadd.s32 s4;
	_ =	sdelay $0x1  }
0xa1: {  	s23 =	simm.s32 $0x1B8B  }
0xa2: {  	_ =	swait.ge [sflag:s23], $0x1  }
0xa3: {  	[sflag:s23] =	ssyncset.done $0x0  }
0xa4: {  	[sflag:s23] =	ssyncadd.s32 $0xFFFFFFFF  }
0xa5: {  	s4 =	sld [smem:$0x0]  }
0xa6: {  	s5 =	sand.u32 $0xFFFFFFFE, s1  }
0xa7: {  	p0 =	sne.s32 s1, s5  }
0xa8: {  	s5 =	sshll.u32 @p0 s5, $0xE  }
0xa9: {  	s5 =	sadd.s32 @p0 $0x11B8D, s5;
	s6 =	sshll.u32 @p0 s4, $0x11  }
0xaa: {  	s5 =	sor.u32 @p0 s6, s5  }
0xab: {  	[sflag:s5] =	ssyncadd.remote.s32 @p0 $0x1;
	_ =	sdelay $0x1  }
0xac: {  	s5 =	simm.s32 @p0 $0x1B8D  }
0xad: {  	_ =	swait.eq @p0 [sflag:s5], $0x1  }
0xae: {  	[sflag:s5] =	ssyncadd.s32 @p0 $0xFFFFFFFF  }
0xaf: {  	s6 =	sshll.u32 @!p0 s1, $0xE  }
0xb0: {  	s6 =	sor.u32 @!p0 $0x4000, s6;
	s5 =	simm.s32 @!p0 $0x1B8D  }
0xb1: {  	s4 =	sshll.u32 @!p0 s4, $0x11;
	s6 =	sadd.s32 @!p0 $0x11B8D, s6;
	_ =	swait.eq @!p0 [sflag:s5], $0x1  }
0xb2: {  	s4 =	sor.u32 @!p0 s4, s6;
	[sflag:s5] =	ssyncadd.s32 @!p0 $0xFFFFFFFF  }
0xb3: {  	s25 =	simm.s32 $0x1B8E;
	s24 =	sld [smem:$0x3FFE];
	[sflag:s4] =	ssyncadd.remote.s32 @!p0 $0x1  }
0xb4: {  	s26 =	simm.s32 $execute0_lowered;
	[smem:$0x3FD2] =	sst s25  }
0xb5: {  	s5 =	sshll.u32 s26, $0x1;
	_ =	strace $0x80000052;
	[dreg:$0x1] =	wrdreg $0xFFFFFFFF  }
0xb6: {  	s28 =	simm.s32 $_size_execute0_lowered;
	s3 =	sadd.s32 s3, s5;
	[dreg:$0x0] =	wrdreg $0x0  }
0xb7: {  	s5 =	sshll.u32 s28, $0x1;
	[dreg:$0x2] =	wrdreg s3  }
0xb8: {  	[dreg:$0x3] =	wrdreg s5  }
0xb9: {  	[dreg:$0x4] =	wrdreg $0xC0  }
0xba: {  	_ =	task [dreg:s22], $0x5FFFF  }
0xbb: {  	[dreg:$0x1] =	wrdreg $0xFFFFFFFF  }
0xbc: {  	[dreg:$0x0] =	wrdreg $0x60  }
0xbd: {  	[dreg:$0x2] =	wrdreg s24  }
0xbe: {  	[dreg:$0x3] =	wrdreg $0xA  }
0xbf: {  	_ =	task.clear_ibuf [dreg:s22], $0x4FFFF;
	_ =	strace $0x90000052  }
0xc0: {  	s29 =	simm.s32 $0xA;
	_ =	strace $0x80000054  }
0xc1: {  	_ =	swait.ge [sflag:s29], $0x1  }
0xc2: {  	[sflag:s29] =	ssyncadd.s32 $0xFFFFFFFF  }
0xc3: {  	_ =	strace $0x90000054  }
0xc4: {  	_ =	sfence  }
0xc5: {  	s30 =	sld [smem:$0x0];
	_ =	sdelay $0x2  }
0xc6: {  	s31 =	sshll.u32 s1, $0xD;
	s1 =	sshrl.u32 s1, $0x2  }
0xc7: {  	s4 =	sand.u32 $0x4000, s31;
	s1 =	sadd.s32 s1, s30  }
0xc8: {  	s0 =	sor.u32 s4, s0;
	s1 =	sshll.u32 s1, $0x11  }
0xc9: {  	s0 =	sor.u32 s1, s0  }
0xca: {  	s0 =	sadd.s32 $0x8F2B, s0  }
0xcb: {  	[sflag:s0] =	ssyncadd.remote.s32 $0x1  }
0xcc: {  	_ =	sfence.sel $0xFFFF  }
0xcd: {  	[dreg:$0x0] =	wrdreg $0xFFFFFFFF;
	(pc) =	sbr.abs _section_cstart, $3  }
0xce: {  	[dreg:$0x1] =	wrdreg $0xFFFFFFFF  }
0xcf: {  	_ =	task.clear_ibuf [dreg:s22], $0x2FFFF;
	_ =	strace $0x9FFFFFFF  }
0xd0: {  	(tm) =	ssettm $0x7FFFFFFF  }
0xd1: {  	_ =	shalt  }
tec
execute0_lowered:
.L_overlay_start_1:
0x0: {  	(tag) =	ssettag $0x1  }
0x1: {  	s8 =	rddreg [dreg:$0x0]  }
0x2: {  	s0 =	rddreg [dreg:$0x1];
	_ =	strace $0x80000053;
	s1 =	stileid.u32  }
0x3: {  	s3 =	srdreg.scid;
	s4 =	simm.s32 $0x1;
	s7 =	simm.s32 $0x1  }
0x4: {  	s9 =	simm.s32 $0x1;
	s10 =	simm.s32 $0x3;
	s13 =	simm.s32 $0x0  }
0x5: {  	s12 =	simm.s32 $0x0;
	s5 =	sand.u32 $0x1, s3;
	s6 =	sshll.u32 s1, $0x1  }
0x6: {  	s2 =	sadd.s32 $0x38200, s8;
	s3 =	sadd.s32 $0xD000, s8;
	s5 =	sor.u32 s6, s5  }
.Ltmp0:
0x7: {  	[sflag:s4] =	ssyncpa.u1 $0x0;
	p0 =	slt.u32 s5, $0x9;
	(pc) =	sbr.rel .LBB2_1-.Ltmp0, $4  }
0x8: {  	s6 =	simm.s32 $0x2;
	s7 =	simm.s32 @!p0 $0x0;
	p0 =	sne.s32 s5, $0x8  }
0x9: {  	[sflag:s6] =	ssyncpa.u1 $0x0;
	s5 =	smul.u32 $0xFA0, s5;
	s9 =	simm.s32 @!p0 $0x0  }
0xa: {  	s8 =	sadd.s32 $0x3D200, s8;
	[sflag:s10] =	ssyncpa.u1 $0x0;
	s7 =	sadd.s32 s9, s7  }
0xb: {  	vm0 =	vmmov $0xffff;
	v0 =	vimm.s32 $0x0;
	s10 =	simm.s32 $0x0;
	s11 =	smov.u32 s5;
	s9 =	sadd.s32 $0x1, s7  }
.LBB2_4:
0xc: {  	v2 =	vand.u32 $0x7F, v2;
	v3 =	vand.u32 $0x3FF, v3;
	vm2 =	veq.s32 v4, $0x1  }
0xd: {  	v2 =	vsel vm1, $0xFFFFFFFF, v2;
	v3 =	vsel vm1, $0xFFFFFFFF, v3;
	v4 =	vsel vm2, $0x14000, v0  }
0xe: {  	v5 =	vand.u32 $0x7F, v3;
	v4 =	vsel vm1, $0xFFFEC000, v4;
	v6 =	vshll.u32 v2, $0xA  }
0xf: {  	v3 =	vshll.u32 v3, $0x3;
	v6 =	vand.u32 $0xFFFFE000, v6;
	v4 =	vor.u32 v4, v5  }
0x10: {  	v2 =	vshll.u32 v2, $0x7;
	v3 =	vand.u32 $0xFFFFFC00, v3;
	v4 =	vadd.s32 v6, v4  }
0x11: {  	v2 =	vand.u32 $0x380, v2;
	v3 =	vadd.s32 v3, v4  }
0x12: {  	v2 =	vor.u32 v2, v3;
	_ =	sdelay $0x1  }
0x13: {  	(ifvalue) =	ssetifvalue $0x7FFFFFFF;
	s15 =	sadd.s32 $0x10, s15  }
0x14: {  	[tilespmem:s15], [sflag:$0x1] =	stream.indirect_vreg.gather [hbm4b:s2+s10], $0x1, v1, vm0, $0x4038;
	[tilespmem:$0x3E80] =	vst v63  }
0x15: {  	(ifvalue) =	ssetifvalue $0x7FFFFFFF;
	s15 =	sadd.s32 $0x10, s15  }
0x16: {  	[tilespmem:s15], [sflag:$0x1] =	stream.indirect_vreg.gather [hbm4b:s2+s10], $0x1, v2, vm0, $0x4038;
	[tilespmem:$0x3E80] =	vst v63  }
0x17: {  	_ =	swait.ge [sflag:s4], $0xFA0  }
0x18: {  	s30 =	sshrl.u32 s13, $0x3;
	[sflag:s4] =	ssyncset.done $0x0  }
0x19: {  	s31 =	sand.u32 $0x7, s13;
	s15 =	sadd.s32 s8, s30;
	[sflag:s4] =	ssyncadd.s32 $0xFFFFF060  }
0x1a: {  	[hbm4b:s15+s31] =	stream.linear.scatter [tilespmem:s14], [sflag:$0x3], $0xFA0, $0x38;
	[tilespmem:$0x3E80] =	vst v63  }
.LBB2_5:
0x1b: {  	s15 =	sadd.s32 $0x1F400, s11  }
0x1c: {  	p1 =	sgt.s32 s15, $0x270FF  }
0x1d: {  	s15 =	smov.u32 @p1 s5;
	p1 =	sne.s32 s12, s9  }
.Ltmp1:
0x1e: {  	p0 =	slt.u32 s12, $0x2;
	(pc) =	sbr.rel @!p1 .LBB2_6-.Ltmp1, $4  }
0x1f: {  	s14 =	simm.s32 @!p0 $0x3  }
0x20: {  	_ =	swait.ge @!p0 [sflag:s14], $0xFA0  }
0x21: {  	s16 =	sadd.s32 $0x1, s12;
	s13 =	smov.u32 s11;
	[sflag:s14] =	ssyncset.done @!p0 $0x0  }
0x22: {  	s12 =	smov.u32 s16;
	s11 =	smov.u32 s15;
	[sflag:s14] =	ssyncadd.s32 @!p0 $0xFFFFF060  }
.LBB2_1:
0x23: {  	p0 =	sge.u32 s12, s7  }
0x24: {  	s14 =	sxor.u32 @!p0 $0x1, s12  }
0x25: {  	s14 =	smul.u32 @!p0 $0x3E80, s14  }
0x26: {  	s31 =	sadd.s32 $0xFFFFFFFF, s12;
	s15 =	sshrl.u32 @!p0 s11, $0x3  }
0x27: {  	s16 =	sand.u32 @!p0 $0x7, s11;
	s15 =	sadd.s32 @!p0 s3, s15;
	s14 =	sshra.s32 @!p0 s14, $0x2  }
0x28: {  	[tilespmem:s14], [sflag:$0x2] =	stream.linear.gather @!p0 [hbm4b:s15+s16], $0xFA0, $0x38;
	[tilespmem:$0x3E80] =	vst v63  }
0x29: {  	p0 =	sge.u32 s31, s7  }
.Ltmp2:
0x2a: {  	_ = 	snop;
	(pc) =	sbr.rel @p0 .LBB2_5-.Ltmp2, $1  }
0x2b: {  	_ =	sdelay $0x3  }
0x2c: {  	s14 =	sand.u32 $0x1, s12  }
0x2d: {  	_ =	swait.ge [sflag:s6], $0xFA0;
	p0 =	seq.s32 s14, $0x1;
	s14 =	simm.s32 $0xFA0  }
0x2e: {  	[sflag:s6] =	ssyncset.done $0x0;
	s14 =	simm.s32 @!p0 $0x0  }
0x2f: {  	[sflag:s6] =	ssyncadd.s32 $0xFFFFF060;
	(ifvalue) =	ssetifvalue $0x7FFFFFFF;
	v1 =	vld.msk [tilespmem:s14+$0x0 ss:$0x1], $0xffff;
	_ =	sdelay $0x4  }
0x30: {  	vm1 =	veq.s32 v1, $0x80000000;
	v3 =	vshrl.u32 v1, $0x8  }
0x31: {  	s15 =	sadd.s32 $0x10, s14;
	v2 =	vshrl.u32 v1, $0x1;
	v1 =	vand.u32 $0x1, v1;
	v3 =	vand.u32 $0x3FF, v3  }
0x32: {  	v2 =	vand.u32 $0x7F, v2;
	vm2 =	veq.s32 v1, $0x1;
	v1 =	vld.msk [tilespmem:s15+$0x0 ss:$0x1], $0xffff;
	v3 =	vsel vm1, $0xFFFFFFFF, v3  }
0x33: {  	v2 =	vsel vm1, $0xFFFFFFFF, v2;
	v4 =	vsel vm2, $0x14000, v0;
	v5 =	vand.u32 $0x7F, v3  }
0x34: {  	v4 =	vsel vm1, $0xFFFEC000, v4;
	v6 =	vshll.u32 v2, $0xA;
	v3 =	vshll.u32 v3, $0x3  }
0x35: {  	v2 =	vshll.u32 v2, $0x7;
	v6 =	vand.u32 $0xFFFFE000, v6;
	v4 =	vor.u32 v4, v5  }
0x36: {  	v3 =	vand.u32 $0xFFFFFC00, v3;
	v2 =	vand.u32 $0x380, v2;
	v4 =	vadd.s32 v6, v4  }
0x37: {  	v3 =	vadd.s32 v3, v4;
	vm1 =	veq.s32 v1, $0x80000000;
	v4 =	vshrl.u32 v1, $0x8  }
0x38: {  	v2 =	vor.u32 v2, v3;
	v3 =	vshrl.u32 v1, $0x1;
	v1 =	vand.u32 $0x1, v1  }
0x39: {  	s15 =	sadd.s32 $0x10, s15;
	v4 =	vand.u32 $0x3FF, v4;
	v3 =	vand.u32 $0x7F, v3;
	vm2 =	veq.s32 v1, $0x1  }
0x3a: {  	v5 =	vld.msk [tilespmem:s15+$0x0 ss:$0x1], $0xffff;
	v1 =	vsel vm1, $0xFFFFFFFF, v3;
	v3 =	vsel vm1, $0xFFFFFFFF, v4;
	v4 =	vsel vm2, $0x14000, v0  }
0x3b: {  	v6 =	vand.u32 $0x7F, v3;
	v4 =	vsel vm1, $0xFFFEC000, v4;
	v7 =	vshll.u32 v1, $0xA  }
0x3c: {  	v3 =	vshll.u32 v3, $0x3;
	v7 =	vand.u32 $0xFFFFE000, v7;
	v4 =	vor.u32 v4, v6  }
0x3d: {  	s14 =	sadd.s32 $0x1F40, s14;
	(ifvalue) =	ssetifvalue $0x7FFFFFFF;
	v1 =	vshll.u32 v1, $0x7;
	v3 =	vand.u32 $0xFFFFFC00, v3;
	v4 =	vadd.s32 v7, v4  }
0x3e: {  	v1 =	vand.u32 $0x380, v1;
	[tilespmem:s14], [sflag:$0x1] =	stream.indirect_vreg.gather [hbm4b:s2+s10], $0x1, v2, vm0, $0x4038;
	v2 =	vadd.s32 v3, v4;
	[tilespmem:$0x3E80] =	vst v63  }
0x3f: {  	vm1 =	veq.s32 v5, $0x80000000;
	v1 =	vor.u32 v1, v2  }
0x40: {  	s16 =	simm.s32 $0x20;
	s17 =	sadd.s32 $0x10, s15;
	s15 =	smov.u32 s14;
	v3 =	vshrl.u32 v5, $0x8;
	v4 =	vand.u32 $0x1, v5;
	v2 =	vshrl.u32 v5, $0x1  }
.LBB2_3:
0x41: {  	v5 =	vld.msk [tilespmem:s17+$0x0 ss:$0x1], $0xffff;
	v2 =	vand.u32 $0x7F, v2;
	v3 =	vand.u32 $0x3FF, v3;
	vm2 =	veq.s32 v4, $0x1  }
0x42: {  	s16 =	sadd.s32 $0x10, s16;
	v2 =	vsel vm1, $0xFFFFFFFF, v2;
	v3 =	vsel vm1, $0xFFFFFFFF, v3;
	v4 =	vsel vm2, $0x14000, v0  }
0x43: {  	s15 =	sadd.s32 $0x10, s15;
	p0 =	slt.u32 s16, $0xF90;
	v6 =	vand.u32 $0x7F, v3;
	v4 =	vsel vm1, $0xFFFEC000, v4;
	v7 =	vshll.u32 v2, $0xA;
	(ifvalue) =	ssetifvalue $0x7FFFFFFF  }
0x44: {  	[tilespmem:s15], [sflag:$0x1] =	stream.indirect_vreg.gather [hbm4b:s2+s10], $0x1, v1, vm0, $0x4038;
	[tilespmem:$0x3E80] =	vst v63  }
.Ltmp3:
0x45: {  	v3 =	vshll.u32 v3, $0x3;
	v7 =	vand.u32 $0xFFFFE000, v7;
	v4 =	vor.u32 v4, v6;
	(pc) =	sbr.rel @p0 .LBB2_3-.Ltmp3, $4  }
0x46: {  	v2 =	vshll.u32 v2, $0x7;
	v1 =	vand.u32 $0xFFFFFC00, v3;
	v3 =	vadd.s32 v7, v4  }
0x47: {  	v2 =	vand.u32 $0x380, v2;
	v1 =	vadd.s32 v1, v3  }
0x48: {  	vm1 =	veq.s32 v5, $0x80000000;
	v1 =	vor.u32 v2, v1  }
0x49: {  	s17 =	sadd.s32 $0x10, s17;
	v3 =	vshrl.u32 v5, $0x8;
	v4 =	vand.u32 $0x1, v5;
	v2 =	vshrl.u32 v5, $0x1  }
.Ltmp4:
0x4a: {  	_ = 	snop;
	(pc) =	sbr.rel .LBB2_4-.Ltmp4, $1  }
0x4b: {  	_ =	sdelay $0x3  }
.LBB2_6:
0x4c: {  	_ =	sfence.sel $0x180000  }
0x4d: {  	s2 =	simm.s32 $0x2;
	[bflag:$0x0] =	sbarrier.arrive $0xFFFF  }
0x4e: {  	s30 =	simm.s32 $0x3;
	[sflag:s2] =	ssyncpa.u1 $0x1  }
0x4f: {  	s31 =	simm.s32 $0x1;
	[sflag:s30] =	ssyncpa.u1 $0x1  }
0x50: {  	[sflag:s31] =	ssyncpa.u1 $0x1  }
0x51: {  	p0 =	sne.s32 s1, $0x0;
	_ =	strace $0x90000053  }
0x52: {  	s0 =	sadd.s32 @!p0 $0x100000, s0;
	[bflag:$0x2] =	sbarrier.arrive $0xFFFF  }
0x53: {  	[sflag:s0] =	ssyncadd.tile.s32 @!p0 $0x1;
	_ =	shalt  }
.Lfunc_end2:
_tile_overlayer_lowered:
.L_overlay_start_2:
0x54: {  	(tag) =	ssettag $0x2  }
0x55: {  	s0 =	rddreg [dreg:$0x0];
	s2 =	stileid.u32  }
0x56: {  	s1 =	rddreg [dreg:$0x1];
	p0 =	sne.s32 s2, $0x0  }
0x57: {  	s3 =	rddreg [dreg:$0x2];
	[bflag:$0x3] =	sbarrier.arrive $0xFFFF;
	s2 =	simm.s32 @!p0 $0x1C01  }
0x58: {  	[timem:s3], [sflag:s2] =	dma.local @!p0 [hbm:s0], s1  }
0x59: {  	s0 =	simm.s32 @!p0 $0x1  }
0x5a: {  	_ =	swait.ge @!p0 [sflag:s0], s1  }
0x5b: {  	s1 =	ssub.s32 @!p0 $0x0, s1;
	[sflag:s0] =	ssyncset.done @!p0 $0x0  }
0x5c: {  	[sflag:s0] =	ssyncadd.s32 @!p0 s1  }
0x5d: {  	[bflag:$0x3] =	sbarrier.arrive $0xFFFF  }
0x5e: {  	_ =	shalt  }

// kernel: gather_offload_async_start.4
scs
__scs_entry_jumppad:
0x0: {  	(pc) =	sbr.rel $0x88, $3  }
0x1: {  	(tag) =	ssettag $0x0;
	lr =	simm.s32 $0x1  }
0x2: {  	[smem:$0x3F9E] =	sst lr;
	_ =	strace $0xD0000000  }
0x3: {  	_ = 	snop  }
0x4: {  	_ = 	snop  }
0x5: {  	_ = 	snop  }
0x6: {  	_ = 	snop  }
0x7: {  	_ = 	snop  }
__scs_overlays_trampoline_lowered:
0x8: {  	[smem:$0x3FAD] =	sst s0  }
0x9: {  	[smem:$0x3FAE] =	sst s1  }
0xa: {  	[smem:$0x3FAF] =	sst s2  }
0xb: {  	[smem:$0x3FB0] =	sst s3  }
0xc: {  	[smem:$0x3FB1] =	sst s4  }
0xd: {  	[smem:$0x3FB2] =	sst s5  }
0xe: {  	[smem:$0x3FB3] =	sst s6  }
0xf: {  	[smem:$0x3FB4] =	sst s7  }
0x10: {  	[smem:$0x3FB5] =	sst s8  }
0x11: {  	[smem:$0x3FB6] =	sst s9;
	s0 =	simm.s32 @!p0 $0x0  }
0x12: {  	s1 =	sld [smem:$0x3F9C];
	s0 =	simm.s32 @p0 $0x1  }
0x13: {  	[smem:$0x3FB7] =	sst s0;
	s0 =	simm.s32 @!p1 $0x0  }
0x14: {  	s2 =	sld [smem:$0x3F9B];
	s0 =	simm.s32 @p1 $0x1  }
0x15: {  	[smem:$0x3FB8] =	sst s0;
	s0 =	simm.s32 @!p2 $0x0  }
0x16: {  	s3 =	sld [smem:$0x3FDB];
	s0 =	simm.s32 @p2 $0x1  }
0x17: {  	s4 =	simm.s32 $0x1BF5;
	[smem:$0x3FBA] =	sst s0  }
0x18: {  	s0 =	sld [smem:$0x3F9D];
	_ =	swait.ge [sflag:s4], $0x0  }
0x19: {  	s7 =	sld [smem:$0x3F9E]  }
0x1a: {  	s8 =	sadd.s32 $0xFFFFE003, lr  }
0x1b: {  	s9 =	sadd.s32 $0xFFFFFEF7, lr;
	s5 =	simm.s32 $0xFFFFFFFF;
	p2 =	slt.u32 s8, $0xFFFFF086  }
0x1c: {  	p1 =	slt.u32 s9, $0xF7A;
	s5 =	simm.s32 @!p2 $0x0  }
0x1d: {  	s5 =	simm.s32 @p1 $0x1;
	p0 =	seq.s32 s7, s2  }
0x1e: {  	s7 =	smul.u32 @!p0 $0xF7A, s2;
	p2 =	seq.s32 @!p0 s5, $0x0  }
0x1f: {  	s9 =	smul.u32 $0xF7A, s1;
	s8 =	simm.s32 @!p0 $0x1BF5;
	p2 =	por !p2, p0  }
0x20: {  	[sflag:s8] =	ssyncset.s32 @!p0 $0xFFFFF086;
	s6 =	sadd.s32 @!p0 s3, s7;
	s7 =	simm.s32 @!p0 $0x108  }
0x21: {  	s3 =	sadd.s32 s3, s9;
	s6 =	sadd.s32 @!p0 $0x88, s6;
	s7 =	simm.s32 @p2 $0x1082  }
0x22: {  	[simem:s7], [sflag:s8] =	dma.local @!p0 [hbm:s6], $0xF7A  }
0x23: {  	s9 =	sor.u32 $0xD0000000, s2;
	s6 =	simm.s32 $0x108;
	_ =	swait.ge @!p0 [sflag:s8], $0x0  }
0x24: {  	s3 =	sadd.s32 $0x88, s3;
	s6 =	simm.s32 @!p1 $0x1082;
	[sflag:s4] =	ssyncset.s32 $0xFFFFF086  }
0x25: {  	[simem:s6], [sflag:s4] =	dma.local [hbm:s3], $0xF7A  }
0x26: {  	[smem:$0x3F9E] =	sst s1;
	(tag) =	ssettag s2;
	_ =	strace s9  }
0x27: {  	s1 =	sld [smem:$0x3FAE]  }
0x28: {  	s2 =	sld [smem:$0x3FAF]  }
0x29: {  	s4 =	sld [smem:$0x3FB1]  }
0x2a: {  	p0 =	seq.s32 s5, $0x0;
	s5 =	sld [smem:$0x3FB2]  }
0x2b: {  	s6 =	sld [smem:$0x3FB3]  }
0x2c: {  	s7 =	sld [smem:$0x3FB4]  }
0x2d: {  	s3 =	simm.s32 $0x108;
	s8 =	sld [smem:$0x3FB5]  }
0x2e: {  	s3 =	simm.s32 @!p0 $0x1082;
	s9 =	sld [smem:$0x3FB6]  }
0x2f: {  	lr =	sadd.s32 s0, s3;
	s0 =	sld [smem:$0x3FAD]  }
0x30: {  	s3 =	sld [smem:$0x3FB0]  }
0x31: {  	[smem:$0x3FB9] =	sst s10  }
0x32: {  	s10 =	sld [smem:$0x3FB7];
	_ =	sdelay $0x3  }
0x33: {  	p0 =	seq.s32 s10, $0x1;
	s10 =	sld [smem:$0x3FB9];
	_ =	sdelay $0x3  }
0x34: {  	[smem:$0x3FB9] =	sst s10  }
0x35: {  	s10 =	sld [smem:$0x3FB8];
	_ =	sdelay $0x3  }
0x36: {  	p1 =	seq.s32 s10, $0x1;
	s10 =	sld [smem:$0x3FB9];
	_ =	sdelay $0x3  }
0x37: {  	[smem:$0x3FB9] =	sst s10  }
0x38: {  	s10 =	sld [smem:$0x3FBA]  }
0x39: {  	_ = 	snop;
	(pc) =	sbr.ind lr, $3  }
0x3a: {  	_ = 	snop  }
0x3b: {  	_ = 	snop  }
0x3c: {  	p2 =	seq.s32 s10, $0x1;
	s10 =	sld [smem:$0x3FB9]  }
0x3d: {  	_ =	shalt  }
0x3e: {  	_ =	shalt  }
0x3f: {  	_ =	shalt  }
0x40: {  	_ =	shalt  }
0x41: {  	_ =	shalt  }
0x42: {  	_ =	shalt  }
0x43: {  	_ =	shalt  }
0x44: {  	_ =	shalt  }
0x45: {  	_ =	shalt  }
0x46: {  	_ =	shalt  }
0x47: {  	_ =	shalt  }
0x48: {  	_ =	shalt  }
0x49: {  	_ =	shalt  }
0x4a: {  	_ =	shalt  }
0x4b: {  	_ =	shalt  }
0x4c: {  	_ =	shalt  }
0x4d: {  	_ =	shalt  }
0x4e: {  	_ =	shalt  }
0x4f: {  	_ =	shalt  }
0x50: {  	_ =	shalt  }
0x51: {  	_ =	shalt  }
0x52: {  	_ =	shalt  }
0x53: {  	_ =	shalt  }
0x54: {  	_ =	shalt  }
0x55: {  	_ =	shalt  }
0x56: {  	_ =	shalt  }
0x57: {  	_ =	shalt  }
0x58: {  	_ =	shalt  }
0x59: {  	_ =	shalt  }
0x5a: {  	_ =	shalt  }
0x5b: {  	_ =	shalt  }
0x5c: {  	_ =	shalt  }
0x5d: {  	_ =	shalt  }
0x5e: {  	_ =	shalt  }
0x5f: {  	_ =	shalt  }
0x60: {  	_ =	shalt  }
0x61: {  	_ =	shalt  }
0x62: {  	_ =	shalt  }
0x63: {  	_ =	shalt  }
0x64: {  	_ =	shalt  }
0x65: {  	_ =	shalt  }
0x66: {  	_ =	shalt  }
0x67: {  	_ =	shalt  }
0x68: {  	_ =	shalt  }
0x69: {  	_ =	shalt  }
0x6a: {  	_ =	shalt  }
0x6b: {  	_ =	shalt  }
0x6c: {  	_ =	shalt  }
0x6d: {  	_ =	shalt  }
0x6e: {  	_ =	shalt  }
0x6f: {  	_ =	shalt  }
0x70: {  	_ =	shalt  }
0x71: {  	_ =	shalt  }
0x72: {  	_ =	shalt  }
0x73: {  	_ =	shalt  }
0x74: {  	_ =	shalt  }
0x75: {  	_ =	shalt  }
0x76: {  	_ =	shalt  }
0x77: {  	_ =	shalt  }
0x78: {  	_ =	shalt  }
0x79: {  	_ =	shalt  }
0x7a: {  	_ =	shalt  }
0x7b: {  	_ =	shalt  }
0x7c: {  	_ =	shalt  }
0x7d: {  	_ =	shalt  }
0x7e: {  	_ =	shalt  }
0x7f: {  	_ =	shalt  }
0x80: {  	_ =	shalt  }
0x81: {  	_ =	shalt  }
0x82: {  	_ =	shalt  }
0x83: {  	_ =	shalt  }
0x84: {  	_ =	shalt  }
0x85: {  	_ =	shalt  }
0x86: {  	_ =	shalt  }
0x87: {  	_ =	shalt  }
.Lfunc_end0:
.L_simem_size_0:
called_computation.4_lowered:
.L_overlay_start_0:
0x88: {  	s2 =	sld [smem:$0x3FD9]  }
0x89: {  	s3 =	sld [smem:$0x3FFE];
	_ =	sdelay $0x1  }
0x8a: {  	s1 =	srdreg.scid  }
0x8b: {  	s0 =	sand.u32 $0x1, s1  }
0x8c: {  	s17 =	sshll.u32 s0, $0xA;
	s2 =	sadd.s32 s3, s2  }
0x8d: {  	s2 =	sadd.s32 s2, s17  }
0x8e: {  	[smem:$0x3FC5] =	sst s2  }
0x8f: {  	_ = 	snop  }
0x90: {  	s2 =	sld [smem:$0x3FC8];
	(tm) =	ssettm $0x1  }
0x91: {  	s18 =	sld [smem:$0x3FFB];
	_ =	sdelay $0x3  }
0x92: {  	_ =	strace s18  }
0x93: {  	s3 =	sld [smem:$0x3FFC];
	_ =	sdelay $0x3  }
0x94: {  	_ =	strace s3  }
0x95: {  	s3 =	sld [smem:$0x3FFD];
	_ =	sdelay $0x3  }
0x96: {  	_ =	strace s3  }
0x97: {  	_ =	strace $0x8FFFFFFF  }
0x98: {  	s19 =	sld [smem:$0x3FDB];
	_ =	sdelay $0x1  }
0x99: {  	s4 =	simm.s32 $_scs_section_size  }
0x9a: {  	s5 =	simm.s32 $_size__tile_overlayer_lowered;
	s6 =	simm.s32 $_tile_overlayer_lowered  }
0x9b: {  	s22 =	simm.s32 $0x1BFF;
	s21 =	sshll.u32 s6, $0x1;
	s3 =	sadd.s32 s4, s19  }
0x9c: {  	s7 =	simm.s32 $0x0;
	s20 =	sshll.u32 s5, $0x1;
	s5 =	sadd.s32 s21, s3  }
0x9d: {  	[timem:s7], [sflag:s22] =	dma.local [hbm:s5], s20  }
0x9e: {  	_ =	swait.ge [sflag:s22], s20  }
0x9f: {  	s4 =	ssub.s32 $0x0, s20;
	[sflag:s22] =	ssyncset.done $0x0  }
0xa0: {  	[sflag:s22] =	ssyncadd.s32 s4;
	_ =	sdelay $0x1  }
0xa1: {  	s23 =	simm.s32 $0x1B8B  }
0xa2: {  	_ =	swait.ge [sflag:s23], $0x1  }
0xa3: {  	[sflag:s23] =	ssyncset.done $0x0  }
0xa4: {  	s25 =	simm.s32 $0x1B8E;
	s24 =	sld [smem:$0x3FFE];
	[sflag:s23] =	ssyncadd.s32 $0xFFFFFFFF  }
0xa5: {  	s26 =	simm.s32 $execute0_lowered;
	[smem:$0x3FD2] =	sst s25  }
0xa6: {  	s5 =	sshll.u32 s26, $0x1;
	_ =	strace $0x80000046;
	[dreg:$0x1] =	wrdreg $0xFFFFFFFF  }
0xa7: {  	s28 =	simm.s32 $_size_execute0_lowered;
	s3 =	sadd.s32 s3, s5;
	[dreg:$0x0] =	wrdreg $0x0  }
0xa8: {  	s5 =	sshll.u32 s28, $0x1;
	[dreg:$0x2] =	wrdreg s3  }
0xa9: {  	[dreg:$0x3] =	wrdreg s5  }
0xaa: {  	[dreg:$0x4] =	wrdreg $0xC0  }
0xab: {  	_ =	task [dreg:s7], $0x5FFFF  }
0xac: {  	[dreg:$0x1] =	wrdreg $0xFFFFFFFF  }
0xad: {  	[dreg:$0x0] =	wrdreg $0x60  }
0xae: {  	[dreg:$0x2] =	wrdreg s2  }
0xaf: {  	[dreg:$0x3] =	wrdreg s24  }
0xb0: {  	[dreg:$0x4] =	wrdreg $0x9  }
0xb1: {  	_ =	task.clear_ibuf [dreg:s7], $0x5FFFF;
	_ =	strace $0x90000046  }
0xb2: {  	s29 =	simm.s32 $0x9;
	_ =	strace $0x80000048  }
0xb3: {  	_ =	swait.ge [sflag:s29], $0x1  }
0xb4: {  	[sflag:s29] =	ssyncadd.s32 $0xFFFFFFFF  }
0xb5: {  	_ =	strace $0x90000048  }
0xb6: {  	_ =	sfence  }
0xb7: {  	s30 =	sld [smem:$0x0];
	_ =	sdelay $0x2  }
0xb8: {  	s31 =	sshll.u32 s1, $0xD;
	s1 =	sshrl.u32 s1, $0x2  }
0xb9: {  	s3 =	sand.u32 $0x4000, s31;
	s1 =	sadd.s32 s1, s30  }
0xba: {  	s0 =	sor.u32 s3, s0;
	s1 =	sshll.u32 s1, $0x11  }
0xbb: {  	s0 =	sor.u32 s1, s0  }
0xbc: {  	s0 =	sadd.s32 $0x8F2B, s0  }
0xbd: {  	[sflag:s0] =	ssyncadd.remote.s32 $0x1  }
0xbe: {  	_ =	sfence.sel $0xFFFF  }
0xbf: {  	[dreg:$0x0] =	wrdreg $0xFFFFFFFF;
	(pc) =	sbr.abs _section_cstart, $3  }
0xc0: {  	[dreg:$0x1] =	wrdreg $0xFFFFFFFF  }
0xc1: {  	_ =	task.clear_ibuf [dreg:s7], $0x2FFFF;
	_ =	strace $0x9FFFFFFF  }
0xc2: {  	(tm) =	ssettm $0x7FFFFFFF  }
0xc3: {  	_ =	shalt  }
tec
execute0_lowered:
.L_overlay_start_1:
0x0: {  	(tag) =	ssettag $0x1  }
0x1: {  	s2 =	rddreg [dreg:$0x0]  }
0x2: {  	s8 =	rddreg [dreg:$0x1]  }
0x3: {  	s0 =	rddreg [dreg:$0x2];
	s1 =	stileid.u32  }
0x4: {  	s3 =	srdreg.scid;
	_ =	strace $0x80000047;
	s4 =	simm.s32 $0x1  }
0x5: {  	s7 =	simm.s32 $0x1;
	s9 =	simm.s32 $0x1;
	s10 =	simm.s32 $0x3  }
0x6: {  	s13 =	simm.s32 $0x0;
	s5 =	sand.u32 $0x1, s3;
	s6 =	sshll.u32 s1, $0x1  }
0x7: {  	s12 =	simm.s32 $0x0;
	s3 =	sadd.s32 $0xD000, s8;
	s5 =	sor.u32 s6, s5  }
.Ltmp0:
0x8: {  	[sflag:s4] =	ssyncpa.u1 $0x0;
	p0 =	slt.u32 s5, $0x9;
	(pc) =	sbr.rel .LBB2_1-.Ltmp0, $4  }
0x9: {  	s6 =	simm.s32 $0x2;
	s7 =	simm.s32 @!p0 $0x0;
	p0 =	sne.s32 s5, $0x8  }
0xa: {  	[sflag:s6] =	ssyncpa.u1 $0x0;
	s5 =	smul.u32 $0xFA0, s5;
	s9 =	simm.s32 @!p0 $0x0  }
0xb: {  	s8 =	sadd.s32 $0x1F200, s8;
	[sflag:s10] =	ssyncpa.u1 $0x0;
	s7 =	sadd.s32 s9, s7  }
0xc: {  	vm0 =	vmmov $0xffff;
	v0 =	vimm.s32 $0x0;
	s10 =	simm.s32 $0x0;
	s11 =	smov.u32 s5;
	s9 =	sadd.s32 $0x1, s7  }
.LBB2_4:
0xd: {  	v2 =	vand.u32 $0x7F, v2;
	v3 =	vand.u32 $0x3FF, v3;
	vm2 =	veq.s32 v4, $0x1  }
0xe: {  	v2 =	vsel vm1, $0xFFFFFFFF, v2;
	v3 =	vsel vm1, $0xFFFFFFFF, v3;
	v4 =	vsel vm2, $0x14000, v0  }
0xf: {  	v5 =	vand.u32 $0x7F, v3;
	v4 =	vsel vm1, $0xFFFEC000, v4;
	v6 =	vshll.u32 v2, $0xA  }
0x10: {  	v3 =	vshll.u32 v3, $0x3;
	v6 =	vand.u32 $0xFFFFE000, v6;
	v4 =	vor.u32 v4, v5  }
0x11: {  	v2 =	vshll.u32 v2, $0x7;
	v3 =	vand.u32 $0xFFFFFC00, v3;
	v4 =	vadd.s32 v6, v4  }
0x12: {  	v2 =	vand.u32 $0x380, v2;
	v3 =	vadd.s32 v3, v4  }
0x13: {  	v2 =	vor.u32 v2, v3;
	_ =	sdelay $0x1  }
0x14: {  	(ifvalue) =	ssetifvalue $0x7FFFFFFF;
	s15 =	sadd.s32 $0x10, s15  }
0x15: {  	[tilespmem:s15], [sflag:$0x1] =	stream.indirect_vreg.gather [hbm4b:s2+s10], $0x1, v1, vm0, $0x4038;
	[tilespmem:$0x3E80] =	vst v63  }
0x16: {  	(ifvalue) =	ssetifvalue $0x7FFFFFFF;
	s15 =	sadd.s32 $0x10, s15  }
0x17: {  	[tilespmem:s15], [sflag:$0x1] =	stream.indirect_vreg.gather [hbm4b:s2+s10], $0x1, v2, vm0, $0x4038;
	[tilespmem:$0x3E80] =	vst v63  }
0x18: {  	_ =	swait.ge [sflag:s4], $0xFA0  }
0x19: {  	s30 =	sshrl.u32 s13, $0x3;
	[sflag:s4] =	ssyncset.done $0x0  }
0x1a: {  	s31 =	sand.u32 $0x7, s13;
	s15 =	sadd.s32 s8, s30;
	[sflag:s4] =	ssyncadd.s32 $0xFFFFF060  }
0x1b: {  	[hbm4b:s15+s31] =	stream.linear.scatter [tilespmem:s14], [sflag:$0x3], $0xFA0, $0x38;
	[tilespmem:$0x3E80] =	vst v63  }
.LBB2_5:
0x1c: {  	s15 =	sadd.s32 $0x1F400, s11  }
0x1d: {  	p1 =	sgt.s32 s15, $0x270FF  }
0x1e: {  	s15 =	smov.u32 @p1 s5;
	p1 =	sne.s32 s12, s9  }
.Ltmp1:
0x1f: {  	p0 =	slt.u32 s12, $0x2;
	(pc) =	sbr.rel @!p1 .LBB2_6-.Ltmp1, $4  }
0x20: {  	s14 =	simm.s32 @!p0 $0x3  }
0x21: {  	_ =	swait.ge @!p0 [sflag:s14], $0xFA0  }
0x22: {  	s16 =	sadd.s32 $0x1, s12;
	s13 =	smov.u32 s11;
	[sflag:s14] =	ssyncset.done @!p0 $0x0  }
0x23: {  	s12 =	smov.u32 s16;
	s11 =	smov.u32 s15;
	[sflag:s14] =	ssyncadd.s32 @!p0 $0xFFFFF060  }
.LBB2_1:
0x24: {  	p0 =	sge.u32 s12, s7  }
0x25: {  	s14 =	sxor.u32 @!p0 $0x1, s12  }
0x26: {  	s14 =	smul.u32 @!p0 $0x3E80, s14  }
0x27: {  	s31 =	sadd.s32 $0xFFFFFFFF, s12;
	s15 =	sshrl.u32 @!p0 s11, $0x3  }
0x28: {  	s16 =	sand.u32 @!p0 $0x7, s11;
	s15 =	sadd.s32 @!p0 s3, s15;
	s14 =	sshra.s32 @!p0 s14, $0x2  }
0x29: {  	[tilespmem:s14], [sflag:$0x2] =	stream.linear.gather @!p0 [hbm4b:s15+s16], $0xFA0, $0x38;
	[tilespmem:$0x3E80] =	vst v63  }
0x2a: {  	p0 =	sge.u32 s31, s7  }
.Ltmp2:
0x2b: {  	_ = 	snop;
	(pc) =	sbr.rel @p0 .LBB2_5-.Ltmp2, $1  }
0x2c: {  	_ =	sdelay $0x3  }
0x2d: {  	s14 =	sand.u32 $0x1, s12  }
0x2e: {  	_ =	swait.ge [sflag:s6], $0xFA0;
	p0 =	seq.s32 s14, $0x1;
	s14 =	simm.s32 $0xFA0  }
0x2f: {  	[sflag:s6] =	ssyncset.done $0x0;
	s14 =	simm.s32 @!p0 $0x0  }
0x30: {  	[sflag:s6] =	ssyncadd.s32 $0xFFFFF060;
	(ifvalue) =	ssetifvalue $0x7FFFFFFF;
	v1 =	vld.msk [tilespmem:s14+$0x0 ss:$0x1], $0xffff;
	_ =	sdelay $0x4  }
0x31: {  	vm1 =	veq.s32 v1, $0x80000000;
	v3 =	vshrl.u32 v1, $0x8  }
0x32: {  	s15 =	sadd.s32 $0x10, s14;
	v2 =	vshrl.u32 v1, $0x1;
	v1 =	vand.u32 $0x1, v1;
	v3 =	vand.u32 $0x3FF, v3  }
0x33: {  	v2 =	vand.u32 $0x7F, v2;
	vm2 =	veq.s32 v1, $0x1;
	v1 =	vld.msk [tilespmem:s15+$0x0 ss:$0x1], $0xffff;
	v3 =	vsel vm1, $0xFFFFFFFF, v3  }
0x34: {  	v2 =	vsel vm1, $0xFFFFFFFF, v2;
	v4 =	vsel vm2, $0x14000, v0;
	v5 =	vand.u32 $0x7F, v3  }
0x35: {  	v4 =	vsel vm1, $0xFFFEC000, v4;
	v6 =	vshll.u32 v2, $0xA;
	v3 =	vshll.u32 v3, $0x3  }
0x36: {  	v2 =	vshll.u32 v2, $0x7;
	v6 =	vand.u32 $0xFFFFE000, v6;
	v4 =	vor.u32 v4, v5  }
0x37: {  	v3 =	vand.u32 $0xFFFFFC00, v3;
	v2 =	vand.u32 $0x380, v2;
	v4 =	vadd.s32 v6, v4  }
0x38: {  	v3 =	vadd.s32 v3, v4;
	vm1 =	veq.s32 v1, $0x80000000;
	v4 =	vshrl.u32 v1, $0x8  }
0x39: {  	v2 =	vor.u32 v2, v3;
	v3 =	vshrl.u32 v1, $0x1;
	v1 =	vand.u32 $0x1, v1  }
0x3a: {  	s15 =	sadd.s32 $0x10, s15;
	v4 =	vand.u32 $0x3FF, v4;
	v3 =	vand.u32 $0x7F, v3;
	vm2 =	veq.s32 v1, $0x1  }
0x3b: {  	v5 =	vld.msk [tilespmem:s15+$0x0 ss:$0x1], $0xffff;
	v1 =	vsel vm1, $0xFFFFFFFF, v3;
	v3 =	vsel vm1, $0xFFFFFFFF, v4;
	v4 =	vsel vm2, $0x14000, v0  }
0x3c: {  	v6 =	vand.u32 $0x7F, v3;
	v4 =	vsel vm1, $0xFFFEC000, v4;
	v7 =	vshll.u32 v1, $0xA  }
0x3d: {  	v3 =	vshll.u32 v3, $0x3;
	v7 =	vand.u32 $0xFFFFE000, v7;
	v4 =	vor.u32 v4, v6  }
0x3e: {  	s14 =	sadd.s32 $0x1F40, s14;
	(ifvalue) =	ssetifvalue $0x7FFFFFFF;
	v1 =	vshll.u32 v1, $0x7;
	v3 =	vand.u32 $0xFFFFFC00, v3;
	v4 =	vadd.s32 v7, v4  }
0x3f: {  	v1 =	vand.u32 $0x380, v1;
	[tilespmem:s14], [sflag:$0x1] =	stream.indirect_vreg.gather [hbm4b:s2+s10], $0x1, v2, vm0, $0x4038;
	v2 =	vadd.s32 v3, v4;
	[tilespmem:$0x3E80] =	vst v63  }
0x40: {  	vm1 =	veq.s32 v5, $0x80000000;
	v1 =	vor.u32 v1, v2  }
0x41: {  	s16 =	simm.s32 $0x20;
	s17 =	sadd.s32 $0x10, s15;
	s15 =	smov.u32 s14;
	v3 =	vshrl.u32 v5, $0x8;
	v4 =	vand.u32 $0x1, v5;
	v2 =	vshrl.u32 v5, $0x1  }
.LBB2_3:
0x42: {  	v5 =	vld.msk [tilespmem:s17+$0x0 ss:$0x1], $0xffff;
	v2 =	vand.u32 $0x7F, v2;
	v3 =	vand.u32 $0x3FF, v3;
	vm2 =	veq.s32 v4, $0x1  }
0x43: {  	s16 =	sadd.s32 $0x10, s16;
	v2 =	vsel vm1, $0xFFFFFFFF, v2;
	v3 =	vsel vm1, $0xFFFFFFFF, v3;
	v4 =	vsel vm2, $0x14000, v0  }
0x44: {  	s15 =	sadd.s32 $0x10, s15;
	p0 =	slt.u32 s16, $0xF90;
	v6 =	vand.u32 $0x7F, v3;
	v4 =	vsel vm1, $0xFFFEC000, v4;
	v7 =	vshll.u32 v2, $0xA;
	(ifvalue) =	ssetifvalue $0x7FFFFFFF  }
0x45: {  	[tilespmem:s15], [sflag:$0x1] =	stream.indirect_vreg.gather [hbm4b:s2+s10], $0x1, v1, vm0, $0x4038;
	[tilespmem:$0x3E80] =	vst v63  }
.Ltmp3:
0x46: {  	v3 =	vshll.u32 v3, $0x3;
	v7 =	vand.u32 $0xFFFFE000, v7;
	v4 =	vor.u32 v4, v6;
	(pc) =	sbr.rel @p0 .LBB2_3-.Ltmp3, $4  }
0x47: {  	v2 =	vshll.u32 v2, $0x7;
	v1 =	vand.u32 $0xFFFFFC00, v3;
	v3 =	vadd.s32 v7, v4  }
0x48: {  	v2 =	vand.u32 $0x380, v2;
	v1 =	vadd.s32 v1, v3  }
0x49: {  	vm1 =	veq.s32 v5, $0x80000000;
	v1 =	vor.u32 v2, v1  }
0x4a: {  	s17 =	sadd.s32 $0x10, s17;
	v3 =	vshrl.u32 v5, $0x8;
	v4 =	vand.u32 $0x1, v5;
	v2 =	vshrl.u32 v5, $0x1  }
.Ltmp4:
0x4b: {  	_ = 	snop;
	(pc) =	sbr.rel .LBB2_4-.Ltmp4, $1  }
0x4c: {  	_ =	sdelay $0x3  }
.LBB2_6:
0x4d: {  	_ =	sfence.sel $0x180000  }
0x4e: {  	s2 =	simm.s32 $0x2;
	[bflag:$0x0] =	sbarrier.arrive $0xFFFF  }
0x4f: {  	s30 =	simm.s32 $0x3;
	[sflag:s2] =	ssyncpa.u1 $0x1  }
0x50: {  	s31 =	simm.s32 $0x1;
	[sflag:s30] =	ssyncpa.u1 $0x1  }
0x51: {  	[sflag:s31] =	ssyncpa.u1 $0x1  }
0x52: {  	p0 =	sne.s32 s1, $0x0;
	_ =	strace $0x90000047  }
0x53: {  	s0 =	sadd.s32 @!p0 $0x100000, s0;
	[bflag:$0x2] =	sbarrier.arrive $0xFFFF  }
0x54: {  	[sflag:s0] =	ssyncadd.tile.s32 @!p0 $0x1;
	_ =	shalt  }
.Lfunc_end2:
_tile_overlayer_lowered:
.L_overlay_start_2:
0x55: {  	(tag) =	ssettag $0x2  }
0x56: {  	s0 =	rddreg [dreg:$0x0];
	s2 =	stileid.u32  }
0x57: {  	s1 =	rddreg [dreg:$0x1];
	p0 =	sne.s32 s2, $0x0  }
0x58: {  	s3 =	rddreg [dreg:$0x2];
	[bflag:$0x3] =	sbarrier.arrive $0xFFFF;
	s2 =	simm.s32 @!p0 $0x1C01  }
0x59: {  	[timem:s3], [sflag:s2] =	dma.local @!p0 [hbm:s0], s1  }
0x5a: {  	s0 =	simm.s32 @!p0 $0x1  }
0x5b: {  	_ =	swait.ge @!p0 [sflag:s0], s1  }
0x5c: {  	s1 =	ssub.s32 @!p0 $0x0, s1;
	[sflag:s0] =	ssyncset.done @!p0 $0x0  }
0x5d: {  	[sflag:s0] =	ssyncadd.s32 @!p0 s1  }
0x5e: {  	[bflag:$0x3] =	sbarrier.arrive $0xFFFF  }
0x5f: {  	_ =	shalt  }

// kernel: gather_offload_async_start
scs
__scs_entry_jumppad:
0x0: {  	(pc) =	sbr.rel $0x88, $3  }
0x1: {  	(tag) =	ssettag $0x0;
	lr =	simm.s32 $0x1  }
0x2: {  	[smem:$0x3F9E] =	sst lr;
	_ =	strace $0xD0000000  }
0x3: {  	_ = 	snop  }
0x4: {  	_ = 	snop  }
0x5: {  	_ = 	snop  }
0x6: {  	_ = 	snop  }
0x7: {  	_ = 	snop  }
__scs_overlays_trampoline_lowered:
0x8: {  	[smem:$0x3FAD] =	sst s0  }
0x9: {  	[smem:$0x3FAE] =	sst s1  }
0xa: {  	[smem:$0x3FAF] =	sst s2  }
0xb: {  	[smem:$0x3FB0] =	sst s3  }
0xc: {  	[smem:$0x3FB1] =	sst s4  }
0xd: {  	[smem:$0x3FB2] =	sst s5  }
0xe: {  	[smem:$0x3FB3] =	sst s6  }
0xf: {  	[smem:$0x3FB4] =	sst s7  }
0x10: {  	[smem:$0x3FB5] =	sst s8  }
0x11: {  	[smem:$0x3FB6] =	sst s9;
	s0 =	simm.s32 @!p0 $0x0  }
0x12: {  	s1 =	sld [smem:$0x3F9C];
	s0 =	simm.s32 @p0 $0x1  }
0x13: {  	[smem:$0x3FB7] =	sst s0;
	s0 =	simm.s32 @!p1 $0x0  }
0x14: {  	s2 =	sld [smem:$0x3F9B];
	s0 =	simm.s32 @p1 $0x1  }
0x15: {  	[smem:$0x3FB8] =	sst s0;
	s0 =	simm.s32 @!p2 $0x0  }
0x16: {  	s3 =	sld [smem:$0x3FDB];
	s0 =	simm.s32 @p2 $0x1  }
0x17: {  	s4 =	simm.s32 $0x1BF5;
	[smem:$0x3FBA] =	sst s0  }
0x18: {  	s0 =	sld [smem:$0x3F9D];
	_ =	swait.ge [sflag:s4], $0x0  }
0x19: {  	s7 =	sld [smem:$0x3F9E]  }
0x1a: {  	s8 =	sadd.s32 $0xFFFFE003, lr  }
0x1b: {  	s9 =	sadd.s32 $0xFFFFFEF7, lr;
	s5 =	simm.s32 $0xFFFFFFFF;
	p2 =	slt.u32 s8, $0xFFFFF086  }
0x1c: {  	p1 =	slt.u32 s9, $0xF7A;
	s5 =	simm.s32 @!p2 $0x0  }
0x1d: {  	s5 =	simm.s32 @p1 $0x1;
	p0 =	seq.s32 s7, s2  }
0x1e: {  	s7 =	smul.u32 @!p0 $0xF7A, s2;
	p2 =	seq.s32 @!p0 s5, $0x0  }
0x1f: {  	s9 =	smul.u32 $0xF7A, s1;
	s8 =	simm.s32 @!p0 $0x1BF5;
	p2 =	por !p2, p0  }
0x20: {  	[sflag:s8] =	ssyncset.s32 @!p0 $0xFFFFF086;
	s6 =	sadd.s32 @!p0 s3, s7;
	s7 =	simm.s32 @!p0 $0x108  }
0x21: {  	s3 =	sadd.s32 s3, s9;
	s6 =	sadd.s32 @!p0 $0x88, s6;
	s7 =	simm.s32 @p2 $0x1082  }
0x22: {  	[simem:s7], [sflag:s8] =	dma.local @!p0 [hbm:s6], $0xF7A  }
0x23: {  	s9 =	sor.u32 $0xD0000000, s2;
	s6 =	simm.s32 $0x108;
	_ =	swait.ge @!p0 [sflag:s8], $0x0  }
0x24: {  	s3 =	sadd.s32 $0x88, s3;
	s6 =	simm.s32 @!p1 $0x1082;
	[sflag:s4] =	ssyncset.s32 $0xFFFFF086  }
0x25: {  	[simem:s6], [sflag:s4] =	dma.local [hbm:s3], $0xF7A  }
0x26: {  	[smem:$0x3F9E] =	sst s1;
	(tag) =	ssettag s2;
	_ =	strace s9  }
0x27: {  	s1 =	sld [smem:$0x3FAE]  }
0x28: {  	s2 =	sld [smem:$0x3FAF]  }
0x29: {  	s4 =	sld [smem:$0x3FB1]  }
0x2a: {  	p0 =	seq.s32 s5, $0x0;
	s5 =	sld [smem:$0x3FB2]  }
0x2b: {  	s6 =	sld [smem:$0x3FB3]  }
0x2c: {  	s7 =	sld [smem:$0x3FB4]  }
0x2d: {  	s3 =	simm.s32 $0x108;
	s8 =	sld [smem:$0x3FB5]  }
0x2e: {  	s3 =	simm.s32 @!p0 $0x1082;
	s9 =	sld [smem:$0x3FB6]  }
0x2f: {  	lr =	sadd.s32 s0, s3;
	s0 =	sld [smem:$0x3FAD]  }
0x30: {  	s3 =	sld [smem:$0x3FB0]  }
0x31: {  	[smem:$0x3FB9] =	sst s10  }
0x32: {  	s10 =	sld [smem:$0x3FB7];
	_ =	sdelay $0x3  }
0x33: {  	p0 =	seq.s32 s10, $0x1;
	s10 =	sld [smem:$0x3FB9];
	_ =	sdelay $0x3  }
0x34: {  	[smem:$0x3FB9] =	sst s10  }
0x35: {  	s10 =	sld [smem:$0x3FB8];
	_ =	sdelay $0x3  }
0x36: {  	p1 =	seq.s32 s10, $0x1;
	s10 =	sld [smem:$0x3FB9];
	_ =	sdelay $0x3  }
0x37: {  	[smem:$0x3FB9] =	sst s10  }
0x38: {  	s10 =	sld [smem:$0x3FBA]  }
0x39: {  	_ = 	snop;
	(pc) =	sbr.ind lr, $3  }
0x3a: {  	_ = 	snop  }
0x3b: {  	_ = 	snop  }
0x3c: {  	p2 =	seq.s32 s10, $0x1;
	s10 =	sld [smem:$0x3FB9]  }
0x3d: {  	_ =	shalt  }
0x3e: {  	_ =	shalt  }
0x3f: {  	_ =	shalt  }
0x40: {  	_ =	shalt  }
0x41: {  	_ =	shalt  }
0x42: {  	_ =	shalt  }
0x43: {  	_ =	shalt  }
0x44: {  	_ =	shalt  }
0x45: {  	_ =	shalt  }
0x46: {  	_ =	shalt  }
0x47: {  	_ =	shalt  }
0x48: {  	_ =	shalt  }
0x49: {  	_ =	shalt  }
0x4a: {  	_ =	shalt  }
0x4b: {  	_ =	shalt  }
0x4c: {  	_ =	shalt  }
0x4d: {  	_ =	shalt  }
0x4e: {  	_ =	shalt  }
0x4f: {  	_ =	shalt  }
0x50: {  	_ =	shalt  }
0x51: {  	_ =	shalt  }
0x52: {  	_ =	shalt  }
0x53: {  	_ =	shalt  }
0x54: {  	_ =	shalt  }
0x55: {  	_ =	shalt  }
0x56: {  	_ =	shalt  }
0x57: {  	_ =	shalt  }
0x58: {  	_ =	shalt  }
0x59: {  	_ =	shalt  }
0x5a: {  	_ =	shalt  }
0x5b: {  	_ =	shalt  }
0x5c: {  	_ =	shalt  }
0x5d: {  	_ =	shalt  }
0x5e: {  	_ =	shalt  }
0x5f: {  	_ =	shalt  }
0x60: {  	_ =	shalt  }
0x61: {  	_ =	shalt  }
0x62: {  	_ =	shalt  }
0x63: {  	_ =	shalt  }
0x64: {  	_ =	shalt  }
0x65: {  	_ =	shalt  }
0x66: {  	_ =	shalt  }
0x67: {  	_ =	shalt  }
0x68: {  	_ =	shalt  }
0x69: {  	_ =	shalt  }
0x6a: {  	_ =	shalt  }
0x6b: {  	_ =	shalt  }
0x6c: {  	_ =	shalt  }
0x6d: {  	_ =	shalt  }
0x6e: {  	_ =	shalt  }
0x6f: {  	_ =	shalt  }
0x70: {  	_ =	shalt  }
0x71: {  	_ =	shalt  }
0x72: {  	_ =	shalt  }
0x73: {  	_ =	shalt  }
0x74: {  	_ =	shalt  }
0x75: {  	_ =	shalt  }
0x76: {  	_ =	shalt  }
0x77: {  	_ =	shalt  }
0x78: {  	_ =	shalt  }
0x79: {  	_ =	shalt  }
0x7a: {  	_ =	shalt  }
0x7b: {  	_ =	shalt  }
0x7c: {  	_ =	shalt  }
0x7d: {  	_ =	shalt  }
0x7e: {  	_ =	shalt  }
0x7f: {  	_ =	shalt  }
0x80: {  	_ =	shalt  }
0x81: {  	_ =	shalt  }
0x82: {  	_ =	shalt  }
0x83: {  	_ =	shalt  }
0x84: {  	_ =	shalt  }
0x85: {  	_ =	shalt  }
0x86: {  	_ =	shalt  }
0x87: {  	_ =	shalt  }
.Lfunc_end0:
.L_simem_size_0:
called_computation_lowered:
.L_overlay_start_0:
0x88: {  	s2 =	sld [smem:$0x3FD9]  }
0x89: {  	s3 =	sld [smem:$0x3FFE];
	_ =	sdelay $0x1  }
0x8a: {  	s1 =	srdreg.scid  }
0x8b: {  	s0 =	sand.u32 $0x1, s1  }
0x8c: {  	s16 =	sshll.u32 s0, $0xA;
	s2 =	sadd.s32 s3, s2  }
0x8d: {  	s2 =	sadd.s32 s2, s16  }
0x8e: {  	[smem:$0x3FC5] =	sst s2  }
0x8f: {  	_ = 	snop  }
0x90: {  	(tm) =	ssettm $0x1  }
0x91: {  	s17 =	sld [smem:$0x3FFB];
	_ =	sdelay $0x3  }
0x92: {  	_ =	strace s17  }
0x93: {  	s2 =	sld [smem:$0x3FFC];
	_ =	sdelay $0x3  }
0x94: {  	_ =	strace s2  }
0x95: {  	s2 =	sld [smem:$0x3FFD];
	_ =	sdelay $0x3  }
0x96: {  	_ =	strace s2  }
0x97: {  	_ =	strace $0x8FFFFFFF  }
0x98: {  	s18 =	sld [smem:$0x3FDB];
	_ =	sdelay $0x1  }
0x99: {  	s19 =	simm.s32 $_scs_section_size  }
0x9a: {  	s4 =	simm.s32 $_size__tile_overlayer_lowered;
	s5 =	simm.s32 $_tile_overlayer_lowered  }
0x9b: {  	s22 =	simm.s32 $0x1BFF;
	s21 =	sshll.u32 s5, $0x1;
	s2 =	sadd.s32 s19, s18  }
0x9c: {  	s6 =	simm.s32 $0x0;
	s20 =	sshll.u32 s4, $0x1;
	s4 =	sadd.s32 s21, s2  }
0x9d: {  	[timem:s6], [sflag:s22] =	dma.local [hbm:s4], s20  }
0x9e: {  	_ =	swait.ge [sflag:s22], s20  }
0x9f: {  	s3 =	ssub.s32 $0x0, s20;
	[sflag:s22] =	ssyncset.done $0x0  }
0xa0: {  	[sflag:s22] =	ssyncadd.s32 s3;
	_ =	sdelay $0x1  }
0xa1: {  	s23 =	simm.s32 $0x1B8B  }
0xa2: {  	_ =	swait.ge [sflag:s23], $0x1  }
0xa3: {  	[sflag:s23] =	ssyncset.done $0x0  }
0xa4: {  	s25 =	simm.s32 $0x1B8E;
	s24 =	sld [smem:$0x3FFE];
	[sflag:s23] =	ssyncadd.s32 $0xFFFFFFFF  }
0xa5: {  	s26 =	simm.s32 $execute0_lowered;
	[smem:$0x3FD2] =	sst s25  }
0xa6: {  	s4 =	sshll.u32 s26, $0x1;
	_ =	strace $0x80000049;
	[dreg:$0x1] =	wrdreg $0xFFFFFFFF  }
0xa7: {  	s28 =	simm.s32 $_size_execute0_lowered;
	s2 =	sadd.s32 s2, s4;
	[dreg:$0x0] =	wrdreg $0x0  }
0xa8: {  	s4 =	sshll.u32 s28, $0x1;
	[dreg:$0x2] =	wrdreg s2  }
0xa9: {  	[dreg:$0x3] =	wrdreg s4  }
0xaa: {  	[dreg:$0x4] =	wrdreg $0xC0  }
0xab: {  	_ =	task [dreg:s6], $0x5FFFF  }
0xac: {  	[dreg:$0x1] =	wrdreg $0xFFFFFFFF  }
0xad: {  	[dreg:$0x0] =	wrdreg $0x60  }
0xae: {  	[dreg:$0x2] =	wrdreg s24  }
0xaf: {  	[dreg:$0x3] =	wrdreg $0x9  }
0xb0: {  	_ =	task.clear_ibuf [dreg:s6], $0x4FFFF;
	_ =	strace $0x90000049  }
0xb1: {  	s29 =	simm.s32 $0x9;
	_ =	strace $0x8000004B  }
0xb2: {  	_ =	swait.ge [sflag:s29], $0x1  }
0xb3: {  	[sflag:s29] =	ssyncadd.s32 $0xFFFFFFFF  }
0xb4: {  	_ =	strace $0x9000004B  }
0xb5: {  	_ =	sfence  }
0xb6: {  	s30 =	sld [smem:$0x0];
	_ =	sdelay $0x2  }
0xb7: {  	s31 =	sshll.u32 s1, $0xD;
	s1 =	sshrl.u32 s1, $0x2  }
0xb8: {  	s3 =	sand.u32 $0x4000, s31;
	s1 =	sadd.s32 s1, s30  }
0xb9: {  	s0 =	sor.u32 s3, s0;
	s1 =	sshll.u32 s1, $0x11  }
0xba: {  	s0 =	sor.u32 s1, s0  }
0xbb: {  	s0 =	sadd.s32 $0x8F2B, s0  }
0xbc: {  	[sflag:s0] =	ssyncadd.remote.s32 $0x1  }
0xbd: {  	_ =	sfence.sel $0xFFFF  }
0xbe: {  	[dreg:$0x0] =	wrdreg $0xFFFFFFFF;
	(pc) =	sbr.abs _section_cstart, $3  }
0xbf: {  	[dreg:$0x1] =	wrdreg $0xFFFFFFFF  }
0xc0: {  	_ =	task.clear_ibuf [dreg:s6], $0x2FFFF;
	_ =	strace $0x9FFFFFFF  }
0xc1: {  	(tm) =	ssettm $0x7FFFFFFF  }
tec
execute0_lowered:
.L_overlay_start_1:
0x0: {  	(tag) =	ssettag $0x1  }
0x1: {  	s8 =	rddreg [dreg:$0x0]  }
0x2: {  	s0 =	rddreg [dreg:$0x1];
	_ =	strace $0x8000004A;
	s1 =	stileid.u32  }
0x3: {  	s3 =	srdreg.scid;
	s4 =	simm.s32 $0x1;
	s7 =	simm.s32 $0x1  }
0x4: {  	s9 =	simm.s32 $0x1;
	s10 =	simm.s32 $0x3;
	s13 =	simm.s32 $0x0  }
0x5: {  	s12 =	simm.s32 $0x0;
	s5 =	sand.u32 $0x1, s3;
	s6 =	sshll.u32 s1, $0x1  }
0x6: {  	s2 =	sadd.s32 $0x24200, s8;
	s3 =	sadd.s32 $0xD000, s8;
	s5 =	sor.u32 s6, s5  }
.Ltmp0:
0x7: {  	[sflag:s4] =	ssyncpa.u1 $0x0;
	p0 =	slt.u32 s5, $0x9;
	(pc) =	sbr.rel .LBB2_1-.Ltmp0, $4  }
0x8: {  	s6 =	simm.s32 $0x2;
	s7 =	simm.s32 @!p0 $0x0;
	p0 =	sne.s32 s5, $0x8  }
0x9: {  	[sflag:s6] =	ssyncpa.u1 $0x0;
	s5 =	smul.u32 $0xFA0, s5;
	s9 =	simm.s32 @!p0 $0x0  }
0xa: {  	s8 =	sadd.s32 $0x29200, s8;
	[sflag:s10] =	ssyncpa.u1 $0x0;
	s7 =	sadd.s32 s9, s7  }
0xb: {  	vm0 =	vmmov $0xffff;
	v0 =	vimm.s32 $0x0;
	s10 =	simm.s32 $0x0;
	s11 =	smov.u32 s5;
	s9 =	sadd.s32 $0x1, s7  }
.LBB2_4:
0xc: {  	v2 =	vand.u32 $0x7F, v2;
	v3 =	vand.u32 $0x3FF, v3;
	vm2 =	veq.s32 v4, $0x1  }
0xd: {  	v2 =	vsel vm1, $0xFFFFFFFF, v2;
	v3 =	vsel vm1, $0xFFFFFFFF, v3;
	v4 =	vsel vm2, $0x14000, v0  }
0xe: {  	v5 =	vand.u32 $0x7F, v3;
	v4 =	vsel vm1, $0xFFFEC000, v4;
	v6 =	vshll.u32 v2, $0xA  }
0xf: {  	v3 =	vshll.u32 v3, $0x3;
	v6 =	vand.u32 $0xFFFFE000, v6;
	v4 =	vor.u32 v4, v5  }
0x10: {  	v2 =	vshll.u32 v2, $0x7;
	v3 =	vand.u32 $0xFFFFFC00, v3;
	v4 =	vadd.s32 v6, v4  }
0x11: {  	v2 =	vand.u32 $0x380, v2;
	v3 =	vadd.s32 v3, v4  }
0x12: {  	v2 =	vor.u32 v2, v3;
	_ =	sdelay $0x1  }
0x13: {  	(ifvalue) =	ssetifvalue $0x7FFFFFFF;
	s15 =	sadd.s32 $0x10, s15  }
0x14: {  	[tilespmem:s15], [sflag:$0x1] =	stream.indirect_vreg.gather [hbm4b:s2+s10], $0x1, v1, vm0, $0x4038;
	[tilespmem:$0x3E80] =	vst v63  }
0x15: {  	(ifvalue) =	ssetifvalue $0x7FFFFFFF;
	s15 =	sadd.s32 $0x10, s15  }
0x16: {  	[tilespmem:s15], [sflag:$0x1] =	stream.indirect_vreg.gather [hbm4b:s2+s10], $0x1, v2, vm0, $0x4038;
	[tilespmem:$0x3E80] =	vst v63  }
0x17: {  	_ =	swait.ge [sflag:s4], $0xFA0  }
0x18: {  	s30 =	sshrl.u32 s13, $0x3;
	[sflag:s4] =	ssyncset.done $0x0  }
0x19: {  	s31 =	sand.u32 $0x7, s13;
	s15 =	sadd.s32 s8, s30;
	[sflag:s4] =	ssyncadd.s32 $0xFFFFF060  }
0x1a: {  	[hbm4b:s15+s31] =	stream.linear.scatter [tilespmem:s14], [sflag:$0x3], $0xFA0, $0x38;
	[tilespmem:$0x3E80] =	vst v63  }
.LBB2_5:
0x1b: {  	s15 =	sadd.s32 $0x1F400, s11  }
0x1c: {  	p1 =	sgt.s32 s15, $0x270FF  }
0x1d: {  	s15 =	smov.u32 @p1 s5;
	p1 =	sne.s32 s12, s9  }
.Ltmp1:
0x1e: {  	p0 =	slt.u32 s12, $0x2;
	(pc) =	sbr.rel @!p1 .LBB2_6-.Ltmp1, $4  }
0x1f: {  	s14 =	simm.s32 @!p0 $0x3  }
0x20: {  	_ =	swait.ge @!p0 [sflag:s14], $0xFA0  }
0x21: {  	s16 =	sadd.s32 $0x1, s12;
	s13 =	smov.u32 s11;
	[sflag:s14] =	ssyncset.done @!p0 $0x0  }
0x22: {  	s12 =	smov.u32 s16;
	s11 =	smov.u32 s15;
	[sflag:s14] =	ssyncadd.s32 @!p0 $0xFFFFF060  }
.LBB2_1:
0x23: {  	p0 =	sge.u32 s12, s7  }
0x24: {  	s14 =	sxor.u32 @!p0 $0x1, s12  }
0x25: {  	s14 =	smul.u32 @!p0 $0x3E80, s14  }
0x26: {  	s31 =	sadd.s32 $0xFFFFFFFF, s12;
	s15 =	sshrl.u32 @!p0 s11, $0x3  }
0x27: {  	s16 =	sand.u32 @!p0 $0x7, s11;
	s15 =	sadd.s32 @!p0 s3, s15;
	s14 =	sshra.s32 @!p0 s14, $0x2  }
0x28: {  	[tilespmem:s14], [sflag:$0x2] =	stream.linear.gather @!p0 [hbm4b:s15+s16], $0xFA0, $0x38;
	[tilespmem:$0x3E80] =	vst v63  }
0x29: {  	p0 =	sge.u32 s31, s7  }
.Ltmp2:
0x2a: {  	_ = 	snop;
	(pc) =	sbr.rel @p0 .LBB2_5-.Ltmp2, $1  }
0x2b: {  	_ =	sdelay $0x3  }
0x2c: {  	s14 =	sand.u32 $0x1, s12  }
0x2d: {  	_ =	swait.ge [sflag:s6], $0xFA0;
	p0 =	seq.s32 s14, $0x1;
	s14 =	simm.s32 $0xFA0  }
0x2e: {  	[sflag:s6] =	ssyncset.done $0x0;
	s14 =	simm.s32 @!p0 $0x0  }
0x2f: {  	[sflag:s6] =	ssyncadd.s32 $0xFFFFF060;
	(ifvalue) =	ssetifvalue $0x7FFFFFFF;
	v1 =	vld.msk [tilespmem:s14+$0x0 ss:$0x1], $0xffff;
	_ =	sdelay $0x4  }
0x30: {  	vm1 =	veq.s32 v1, $0x80000000;
	v3 =	vshrl.u32 v1, $0x8  }
0x31: {  	s15 =	sadd.s32 $0x10, s14;
	v2 =	vshrl.u32 v1, $0x1;
	v1 =	vand.u32 $0x1, v1;
	v3 =	vand.u32 $0x3FF, v3  }
0x32: {  	v2 =	vand.u32 $0x7F, v2;
	vm2 =	veq.s32 v1, $0x1;
	v1 =	vld.msk [tilespmem:s15+$0x0 ss:$0x1], $0xffff;
	v3 =	vsel vm1, $0xFFFFFFFF, v3  }
0x33: {  	v2 =	vsel vm1, $0xFFFFFFFF, v2;
	v4 =	vsel vm2, $0x14000, v0;
	v5 =	vand.u32 $0x7F, v3  }
0x34: {  	v4 =	vsel vm1, $0xFFFEC000, v4;
	v6 =	vshll.u32 v2, $0xA;
	v3 =	vshll.u32 v3, $0x3  }
0x35: {  	v2 =	vshll.u32 v2, $0x7;
	v6 =	vand.u32 $0xFFFFE000, v6;
	v4 =	vor.u32 v4, v5  }
0x36: {  	v3 =	vand.u32 $0xFFFFFC00, v3;
	v2 =	vand.u32 $0x380, v2;
	v4 =	vadd.s32 v6, v4  }
0x37: {  	v3 =	vadd.s32 v3, v4;
	vm1 =	veq.s32 v1, $0x80000000;
	v4 =	vshrl.u32 v1, $0x8  }
0x38: {  	v2 =	vor.u32 v2, v3;
	v3 =	vshrl.u32 v1, $0x1;
	v1 =	vand.u32 $0x1, v1  }
0x39: {  	s15 =	sadd.s32 $0x10, s15;
	v4 =	vand.u32 $0x3FF, v4;
	v3 =	vand.u32 $0x7F, v3;
	vm2 =	veq.s32 v1, $0x1  }
0x3a: {  	v5 =	vld.msk [tilespmem:s15+$0x0 ss:$0x1], $0xffff;
	v1 =	vsel vm1, $0xFFFFFFFF, v3;
	v3 =	vsel vm1, $0xFFFFFFFF, v4;
	v4 =	vsel vm2, $0x14000, v0  }
0x3b: {  	v6 =	vand.u32 $0x7F, v3;
	v4 =	vsel vm1, $0xFFFEC000, v4;
	v7 =	vshll.u32 v1, $0xA  }
0x3c: {  	v3 =	vshll.u32 v3, $0x3;
	v7 =	vand.u32 $0xFFFFE000, v7;
	v4 =	vor.u32 v4, v6  }
0x3d: {  	s14 =	sadd.s32 $0x1F40, s14;
	(ifvalue) =	ssetifvalue $0x7FFFFFFF;
	v1 =	vshll.u32 v1, $0x7;
	v3 =	vand.u32 $0xFFFFFC00, v3;
	v4 =	vadd.s32 v7, v4  }
0x3e: {  	v1 =	vand.u32 $0x380, v1;
	[tilespmem:s14], [sflag:$0x1] =	stream.indirect_vreg.gather [hbm4b:s2+s10], $0x1, v2, vm0, $0x4038;
	v2 =	vadd.s32 v3, v4;
	[tilespmem:$0x3E80] =	vst v63  }
0x3f: {  	vm1 =	veq.s32 v5, $0x80000000;
	v1 =	vor.u32 v1, v2  }
0x40: {  	s16 =	simm.s32 $0x20;
	s17 =	sadd.s32 $0x10, s15;
	s15 =	smov.u32 s14;
	v3 =	vshrl.u32 v5, $0x8;
	v4 =	vand.u32 $0x1, v5;
	v2 =	vshrl.u32 v5, $0x1  }
.LBB2_3:
0x41: {  	v5 =	vld.msk [tilespmem:s17+$0x0 ss:$0x1], $0xffff;
	v2 =	vand.u32 $0x7F, v2;
	v3 =	vand.u32 $0x3FF, v3;
	vm2 =	veq.s32 v4, $0x1  }
0x42: {  	s16 =	sadd.s32 $0x10, s16;
	v2 =	vsel vm1, $0xFFFFFFFF, v2;
	v3 =	vsel vm1, $0xFFFFFFFF, v3;
	v4 =	vsel vm2, $0x14000, v0  }
0x43: {  	s15 =	sadd.s32 $0x10, s15;
	p0 =	slt.u32 s16, $0xF90;
	v6 =	vand.u32 $0x7F, v3;
	v4 =	vsel vm1, $0xFFFEC000, v4;
	v7 =	vshll.u32 v2, $0xA;
	(ifvalue) =	ssetifvalue $0x7FFFFFFF  }
0x44: {  	[tilespmem:s15], [sflag:$0x1] =	stream.indirect_vreg.gather [hbm4b:s2+s10], $0x1, v1, vm0, $0x4038;
	[tilespmem:$0x3E80] =	vst v63  }
.Ltmp3:
0x45: {  	v3 =	vshll.u32 v3, $0x3;
	v7 =	vand.u32 $0xFFFFE000, v7;
	v4 =	vor.u32 v4, v6;
	(pc) =	sbr.rel @p0 .LBB2_3-.Ltmp3, $4  }
0x46: {  	v2 =	vshll.u32 v2, $0x7;
	v1 =	vand.u32 $0xFFFFFC00, v3;
	v3 =	vadd.s32 v7, v4  }
0x47: {  	v2 =	vand.u32 $0x380, v2;
	v1 =	vadd.s32 v1, v3  }
0x48: {  	vm1 =	veq.s32 v5, $0x80000000;
	v1 =	vor.u32 v2, v1  }
0x49: {  	s17 =	sadd.s32 $0x10, s17;
	v3 =	vshrl.u32 v5, $0x8;
	v4 =	vand.u32 $0x1, v5;
	v2 =	vshrl.u32 v5, $0x1  }
.Ltmp4:
0x4a: {  	_ = 	snop;
	(pc) =	sbr.rel .LBB2_4-.Ltmp4, $1  }
0x4b: {  	_ =	sdelay $0x3  }
.LBB2_6:
0x4c: {  	_ =	sfence.sel $0x180000  }
0x4d: {  	s2 =	simm.s32 $0x2;
	[bflag:$0x0] =	sbarrier.arrive $0xFFFF  }
0x4e: {  	s30 =	simm.s32 $0x3;
	[sflag:s2] =	ssyncpa.u1 $0x1  }
0x4f: {  	s31 =	simm.s32 $0x1;
	[sflag:s30] =	ssyncpa.u1 $0x1  }
0x50: {  	[sflag:s31] =	ssyncpa.u1 $0x1  }
0x51: {  	p0 =	sne.s32 s1, $0x0;
	_ =	strace $0x9000004A  }
0x52: {  	s0 =	sadd.s32 @!p0 $0x100000, s0;
	[bflag:$0x2] =	sbarrier.arrive $0xFFFF  }
0x53: {  	[sflag:s0] =	ssyncadd.tile.s32 @!p0 $0x1;
	_ =	shalt  }
.Lfunc_end2:
_tile_overlayer_lowered:
.L_overlay_start_2:
0x54: {  	(tag) =	ssettag $0x2  }
0x55: {  	s0 =	rddreg [dreg:$0x0];
	s2 =	stileid.u32  }
0x56: {  	s1 =	rddreg [dreg:$0x1];
	p0 =	sne.s32 s2, $0x0  }
0x57: {  	s3 =	rddreg [dreg:$0x2];
	[bflag:$0x3] =	sbarrier.arrive $0xFFFF;
	s2 =	simm.s32 @!p0 $0x1C01  }
0x58: {  	[timem:s3], [sflag:s2] =	dma.local @!p0 [hbm:s0], s1  }
0x59: {  	s0 =	simm.s32 @!p0 $0x1  }
0x5a: {  	_ =	swait.ge @!p0 [sflag:s0], s1  }
0x5b: {  	s1 =	ssub.s32 @!p0 $0x0, s1;
	[sflag:s0] =	ssyncset.done @!p0 $0x0  }
0x5c: {  	[sflag:s0] =	ssyncadd.s32 @!p0 s1  }
0x5d: {  	[bflag:$0x3] =	sbarrier.arrive $0xFFFF  }
0x5e: {  	_ =	shalt  }

</sc_bundles>
